<compile_context>
chip_gen: v7x
topology: tpu7x:2x2x1
jax: 0.10.2.dev20260603
libtpu: 0.0.44.dev20260713+nightly
codegen_flags: <defaults>
</compile_context>

<pallas_src>
import jax
import jax.numpy as jnp
from jax import lax
from jax.experimental import pallas as pl
from jax.experimental.pallas import tpu as pltpu
from jax.experimental.pallas import tpu_sc as plsc

NC = 2
NS = 16
NW = NC * NS
LANE = 128
CHUNK = 8
F = 4

NPAD = 102400
RPW = 784
EPAD = NW * RPW * LANE
SLICE = NPAD // NS
NODES_W = NPAD // NW
ROWS_W = NODES_W * F // LANE
PACK = NPAD * F // LANE


def _sc_mesh():
    return plsc.VectorSubcoreMesh(core_axis_name="c", subcore_axis_name="s")


_SC_PARAMS = pltpu.CompilerParams(use_tc_tiling_on_sc=False)
_SC_EW_PARAMS = pltpu.CompilerParams(use_tc_tiling_on_sc=False,
                                     needs_layout_passes=False)


def _worker_ids():
    cid = lax.axis_index("c")
    sid = lax.axis_index("s")
    return cid, sid, sid * NC + cid


def _zero_acc(zeros_h, acc, sid):
    sl = pl.ds(sid * SLICE, SLICE)
    pltpu.sync_copy(zeros_h.at[sl], acc.at[sl])


def _copy_out(acc, out_h, cid, sid):
    sl = pl.ds(sid * SLICE, SLICE)
    pltpu.sync_copy(acc.at[sl], out_h.at[cid].at[sl])


def _rsqrt16(v):
    i = plsc.bitcast(v, jnp.int32)
    i = jnp.int32(0x5F3759DF) - lax.shift_right_arithmetic(i, 1)
    y = plsc.bitcast(i, jnp.float32)
    for _ in range(3):
        y = y * (1.5 - 0.5 * v * y * y)
    return y



def _deg_kernel(ones_h, dst_h, zeros_h, out_h, acc, idx_d, ones_v, sem_i, sem_s):
    cid, sid, wid = _worker_ids()
    _zero_acc(zeros_h, acc, sid)
    pltpu.sync_copy(ones_h, ones_v)
    plsc.subcore_barrier()

    @pl.loop(0, RPW, step=CHUNK)
    def _(i):
        pltpu.async_copy(dst_h.at[wid].at[pl.ds(i, CHUNK)], idx_d, sem_i).wait()
        adds = [
            pltpu.async_copy(ones_v, acc.at[idx_d.at[j]], sem_s, add=True)
            for j in range(CHUNK)
        ]
        for a in adds:
            a.wait()

    plsc.subcore_barrier()
    _copy_out(acc, out_h, cid, sid)


def _agg_kernel(table_h, src_h, dst_h, zeros_h, out_h,
                acc, idx_s, idx_d, rows, sem_i, sem_g, sem_s):
    cid, sid, wid = _worker_ids()
    _zero_acc(zeros_h, acc, sid)
    plsc.subcore_barrier()

    @pl.loop(0, RPW, step=CHUNK)
    def _(i):
        ci = pltpu.async_copy(src_h.at[wid].at[pl.ds(i, CHUNK)], idx_s, sem_i)
        cj = pltpu.async_copy(dst_h.at[wid].at[pl.ds(i, CHUNK)], idx_d, sem_i)
        ci.wait()
        cj.wait()
        gets = [
            pltpu.async_copy(table_h.at[idx_s.at[j]], rows.at[j], sem_g)
            for j in range(CHUNK)
        ]
        for g in gets:
            g.wait()
        adds = [
            pltpu.async_copy(rows.at[j], acc.at[idx_d.at[j]], sem_s, add=True)
            for j in range(CHUNK)
        ]
        for a in adds:
            a.wait()

    plsc.subcore_barrier()
    _copy_out(acc, out_h, cid, sid)


def _sc_degree(dst3, zeros, ones):
    kern = pl.kernel(
        _deg_kernel,
        out_type=jax.ShapeDtypeStruct((NC, NPAD, F), jnp.float32),
        mesh=_sc_mesh(),
        scratch_types=[
            pltpu.VMEM_SHARED((NPAD, F), jnp.float32),
            pltpu.VMEM((CHUNK, LANE), jnp.int32),
            pltpu.VMEM((LANE, F), jnp.float32),
            pltpu.SemaphoreType.DMA,
            pltpu.SemaphoreType.DMA,
        ],
        compiler_params=_SC_PARAMS,
    )
    return kern(ones, dst3, zeros)


def _sc_aggregate(table, src3, dst3, zeros):
    kern = pl.kernel(
        _agg_kernel,
        out_type=jax.ShapeDtypeStruct((NC, NPAD, F), jnp.float32),
        mesh=_sc_mesh(),
        scratch_types=[
            pltpu.VMEM_SHARED((NPAD, F), jnp.float32),
            pltpu.VMEM((CHUNK, LANE), jnp.int32),
            pltpu.VMEM((CHUNK, LANE), jnp.int32),
            pltpu.VMEM((CHUNK, LANE, F), jnp.float32),
            pltpu.SemaphoreType.DMA,
            pltpu.SemaphoreType.DMA,
            pltpu.SemaphoreType.DMA,
        ],
        compiler_params=_SC_PARAMS,
    )
    return kern(table, src3, dst3, zeros)



def _ew_loop(body):
    @pl.loop(0, ROWS_W)
    def _(r):
        @pl.loop(0, LANE, step=16)
        def _(c):
            body(r, pl.ds(c, 16))


def _prescale_kernel(deg_h, x_h, y1_h, d4_h, deg0_v, deg1_v, x_v,
                     y1_v, d4_v, sem):
    _, _, wid = _worker_ids()
    sl = pl.ds(wid * ROWS_W, ROWS_W)
    c0 = pltpu.async_copy(deg_h.at[0].at[sl], deg0_v, sem)
    c1 = pltpu.async_copy(deg_h.at[1].at[sl], deg1_v, sem)
    c2 = pltpu.async_copy(x_h.at[sl], x_v, sem)
    c0.wait()
    c1.wait()
    c2.wait()

    def body(r, cs):
        deg = deg0_v[r, cs] + deg1_v[r, cs] + 1.0
        d = _rsqrt16(deg)
        d4_v[r, cs] = d
        y1_v[r, cs] = x_v[r, cs] * d

    _ew_loop(body)
    o0 = pltpu.async_copy(y1_v, y1_h.at[sl], sem)
    o1 = pltpu.async_copy(d4_v, d4_h.at[sl], sem)
    o0.wait()
    o1.wait()


def _sc_prescale(deg_parts_r, x_r):
    kern = pl.kernel(
        _prescale_kernel,
        out_type=[
            jax.ShapeDtypeStruct((PACK, LANE), jnp.float32),
            jax.ShapeDtypeStruct((PACK, LANE), jnp.float32),
        ],
        mesh=_sc_mesh(),
        scratch_types=[
            pltpu.VMEM((ROWS_W, LANE), jnp.float32),
            pltpu.VMEM((ROWS_W, LANE), jnp.float32),
            pltpu.VMEM((ROWS_W, LANE), jnp.float32),
            pltpu.VMEM((ROWS_W, LANE), jnp.float32),
            pltpu.VMEM((ROWS_W, LANE), jnp.float32),
            pltpu.SemaphoreType.DMA,
        ],
        compiler_params=_SC_PARAMS,
    )
    return kern(deg_parts_r, x_r)


def _midelem_kernel(a1_h, x_h, d4_h, pre_h, a0_v, a1_v, x_v, d4_v, pre_v, sem):
    _, _, wid = _worker_ids()
    sl = pl.ds(wid * ROWS_W, ROWS_W)
    cs = [pltpu.async_copy(a1_h.at[0].at[sl], a0_v, sem),
          pltpu.async_copy(a1_h.at[1].at[sl], a1_v, sem),
          pltpu.async_copy(x_h.at[sl], x_v, sem),
          pltpu.async_copy(d4_h.at[sl], d4_v, sem)]
    for c in cs:
        c.wait()

    def body(r, s):
        d = d4_v[r, s]
        pre_v[r, s] = (a0_v[r, s] + a1_v[r, s]) * d + x_v[r, s] * (d * d)

    _ew_loop(body)
    pltpu.async_copy(pre_v, pre_h.at[sl], sem).wait()


def _sc_midelem(a1_parts_r, x_r, d4):
    kern = pl.kernel(
        _midelem_kernel,
        out_type=jax.ShapeDtypeStruct((PACK, LANE), jnp.float32),
        mesh=_sc_mesh(),
        scratch_types=[
            pltpu.VMEM((ROWS_W, LANE), jnp.float32),
            pltpu.VMEM((ROWS_W, LANE), jnp.float32),
            pltpu.VMEM((ROWS_W, LANE), jnp.float32),
            pltpu.VMEM((ROWS_W, LANE), jnp.float32),
            pltpu.VMEM((ROWS_W, LANE), jnp.float32),
            pltpu.SemaphoreType.DMA,
        ],
        compiler_params=_SC_PARAMS,
    )
    return kern(a1_parts_r, x_r, d4)


def _final_kernel(a2_h, y2_h, d4_h, b2_h, out_h,
                  a0_v, a1_v, y2_v, d4_v, t_v, o_v, b2_v, sem):
    _, _, wid = _worker_ids()
    sl = pl.ds(wid * ROWS_W, ROWS_W)
    cs = [pltpu.async_copy(a2_h.at[0].at[sl], a0_v, sem),
          pltpu.async_copy(a2_h.at[1].at[sl], a1_v, sem),
          pltpu.async_copy(y2_h.at[sl], y2_v, sem),
          pltpu.async_copy(d4_h.at[sl], d4_v, sem),
          pltpu.async_copy(b2_h, b2_v, sem)]
    for c in cs:
        c.wait()

    def body(r, s):
        t_v[r, s] = d4_v[r, s] * (a0_v[r, s] + a1_v[r, s] + y2_v[r, s])

    _ew_loop(body)

    bias = b2_v[...]
    lanes = lax.iota(jnp.int32, 16) * 4

    @pl.loop(0, NODES_W, step=16)
    def _(n):
        r = n // 32
        c = (n % 32) * 4
        v = plsc.load_gather(t_v, [jnp.full((16,), r, jnp.int32),
                                   lanes + c])
        z = v + bias
        o_v[pl.ds(n, 16)] = 1.0 / (1.0 + jnp.exp(-z))

    pltpu.async_copy(o_v, out_h.at[pl.ds(wid * NODES_W, NODES_W)], sem).wait()


def _sc_final(a2_parts_r, y2_r, d4, b2x):
    kern = pl.kernel(
        _final_kernel,
        out_type=jax.ShapeDtypeStruct((NPAD,), jnp.float32),
        mesh=_sc_mesh(),
        scratch_types=[
            pltpu.VMEM((ROWS_W, LANE), jnp.float32),
            pltpu.VMEM((ROWS_W, LANE), jnp.float32),
            pltpu.VMEM((ROWS_W, LANE), jnp.float32),
            pltpu.VMEM((ROWS_W, LANE), jnp.float32),
            pltpu.VMEM((ROWS_W, LANE), jnp.float32),
            pltpu.VMEM((NODES_W,), jnp.float32),
            pltpu.VMEM((16,), jnp.float32),
            pltpu.SemaphoreType.DMA,
        ],
        compiler_params=_SC_EW_PARAMS,
    )
    return kern(a2_parts_r, y2_r, d4, b2x)



TC_BLK = 800


def _tc_mid_body(pre, d4, w1b, b1b, w2b, y2_out):
    h = jnp.dot(pre[...], w1b[...], preferred_element_type=jnp.float32)
    h = jnp.maximum(h + b1b[...], 0.0)
    s4 = jnp.dot(h, w2b[...], preferred_element_type=jnp.float32)
    y2_out[...] = s4 * d4[...]


def _tc_mid(pre, d4, W1, b1, W2):
    eye = jnp.eye(32, dtype=jnp.float32)
    w1b = jnp.kron(eye, W1)
    b1b = jnp.tile(b1, 32).reshape(1, 2048)
    w2b = jnp.kron(eye, jnp.broadcast_to(W2, (64, 4)))
    grid = PACK // TC_BLK
    blk = pl.BlockSpec((TC_BLK, LANE), lambda i: (i, 0))
    return pl.pallas_call(
        _tc_mid_body,
        grid=(grid,),
        in_specs=[blk, blk,
                  pl.BlockSpec((128, 2048), lambda i: (0, 0)),
                  pl.BlockSpec((1, 2048), lambda i: (0, 0)),
                  pl.BlockSpec((2048, 128), lambda i: (0, 0))],
        out_specs=blk,
        out_shape=jax.ShapeDtypeStruct((PACK, LANE), jnp.float32),
    )(pre, d4, w1b, b1b, w2b)


DEBUG_CUT = None
USE_SC_PRESCALE = True
USE_SC_MID = False
USE_SC_FINAL = False


@jax.jit
def kernel(x, edge_index, W1, b1, W2, b2):
    if DEBUG_CUT is not None:
        return _kernel_hybrid(x, edge_index, W1, b1, W2, b2)
    return _kernel_full(x, edge_index, W1, b1, W2, b2)


def _kernel_hybrid(x, edge_index, W1, b1, W2, b2):
    n = x.shape[0]
    e = edge_index.shape[1]
    e32 = edge_index.astype(jnp.int32)
    fill = jnp.full((EPAD - e,), n, dtype=jnp.int32)
    src3 = jnp.concatenate([e32[0], fill]).reshape(NW, RPW, LANE)
    dst3 = jnp.concatenate([e32[1], fill]).reshape(NW, RPW, LANE)
    x_pad = jnp.zeros((NPAD, F), jnp.float32).at[:n].set(x)
    x_r = x_pad.reshape(PACK, LANE)
    zeros = jnp.zeros((NPAD, F), jnp.float32)
    ones = jnp.ones((LANE, F), jnp.float32)
    b2x = jnp.broadcast_to(b2, (16,)).astype(jnp.float32)

    if DEBUG_CUT >= 1:
        deg_parts = _sc_degree(dst3, zeros, ones)
        deg = deg_parts[0][:, 0:1] + deg_parts[1][:, 0:1] + 1.0
    else:
        deg_edges = jnp.zeros((NPAD,), jnp.float32).at[e32[1]].add(1.0)
        deg = deg_edges[:, None] + 1.0
        deg_parts = jnp.stack([deg_edges[:, None] * jnp.ones((1, F)),
                               jnp.zeros((NPAD, F))])
    if DEBUG_CUT >= 2:
        y1r, d4r = _sc_prescale(deg_parts.reshape(NC, PACK, LANE), x_r)
        d_full = d4r.reshape(NPAD, F)
        y1 = y1r.reshape(NPAD, F)
    else:
        d_full = jnp.broadcast_to(lax.rsqrt(deg), (NPAD, F))
        y1 = x_pad * d_full
    if DEBUG_CUT >= 3:
        a1_parts = _sc_aggregate(y1, src3, dst3, zeros)
        a1 = a1_parts[0] + a1_parts[1]
    else:
        a1 = jnp.zeros((NPAD, F), jnp.float32).at[e32[1]].add(y1[e32[0]])
    pre = a1 * d_full + x_pad * d_full * d_full
    if DEBUG_CUT >= 5:
        pre_r = _sc_midelem(a1_parts.reshape(NC, PACK, LANE), x_r,
                            d_full.reshape(PACK, LANE))
        pre = pre_r.reshape(NPAD, F)
    h1 = jnp.maximum(pre @ W1 + b1, 0.0)
    s = h1 @ W2
    y2 = jnp.broadcast_to(s, (NPAD, F)) * d_full
    if DEBUG_CUT >= 4:
        a2_parts = _sc_aggregate(y2, src3, dst3, zeros)
        a2 = a2_parts[0] + a2_parts[1]
    else:
        a2 = jnp.zeros((NPAD, F), jnp.float32).at[e32[1]].add(y2[e32[0]])
    out = jax.nn.sigmoid(d_full[:, 0:1] * (a2[:, 0:1] + y2[:, 0:1]) + b2)
    return out[:n]


def _kernel_full(x, edge_index, W1, b1, W2, b2):
    n = x.shape[0]
    e = edge_index.shape[1]

    e32 = edge_index.astype(jnp.int32)
    fill = jnp.full((EPAD - e,), n, dtype=jnp.int32)
    src3 = jnp.concatenate([e32[0], fill]).reshape(NW, RPW, LANE)
    dst3 = jnp.concatenate([e32[1], fill]).reshape(NW, RPW, LANE)

    x_pad = jnp.zeros((NPAD, F), jnp.float32).at[:n].set(x)
    x_r = x_pad.reshape(PACK, LANE)
    zeros = jnp.zeros((NPAD, F), jnp.float32)
    ones = jnp.ones((LANE, F), jnp.float32)

    degp2 = _sc_degree(dst3, zeros, ones).reshape(NC * PACK, LANE)
    d4, y1r = _tc_prescale_pk(degp2, x_r)

    a1p2 = _sc_aggregate(y1r.reshape(NPAD, F), src3, dst3, zeros)
    y2r = _tc_mid_pk(a1p2.reshape(NC * PACK, LANE), x_r, d4, W1, b1, W2)

    a2p2 = _sc_aggregate(y2r.reshape(NPAD, F), src3, dst3, zeros)
    outp = _tc_final_pk(a2p2.reshape(NC * PACK, LANE), y2r, d4, b2)
    return outp.reshape(NPAD, 1)[:n]



TC_BLKR = 800


def _tc_prescale_pk_body(deg0, deg1, x, d4_out, y1_out):
    d = lax.rsqrt(deg0[...] + deg1[...] + 1.0)
    d4_out[...] = d
    y1_out[...] = x[...] * d


NBLK = PACK // TC_BLKR


def _part_specs():
    p0 = pl.BlockSpec((TC_BLKR, LANE), lambda i: (i, 0))
    p1 = pl.BlockSpec((TC_BLKR, LANE), lambda i: (i + NBLK, 0))
    return p0, p1


def _tc_prescale_pk(degp2, x_r):
    blk = pl.BlockSpec((TC_BLKR, LANE), lambda i: (i, 0))
    p0, p1 = _part_specs()
    return pl.pallas_call(
        _tc_prescale_pk_body,
        grid=(NBLK,),
        in_specs=[p0, p1, blk],
        out_specs=[blk, blk],
        out_shape=[
            jax.ShapeDtypeStruct((PACK, LANE), jnp.float32),
            jax.ShapeDtypeStruct((PACK, LANE), jnp.float32),
        ],
    )(degp2, degp2, x_r)


def _tc_mid_pk_body(a0, a1, x, d4, w1b, b1b, w2b, y2_out):
    dv = d4[...]
    pre = (a0[...] + a1[...]) * dv + x[...] * (dv * dv)
    h = jnp.dot(pre, w1b[...], preferred_element_type=jnp.float32)
    h = jnp.maximum(h + b1b[...], 0.0)
    s4 = jnp.dot(h, w2b[...], preferred_element_type=jnp.float32)
    y2_out[...] = s4 * dv


def _tc_mid_pk(ap2, x_r, d4, W1, b1, W2):
    eye = jnp.eye(32, dtype=jnp.float32)
    w1b = jnp.kron(eye, W1)
    b1b = jnp.tile(b1, 32).reshape(1, 2048)
    w2b = jnp.kron(eye, jnp.broadcast_to(W2, (64, 4)))
    blk = pl.BlockSpec((TC_BLKR, LANE), lambda i: (i, 0))
    p0, p1 = _part_specs()
    return pl.pallas_call(
        _tc_mid_pk_body,
        grid=(NBLK,),
        in_specs=[p0, p1, blk, blk,
                  pl.BlockSpec((128, 2048), lambda i: (0, 0)),
                  pl.BlockSpec((1, 2048), lambda i: (0, 0)),
                  pl.BlockSpec((2048, 128), lambda i: (0, 0))],
        out_specs=blk,
        out_shape=jax.ShapeDtypeStruct((PACK, LANE), jnp.float32),
    )(ap2, ap2, x_r, d4, w1b, b1b, w2b)


def _tc_final_pk_body(a0, a1, y2, d4, b2, sel, out):
    t = d4[...] * (a0[...] + a1[...] + y2[...]) + b2[...]
    sg = jax.nn.sigmoid(t)
    out[...] = jnp.dot(sg, sel[...], preferred_element_type=jnp.float32)


def _tc_final_pk(ap2, y2r, d4, b2):
    lanes = jnp.arange(32)
    sel = jnp.zeros((128, 32), jnp.float32).at[lanes * 4, lanes].set(1.0)
    blk = pl.BlockSpec((TC_BLKR, LANE), lambda i: (i, 0))
    p0, p1 = _part_specs()
    blko = pl.BlockSpec((TC_BLKR, 32), lambda i: (i, 0))
    return pl.pallas_call(
        _tc_final_pk_body,
        grid=(NBLK,),
        in_specs=[p0, p1, blk, blk,
                  pl.BlockSpec((1, 1), lambda i: (0, 0)),
                  pl.BlockSpec((128, 32), lambda i: (0, 0))],
        out_specs=blko,
        out_shape=jax.ShapeDtypeStruct((PACK, 32), jnp.float32),
    )(ap2, ap2, y2r, d4, b2.reshape(1, 1), sel)

# --- scband reference (transcript-rebuilt; emitter-appended) ---
"""Pipeline reference for scband-gcn-1580547975274 (READ-ONLY COPY).

The authoritative reference and input builder live on the scoring server;
editing this copy changes nothing except your own understanding.
"""

import jax, jax.numpy as jnp
import numpy as np

N_NODES = 100000


def gcn_conv(x, edge_index, W, b, num_nodes):
    # PyG GCNConv: x' = D^{-1/2} (A + I) D^{-1/2} (X W) + b
    x = x @ W
    src = edge_index[0]
    dst = edge_index[1]
    loop = jnp.arange(num_nodes, dtype=edge_index.dtype)
    src = jnp.concatenate([src, loop])
    dst = jnp.concatenate([dst, loop])
    deg = jnp.zeros((num_nodes,), dtype=x.dtype).at[dst].add(1.0)
    deg_inv_sqrt = jnp.where(deg > 0, jax.lax.rsqrt(jnp.maximum(deg, 1e-12)), 0.0)
    norm = deg_inv_sqrt[src] * deg_inv_sqrt[dst]
    msg = x[src] * norm[:, None]
    out = jnp.zeros((num_nodes, x.shape[1]), dtype=x.dtype).at[dst].add(msg)
    return out + b


def setup_inputs(seed: int = 0) -> dict:
    key = jax.random.key(seed)
    k_x, k_e, k_w1, k_b1, k_w2, k_b2 = jax.random.split(key, 6)
    x = jax.random.normal(k_x, (N_NODES, 4), dtype=jnp.float32)
    edge_index = jax.random.randint(k_e, (2, 3200000), 0, N_NODES, dtype=jnp.int64)
    W1 = jax.random.normal(k_w1, (4, 64), dtype=jnp.float32) * (1.0 / np.sqrt(4))
    b1 = jnp.zeros((64,), dtype=jnp.float32)
    W2 = jax.random.normal(k_w2, (64, 1), dtype=jnp.float32) * (1.0 / np.sqrt(64))
    b2 = jnp.zeros((1,), dtype=jnp.float32)
    return {"x": x, "edge_index": edge_index, "W1": W1, "b1": b1, "W2": W2, "b2": b2}


def reference(x, edge_index, W1, b1, W2, b2):
    num_nodes = x.shape[0]
    h = gcn_conv(x, edge_index, W1, b1, num_nodes)
    h = jax.nn.relu(h)
    # dropout is identity in eval mode (training=False)
    h = gcn_conv(h, edge_index, W2, b2, num_nodes)
    final = jnp.concatenate([h], axis=1)
    return jax.nn.sigmoid(final)

if __name__ == "__main__":
    import jax
    _d = setup_inputs()
    print(jax.jit(kernel)(*tuple(_d.values())))

</pallas_src>

<mosaic_0001>
#map = affine_map<(d0, d1) -> (0, 0)>
#map1 = affine_map<(d0, d1) -> (0, 0, 0)>
module attributes {stable_mosaic.version = 14 : i64} {
  func.func @_deg_kernel(%arg0: i32, %arg1: i32, %arg2: memref<128x4xf32, #tpu.memory_space<hbm>>, %arg3: memref<32x784x128xi32, #tpu.memory_space<hbm>>, %arg4: memref<102400x4xf32, #tpu.memory_space<hbm>>, %arg5: memref<2x102400x4xf32, #tpu.memory_space<hbm>>, %arg6: memref<102400x4xf32, #tpu.memory_space<vmem_shared>>, %arg7: memref<8x128xi32, #tpu.memory_space<vmem>>, %arg8: memref<128x4xf32, #tpu.memory_space<vmem>>, %arg9: memref<!tpu.dma_semaphore, #tpu.memory_space<semaphore_mem>>, %arg10: memref<!tpu.dma_semaphore, #tpu.memory_space<semaphore_mem>>) attributes {dimension_semantics = [#tpu.dimension_semantics<core_parallel>, #tpu.dimension_semantics<subcore_parallel>], iteration_bounds = array<i64: 2, 16>, scalar_prefetch = 0 : i64, scratch_operands = 5 : i64, tpu.core_type = #tpu.core_type<sc_vector_subcore>, window_params = [{transform_indices = #map}, {transform_indices = #map1}, {transform_indices = #map}, {transform_indices = #map1}]} {
    %mul3A = arith.constant 2 : i32
    %mul3A_0 = arith.muli %arg1, %mul3A : i32
    %add3A = arith.addi %mul3A_0, %arg0 : i32
    %mul3A_1 = arith.constant 6400 : i32
    %mul3A_2 = arith.muli %arg1, %mul3A_1 : i32
    "tpu.region"() ({
      %run_scoped3A = tpu.sem_alloc : memref<!tpu.dma_semaphore, #tpu.memory_space<semaphore_mem>>
      %dma_start3A = arith.constant 0 : i32
      %dma_start3A_10 = tpu.memref_slice %arg6[%mul3A_2, %dma_start3A] : memref<102400x4xf32, #tpu.memory_space<vmem_shared>> -> memref<6400x4xf32, #tpu.memory_space<vmem_shared>>
      %dma_start3A_11 = arith.constant 0 : i32
      %dma_start3A_12 = tpu.memref_slice %arg4[%mul3A_2, %dma_start3A_11] : memref<102400x4xf32, #tpu.memory_space<hbm>> -> memref<6400x4xf32, #tpu.memory_space<hbm>>
      tpu.enqueue_dma source(%dma_start3A_12 : memref<6400x4xf32, #tpu.memory_space<hbm>>) target(%dma_start3A_10 : memref<6400x4xf32, #tpu.memory_space<vmem_shared>>) target_semaphore(%run_scoped3A : memref<!tpu.dma_semaphore, #tpu.memory_space<semaphore_mem>>)
      %dma_wait3A = arith.constant 0 : i32
      %dma_wait3A_13 = tpu.memref_slice %arg6[%mul3A_2, %dma_wait3A] : memref<102400x4xf32, #tpu.memory_space<vmem_shared>> -> memref<6400x4xf32, #tpu.memory_space<vmem_shared>>
      %dma_wait3A_14 = arith.constant 0 : i32
      %dma_wait3A_15 = tpu.memref_slice %arg4[%mul3A_2, %dma_wait3A_14] : memref<102400x4xf32, #tpu.memory_space<hbm>> -> memref<6400x4xf32, #tpu.memory_space<hbm>>
      tpu.wait_dma2 semaphore(%run_scoped3A : memref<!tpu.dma_semaphore, #tpu.memory_space<semaphore_mem>>) src(%dma_wait3A_15 : memref<6400x4xf32, #tpu.memory_space<hbm>>) dst(%dma_wait3A_13 : memref<6400x4xf32, #tpu.memory_space<vmem_shared>>)
      tpu.yield
    }) : () -> ()
    "tpu.region"() ({
      %run_scoped3A = tpu.sem_alloc : memref<!tpu.dma_semaphore, #tpu.memory_space<semaphore_mem>>
      tpu.enqueue_dma source(%arg2 : memref<128x4xf32, #tpu.memory_space<hbm>>) target(%arg8 : memref<128x4xf32, #tpu.memory_space<vmem>>) target_semaphore(%run_scoped3A : memref<!tpu.dma_semaphore, #tpu.memory_space<semaphore_mem>>)
      tpu.wait_dma2 semaphore(%run_scoped3A : memref<!tpu.dma_semaphore, #tpu.memory_space<semaphore_mem>>) src(%arg2 : memref<128x4xf32, #tpu.memory_space<hbm>>) dst(%arg8 : memref<128x4xf32, #tpu.memory_space<vmem>>)
      tpu.yield
    }) : () -> ()
    %barrier3A = arith.constant 0 : index
    tpu.barrier barrier_id(%barrier3A)
    %scan3A = arith.constant 0 : i32
    %scan3A_3 = arith.constant 98 : i32
    %scan3A_4 = arith.addi %scan3A, %scan3A_3 : i32
    %scan3A_5 = arith.constant 1 : i32
    scf.for %scan3A_10 = %scan3A to %scan3A_4 step %scan3A_5  : i32 {
      %mul3A_11 = arith.constant 8 : i32
      %mul3A_12 = arith.muli %scan3A_10, %mul3A_11 : i32
      %add3A_13 = arith.constant 0 : i32
      %add3A_14 = arith.addi %add3A_13, %mul3A_12 : i32
      %dma_start3A = arith.constant 0 : i32
      %dma_start3A_15 = arith.constant 0 : i32
      %dma_start3A_16 = tpu.memref_slice %arg3[%add3A, %dma_start3A, %dma_start3A_15] : memref<32x784x128xi32, #tpu.memory_space<hbm>> -> memref<1x784x128xi32, #tpu.memory_space<hbm>>
      %dma_start3A_17 = tpu.memref_squeeze %dma_start3A_16 : memref<1x784x128xi32, #tpu.memory_space<hbm>> -> memref<784x128xi32, #tpu.memory_space<hbm>>
      %dma_start3A_18 = arith.constant 0 : i32
      %dma_start3A_19 = tpu.memref_slice %dma_start3A_17[%add3A_14, %dma_start3A_18] : memref<784x128xi32, #tpu.memory_space<hbm>> -> memref<8x128xi32, #tpu.memory_space<hbm>>
      %dma_start3A_20 = arith.constant 0 : i32
      %dma_start3A_21 = arith.constant 0 : i32
      %dma_start3A_22 = tpu.memref_slice %arg3[%add3A, %dma_start3A_20, %dma_start3A_21] : memref<32x784x128xi32, #tpu.memory_space<hbm>> -> memref<1x784x128xi32, #tpu.memory_space<hbm>>
      %dma_start3A_23 = tpu.memref_squeeze %dma_start3A_22 : memref<1x784x128xi32, #tpu.memory_space<hbm>> -> memref<784x128xi32, #tpu.memory_space<hbm>>
      %dma_start3A_24 = arith.constant 0 : i32
      %dma_start3A_25 = tpu.memref_slice %dma_start3A_23[%add3A_14, %dma_start3A_24] : memref<784x128xi32, #tpu.memory_space<hbm>> -> memref<8x128xi32, #tpu.memory_space<hbm>>
      tpu.enqueue_dma source(%dma_start3A_25 : memref<8x128xi32, #tpu.memory_space<hbm>>) target(%arg7 : memref<8x128xi32, #tpu.memory_space<vmem>>) target_semaphore(%arg9 : memref<!tpu.dma_semaphore, #tpu.memory_space<semaphore_mem>>)
      %dma_wait3A = arith.constant 0 : i32
      %dma_wait3A_26 = arith.constant 0 : i32
      %dma_wait3A_27 = tpu.memref_slice %arg3[%add3A, %dma_wait3A, %dma_wait3A_26] : memref<32x784x128xi32, #tpu.memory_space<hbm>> -> memref<1x784x128xi32, #tpu.memory_space<hbm>>
      %dma_wait3A_28 = tpu.memref_squeeze %dma_wait3A_27 : memref<1x784x128xi32, #tpu.memory_space<hbm>> -> memref<784x128xi32, #tpu.memory_space<hbm>>
      %dma_wait3A_29 = arith.constant 0 : i32
      %dma_wait3A_30 = tpu.memref_slice %dma_wait3A_28[%add3A_14, %dma_wait3A_29] : memref<784x128xi32, #tpu.memory_space<hbm>> -> memref<8x128xi32, #tpu.memory_space<hbm>>
      %dma_wait3A_31 = arith.constant 0 : i32
      %dma_wait3A_32 = arith.constant 0 : i32
      %dma_wait3A_33 = tpu.memref_slice %arg3[%add3A, %dma_wait3A_31, %dma_wait3A_32] : memref<32x784x128xi32, #tpu.memory_space<hbm>> -> memref<1x784x128xi32, #tpu.memory_space<hbm>>
      %dma_wait3A_34 = tpu.memref_squeeze %dma_wait3A_33 : memref<1x784x128xi32, #tpu.memory_space<hbm>> -> memref<784x128xi32, #tpu.memory_space<hbm>>
      %dma_wait3A_35 = arith.constant 0 : i32
      %dma_wait3A_36 = tpu.memref_slice %dma_wait3A_34[%add3A_14, %dma_wait3A_35] : memref<784x128xi32, #tpu.memory_space<hbm>> -> memref<8x128xi32, #tpu.memory_space<hbm>>
      tpu.wait_dma2 semaphore(%arg9 : memref<!tpu.dma_semaphore, #tpu.memory_space<semaphore_mem>>) src(%dma_wait3A_36 : memref<8x128xi32, #tpu.memory_space<hbm>>) dst(%arg7 : memref<8x128xi32, #tpu.memory_space<vmem>>)
      %dma_start3A_37 = arith.constant 0 : i32
      %dma_start3A_38 = arith.constant 0 : i32
      %dma_start3A_39 = tpu.memref_slice %arg7[%dma_start3A_37, %dma_start3A_38] : memref<8x128xi32, #tpu.memory_space<vmem>> -> memref<1x128xi32, #tpu.memory_space<vmem>>
      %dma_start3A_40 = tpu.memref_squeeze %dma_start3A_39 : memref<1x128xi32, #tpu.memory_space<vmem>> -> memref<128xi32, #tpu.memory_space<vmem>>
      %dma_start3A_41 = arith.constant 0 : i32
      %dma_start3A_42 = arith.constant 0 : i32
      %dma_start3A_43 = tpu.memref_slice %arg6[%dma_start3A_41, %dma_start3A_42] : memref<102400x4xf32, #tpu.memory_space<vmem_shared>> -> memref<102400x4xf32, #tpu.memory_space<vmem_shared>>
      tpu.enqueue_indirect_dma source(%arg8 : memref<128x4xf32, #tpu.memory_space<vmem>>) target(%dma_start3A_43 : memref<102400x4xf32, #tpu.memory_space<vmem_shared>>) offsets(%dma_start3A_40 : memref<128xi32, #tpu.memory_space<vmem>>) semaphore(%arg10 : memref<!tpu.dma_semaphore, #tpu.memory_space<semaphore_mem>>) {add = true}
      %dma_start3A_44 = arith.constant 1 : i32
      %dma_start3A_45 = arith.constant 0 : i32
      %dma_start3A_46 = tpu.memref_slice %arg7[%dma_start3A_44, %dma_start3A_45] : memref<8x128xi32, #tpu.memory_space<vmem>> -> memref<1x128xi32, #tpu.memory_space<vmem>>
      %dma_start3A_47 = tpu.memref_squeeze %dma_start3A_46 : memref<1x128xi32, #tpu.memory_space<vmem>> -> memref<128xi32, #tpu.memory_space<vmem>>
      %dma_start3A_48 = arith.constant 0 : i32
      %dma_start3A_49 = arith.constant 0 : i32
      %dma_start3A_50 = tpu.memref_slice %arg6[%dma_start3A_48, %dma_start3A_49] : memref<102400x4xf32, #tpu.memory_space<vmem_shared>> -> memref<102400x4xf32, #tpu.memory_space<vmem_shared>>
      tpu.enqueue_indirect_dma source(%arg8 : memref<128x4xf32, #tpu.memory_space<vmem>>) target(%dma_start3A_50 : memref<102400x4xf32, #tpu.memory_space<vmem_shared>>) offsets(%dma_start3A_47 : memref<128xi32, #tpu.memory_space<vmem>>) semaphore(%arg10 : memref<!tpu.dma_semaphore, #tpu.memory_space<semaphore_mem>>) {add = true}
      %dma_start3A_51 = arith.constant 2 : i32
      %dma_start3A_52 = arith.constant 0 : i32
      %dma_start3A_53 = tpu.memref_slice %arg7[%dma_start3A_51, %dma_start3A_52] : memref<8x128xi32, #tpu.memory_space<vmem>> -> memref<1x128xi32, #tpu.memory_space<vmem>>
      %dma_start3A_54 = tpu.memref_squeeze %dma_start3A_53 : memref<1x128xi32, #tpu.memory_space<vmem>> -> memref<128xi32, #tpu.memory_space<vmem>>
      %dma_start3A_55 = arith.constant 0 : i32
      %dma_start3A_56 = arith.constant 0 : i32
      %dma_start3A_57 = tpu.memref_slice %arg6[%dma_start3A_55, %dma_start3A_56] : memref<102400x4xf32, #tpu.memory_space<vmem_shared>> -> memref<102400x4xf32, #tpu.memory_space<vmem_shared>>
      tpu.enqueue_indirect_dma source(%arg8 : memref<128x4xf32, #tpu.memory_space<vmem>>) target(%dma_start3A_57 : memref<102400x4xf32, #tpu.memory_space<vmem_shared>>) offsets(%dma_start3A_54 : memref<128xi32, #tpu.memory_space<vmem>>) semaphore(%arg10 : memref<!tpu.dma_semaphore, #tpu.memory_space<semaphore_mem>>) {add = true}
      %dma_start3A_58 = arith.constant 3 : i32
      %dma_start3A_59 = arith.constant 0 : i32
      %dma_start3A_60 = tpu.memref_slice %arg7[%dma_start3A_58, %dma_start3A_59] : memref<8x128xi32, #tpu.memory_space<vmem>> -> memref<1x128xi32, #tpu.memory_space<vmem>>
      %dma_start3A_61 = tpu.memref_squeeze %dma_start3A_60 : memref<1x128xi32, #tpu.memory_space<vmem>> -> memref<128xi32, #tpu.memory_space<vmem>>
      %dma_start3A_62 = arith.constant 0 : i32
      %dma_start3A_63 = arith.constant 0 : i32
      %dma_start3A_64 = tpu.memref_slice %arg6[%dma_start3A_62, %dma_start3A_63] : memref<102400x4xf32, #tpu.memory_space<vmem_shared>> -> memref<102400x4xf32, #tpu.memory_space<vmem_shared>>
      tpu.enqueue_indirect_dma source(%arg8 : memref<128x4xf32, #tpu.memory_space<vmem>>) target(%dma_start3A_64 : memref<102400x4xf32, #tpu.memory_space<vmem_shared>>) offsets(%dma_start3A_61 : memref<128xi32, #tpu.memory_space<vmem>>) semaphore(%arg10 : memref<!tpu.dma_semaphore, #tpu.memory_space<semaphore_mem>>) {add = true}
      %dma_start3A_65 = arith.constant 4 : i32
      %dma_start3A_66 = arith.constant 0 : i32
      %dma_start3A_67 = tpu.memref_slice %arg7[%dma_start3A_65, %dma_start3A_66] : memref<8x128xi32, #tpu.memory_space<vmem>> -> memref<1x128xi32, #tpu.memory_space<vmem>>
      %dma_start3A_68 = tpu.memref_squeeze %dma_start3A_67 : memref<1x128xi32, #tpu.memory_space<vmem>> -> memref<128xi32, #tpu.memory_space<vmem>>
      %dma_start3A_69 = arith.constant 0 : i32
      %dma_start3A_70 = arith.constant 0 : i32
      %dma_start3A_71 = tpu.memref_slice %arg6[%dma_start3A_69, %dma_start3A_70] : memref<102400x4xf32, #tpu.memory_space<vmem_shared>> -> memref<102400x4xf32, #tpu.memory_space<vmem_shared>>
      tpu.enqueue_indirect_dma source(%arg8 : memref<128x4xf32, #tpu.memory_space<vmem>>) target(%dma_start3A_71 : memref<102400x4xf32, #tpu.memory_space<vmem_shared>>) offsets(%dma_start3A_68 : memref<128xi32, #tpu.memory_space<vmem>>) semaphore(%arg10 : memref<!tpu.dma_semaphore, #tpu.memory_space<semaphore_mem>>) {add = true}
      %dma_start3A_72 = arith.constant 5 : i32
      %dma_start3A_73 = arith.constant 0 : i32
      %dma_start3A_74 = tpu.memref_slice %arg7[%dma_start3A_72, %dma_start3A_73] : memref<8x128xi32, #tpu.memory_space<vmem>> -> memref<1x128xi32, #tpu.memory_space<vmem>>
      %dma_start3A_75 = tpu.memref_squeeze %dma_start3A_74 : memref<1x128xi32, #tpu.memory_space<vmem>> -> memref<128xi32, #tpu.memory_space<vmem>>
      %dma_start3A_76 = arith.constant 0 : i32
      %dma_start3A_77 = arith.constant 0 : i32
      %dma_start3A_78 = tpu.memref_slice %arg6[%dma_start3A_76, %dma_start3A_77] : memref<102400x4xf32, #tpu.memory_space<vmem_shared>> -> memref<102400x4xf32, #tpu.memory_space<vmem_shared>>
      tpu.enqueue_indirect_dma source(%arg8 : memref<128x4xf32, #tpu.memory_space<vmem>>) target(%dma_start3A_78 : memref<102400x4xf32, #tpu.memory_space<vmem_shared>>) offsets(%dma_start3A_75 : memref<128xi32, #tpu.memory_space<vmem>>) semaphore(%arg10 : memref<!tpu.dma_semaphore, #tpu.memory_space<semaphore_mem>>) {add = true}
      %dma_start3A_79 = arith.constant 6 : i32
      %dma_start3A_80 = arith.constant 0 : i32
      %dma_start3A_81 = tpu.memref_slice %arg7[%dma_start3A_79, %dma_start3A_80] : memref<8x128xi32, #tpu.memory_space<vmem>> -> memref<1x128xi32, #tpu.memory_space<vmem>>
      %dma_start3A_82 = tpu.memref_squeeze %dma_start3A_81 : memref<1x128xi32, #tpu.memory_space<vmem>> -> memref<128xi32, #tpu.memory_space<vmem>>
      %dma_start3A_83 = arith.constant 0 : i32
      %dma_start3A_84 = arith.constant 0 : i32
      %dma_start3A_85 = tpu.memref_slice %arg6[%dma_start3A_83, %dma_start3A_84] : memref<102400x4xf32, #tpu.memory_space<vmem_shared>> -> memref<102400x4xf32, #tpu.memory_space<vmem_shared>>
      tpu.enqueue_indirect_dma source(%arg8 : memref<128x4xf32, #tpu.memory_space<vmem>>) target(%dma_start3A_85 : memref<102400x4xf32, #tpu.memory_space<vmem_shared>>) offsets(%dma_start3A_82 : memref<128xi32, #tpu.memory_space<vmem>>) semaphore(%arg10 : memref<!tpu.dma_semaphore, #tpu.memory_space<semaphore_mem>>) {add = true}
      %dma_start3A_86 = arith.constant 7 : i32
      %dma_start3A_87 = arith.constant 0 : i32
      %dma_start3A_88 = tpu.memref_slice %arg7[%dma_start3A_86, %dma_start3A_87] : memref<8x128xi32, #tpu.memory_space<vmem>> -> memref<1x128xi32, #tpu.memory_space<vmem>>
      %dma_start3A_89 = tpu.memref_squeeze %dma_start3A_88 : memref<1x128xi32, #tpu.memory_space<vmem>> -> memref<128xi32, #tpu.memory_space<vmem>>
      %dma_start3A_90 = arith.constant 0 : i32
      %dma_start3A_91 = arith.constant 0 : i32
      %dma_start3A_92 = tpu.memref_slice %arg6[%dma_start3A_90, %dma_start3A_91] : memref<102400x4xf32, #tpu.memory_space<vmem_shared>> -> memref<102400x4xf32, #tpu.memory_space<vmem_shared>>
      tpu.enqueue_indirect_dma source(%arg8 : memref<128x4xf32, #tpu.memory_space<vmem>>) target(%dma_start3A_92 : memref<102400x4xf32, #tpu.memory_space<vmem_shared>>) offsets(%dma_start3A_89 : memref<128xi32, #tpu.memory_space<vmem>>) semaphore(%arg10 : memref<!tpu.dma_semaphore, #tpu.memory_space<semaphore_mem>>) {add = true}
      %dma_wait3A_93 = arith.constant 0 : i32
      %dma_wait3A_94 = arith.constant 0 : i32
      %dma_wait3A_95 = tpu.memref_slice %arg7[%dma_wait3A_93, %dma_wait3A_94] : memref<8x128xi32, #tpu.memory_space<vmem>> -> memref<1x128xi32, #tpu.memory_space<vmem>>
      %dma_wait3A_96 = tpu.memref_squeeze %dma_wait3A_95 : memref<1x128xi32, #tpu.memory_space<vmem>> -> memref<128xi32, #tpu.memory_space<vmem>>
      %dma_wait3A_97 = arith.constant 0 : i32
      %dma_wait3A_98 = arith.constant 0 : i32
      %dma_wait3A_99 = tpu.memref_slice %arg6[%dma_wait3A_97, %dma_wait3A_98] : memref<102400x4xf32, #tpu.memory_space<vmem_shared>> -> memref<102400x4xf32, #tpu.memory_space<vmem_shared>>
      tpu.wait_indirect_dma semaphore(%arg10 : memref<!tpu.dma_semaphore, #tpu.memory_space<semaphore_mem>>) src(%arg8 : memref<128x4xf32, #tpu.memory_space<vmem>>) dst(%dma_wait3A_99 : memref<102400x4xf32, #tpu.memory_space<vmem_shared>>)
      %dma_wait3A_100 = arith.constant 1 : i32
      %dma_wait3A_101 = arith.constant 0 : i32
      %dma_wait3A_102 = tpu.memref_slice %arg7[%dma_wait3A_100, %dma_wait3A_101] : memref<8x128xi32, #tpu.memory_space<vmem>> -> memref<1x128xi32, #tpu.memory_space<vmem>>
      %dma_wait3A_103 = tpu.memref_squeeze %dma_wait3A_102 : memref<1x128xi32, #tpu.memory_space<vmem>> -> memref<128xi32, #tpu.memory_space<vmem>>
      %dma_wait3A_104 = arith.constant 0 : i32
      %dma_wait3A_105 = arith.constant 0 : i32
      %dma_wait3A_106 = tpu.memref_slice %arg6[%dma_wait3A_104, %dma_wait3A_105] : memref<102400x4xf32, #tpu.memory_space<vmem_shared>> -> memref<102400x4xf32, #tpu.memory_space<vmem_shared>>
      tpu.wait_indirect_dma semaphore(%arg10 : memref<!tpu.dma_semaphore, #tpu.memory_space<semaphore_mem>>) src(%arg8 : memref<128x4xf32, #tpu.memory_space<vmem>>) dst(%dma_wait3A_106 : memref<102400x4xf32, #tpu.memory_space<vmem_shared>>)
      %dma_wait3A_107 = arith.constant 2 : i32
      %dma_wait3A_108 = arith.constant 0 : i32
      %dma_wait3A_109 = tpu.memref_slice %arg7[%dma_wait3A_107, %dma_wait3A_108] : memref<8x128xi32, #tpu.memory_space<vmem>> -> memref<1x128xi32, #tpu.memory_space<vmem>>
      %dma_wait3A_110 = tpu.memref_squeeze %dma_wait3A_109 : memref<1x128xi32, #tpu.memory_space<vmem>> -> memref<128xi32, #tpu.memory_space<vmem>>
      %dma_wait3A_111 = arith.constant 0 : i32
      %dma_wait3A_112 = arith.constant 0 : i32
      %dma_wait3A_113 = tpu.memref_slice %arg6[%dma_wait3A_111, %dma_wait3A_112] : memref<102400x4xf32, #tpu.memory_space<vmem_shared>> -> memref<102400x4xf32, #tpu.memory_space<vmem_shared>>
      tpu.wait_indirect_dma semaphore(%arg10 : memref<!tpu.dma_semaphore, #tpu.memory_space<semaphore_mem>>) src(%arg8 : memref<128x4xf32, #tpu.memory_space<vmem>>) dst(%dma_wait3A_113 : memref<102400x4xf32, #tpu.memory_space<vmem_shared>>)
      %dma_wait3A_114 = arith.constant 3 : i32
      %dma_wait3A_115 = arith.constant 0 : i32
      %dma_wait3A_116 = tpu.memref_slice %arg7[%dma_wait3A_114, %dma_wait3A_115] : memref<8x128xi32, #tpu.memory_space<vmem>> -> memref<1x128xi32, #tpu.memory_space<vmem>>
      %dma_wait3A_117 = tpu.memref_squeeze %dma_wait3A_116 : memref<1x128xi32, #tpu.memory_space<vmem>> -> memref<128xi32, #tpu.memory_space<vmem>>
      %dma_wait3A_118 = arith.constant 0 : i32
      %dma_wait3A_119 = arith.constant 0 : i32
      %dma_wait3A_120 = tpu.memref_slice %arg6[%dma_wait3A_118, %dma_wait3A_119] : memref<102400x4xf32, #tpu.memory_space<vmem_shared>> -> memref<102400x4xf32, #tpu.memory_space<vmem_shared>>
      tpu.wait_indirect_dma semaphore(%arg10 : memref<!tpu.dma_semaphore, #tpu.memory_space<semaphore_mem>>) src(%arg8 : memref<128x4xf32, #tpu.memory_space<vmem>>) dst(%dma_wait3A_120 : memref<102400x4xf32, #tpu.memory_space<vmem_shared>>)
      %dma_wait3A_121 = arith.constant 4 : i32
      %dma_wait3A_122 = arith.constant 0 : i32
      %dma_wait3A_123 = tpu.memref_slice %arg7[%dma_wait3A_121, %dma_wait3A_122] : memref<8x128xi32, #tpu.memory_space<vmem>> -> memref<1x128xi32, #tpu.memory_space<vmem>>
      %dma_wait3A_124 = tpu.memref_squeeze %dma_wait3A_123 : memref<1x128xi32, #tpu.memory_space<vmem>> -> memref<128xi32, #tpu.memory_space<vmem>>
      %dma_wait3A_125 = arith.constant 0 : i32
      %dma_wait3A_126 = arith.constant 0 : i32
      %dma_wait3A_127 = tpu.memref_slice %arg6[%dma_wait3A_125, %dma_wait3A_126] : memref<102400x4xf32, #tpu.memory_space<vmem_shared>> -> memref<102400x4xf32, #tpu.memory_space<vmem_shared>>
      tpu.wait_indirect_dma semaphore(%arg10 : memref<!tpu.dma_semaphore, #tpu.memory_space<semaphore_mem>>) src(%arg8 : memref<128x4xf32, #tpu.memory_space<vmem>>) dst(%dma_wait3A_127 : memref<102400x4xf32, #tpu.memory_space<vmem_shared>>)
      %dma_wait3A_128 = arith.constant 5 : i32
      %dma_wait3A_129 = arith.constant 0 : i32
      %dma_wait3A_130 = tpu.memref_slice %arg7[%dma_wait3A_128, %dma_wait3A_129] : memref<8x128xi32, #tpu.memory_space<vmem>> -> memref<1x128xi32, #tpu.memory_space<vmem>>
      %dma_wait3A_131 = tpu.memref_squeeze %dma_wait3A_130 : memref<1x128xi32, #tpu.memory_space<vmem>> -> memref<128xi32, #tpu.memory_space<vmem>>
      %dma_wait3A_132 = arith.constant 0 : i32
      %dma_wait3A_133 = arith.constant 0 : i32
      %dma_wait3A_134 = tpu.memref_slice %arg6[%dma_wait3A_132, %dma_wait3A_133] : memref<102400x4xf32, #tpu.memory_space<vmem_shared>> -> memref<102400x4xf32, #tpu.memory_space<vmem_shared>>
      tpu.wait_indirect_dma semaphore(%arg10 : memref<!tpu.dma_semaphore, #tpu.memory_space<semaphore_mem>>) src(%arg8 : memref<128x4xf32, #tpu.memory_space<vmem>>) dst(%dma_wait3A_134 : memref<102400x4xf32, #tpu.memory_space<vmem_shared>>)
      %dma_wait3A_135 = arith.constant 6 : i32
      %dma_wait3A_136 = arith.constant 0 : i32
      %dma_wait3A_137 = tpu.memref_slice %arg7[%dma_wait3A_135, %dma_wait3A_136] : memref<8x128xi32, #tpu.memory_space<vmem>> -> memref<1x128xi32, #tpu.memory_space<vmem>>
      %dma_wait3A_138 = tpu.memref_squeeze %dma_wait3A_137 : memref<1x128xi32, #tpu.memory_space<vmem>> -> memref<128xi32, #tpu.memory_space<vmem>>
      %dma_wait3A_139 = arith.constant 0 : i32
      %dma_wait3A_140 = arith.constant 0 : i32
      %dma_wait3A_141 = tpu.memref_slice %arg6[%dma_wait3A_139, %dma_wait3A_140] : memref<102400x4xf32, #tpu.memory_space<vmem_shared>> -> memref<102400x4xf32, #tpu.memory_space<vmem_shared>>
      tpu.wait_indirect_dma semaphore(%arg10 : memref<!tpu.dma_semaphore, #tpu.memory_space<semaphore_mem>>) src(%arg8 : memref<128x4xf32, #tpu.memory_space<vmem>>) dst(%dma_wait3A_141 : memref<102400x4xf32, #tpu.memory_space<vmem_shared>>)
      %dma_wait3A_142 = arith.constant 7 : i32
      %dma_wait3A_143 = arith.constant 0 : i32
      %dma_wait3A_144 = tpu.memref_slice %arg7[%dma_wait3A_142, %dma_wait3A_143] : memref<8x128xi32, #tpu.memory_space<vmem>> -> memref<1x128xi32, #tpu.memory_space<vmem>>
      %dma_wait3A_145 = tpu.memref_squeeze %dma_wait3A_144 : memref<1x128xi32, #tpu.memory_space<vmem>> -> memref<128xi32, #tpu.memory_space<vmem>>
      %dma_wait3A_146 = arith.constant 0 : i32
      %dma_wait3A_147 = arith.constant 0 : i32
      %dma_wait3A_148 = tpu.memref_slice %arg6[%dma_wait3A_146, %dma_wait3A_147] : memref<102400x4xf32, #tpu.memory_space<vmem_shared>> -> memref<102400x4xf32, #tpu.memory_space<vmem_shared>>
      tpu.wait_indirect_dma semaphore(%arg10 : memref<!tpu.dma_semaphore, #tpu.memory_space<semaphore_mem>>) src(%arg8 : memref<128x4xf32, #tpu.memory_space<vmem>>) dst(%dma_wait3A_148 : memref<102400x4xf32, #tpu.memory_space<vmem_shared>>)
    }
    %scan3A_6 = arith.constant 98 : i32
    %barrier3A_7 = arith.constant 0 : index
    tpu.barrier barrier_id(%barrier3A_7)
    %mul3A_8 = arith.constant 6400 : i32
    %mul3A_9 = arith.muli %arg1, %mul3A_8 : i32
    "tpu.region"() ({
      %run_scoped3A = tpu.sem_alloc : memref<!tpu.dma_semaphore, #tpu.memory_space<semaphore_mem>>
      %dma_start3A = arith.constant 0 : i32
      %dma_start3A_10 = arith.constant 0 : i32
      %dma_start3A_11 = tpu.memref_slice %arg5[%arg0, %dma_start3A, %dma_start3A_10] : memref<2x102400x4xf32, #tpu.memory_space<hbm>> -> memref<1x102400x4xf32, #tpu.memory_space<hbm>>
      %dma_start3A_12 = tpu.memref_squeeze %dma_start3A_11 : memref<1x102400x4xf32, #tpu.memory_space<hbm>> -> memref<102400x4xf32, #tpu.memory_space<hbm>>
      %dma_start3A_13 = arith.constant 0 : i32
      %dma_start3A_14 = tpu.memref_slice %dma_start3A_12[%mul3A_9, %dma_start3A_13] : memref<102400x4xf32, #tpu.memory_space<hbm>> -> memref<6400x4xf32, #tpu.memory_space<hbm>>
      %dma_start3A_15 = arith.constant 0 : i32
      %dma_start3A_16 = tpu.memref_slice %arg6[%mul3A_9, %dma_start3A_15] : memref<102400x4xf32, #tpu.memory_space<vmem_shared>> -> memref<6400x4xf32, #tpu.memory_space<vmem_shared>>
      tpu.enqueue_dma source(%dma_start3A_16 : memref<6400x4xf32, #tpu.memory_space<vmem_shared>>) target(%dma_start3A_14 : memref<6400x4xf32, #tpu.memory_space<hbm>>) target_semaphore(%run_scoped3A : memref<!tpu.dma_semaphore, #tpu.memory_space<semaphore_mem>>)
      %dma_wait3A = arith.constant 0 : i32
      %dma_wait3A_17 = arith.constant 0 : i32
      %dma_wait3A_18 = tpu.memref_slice %arg5[%arg0, %dma_wait3A, %dma_wait3A_17] : memref<2x102400x4xf32, #tpu.memory_space<hbm>> -> memref<1x102400x4xf32, #tpu.memory_space<hbm>>
      %dma_wait3A_19 = tpu.memref_squeeze %dma_wait3A_18 : memref<1x102400x4xf32, #tpu.memory_space<hbm>> -> memref<102400x4xf32, #tpu.memory_space<hbm>>
      %dma_wait3A_20 = arith.constant 0 : i32
      %dma_wait3A_21 = tpu.memref_slice %dma_wait3A_19[%mul3A_9, %dma_wait3A_20] : memref<102400x4xf32, #tpu.memory_space<hbm>> -> memref<6400x4xf32, #tpu.memory_space<hbm>>
      %dma_wait3A_22 = arith.constant 0 : i32
      %dma_wait3A_23 = tpu.memref_slice %arg6[%mul3A_9, %dma_wait3A_22] : memref<102400x4xf32, #tpu.memory_space<vmem_shared>> -> memref<6400x4xf32, #tpu.memory_space<vmem_shared>>
      tpu.wait_dma2 semaphore(%run_scoped3A : memref<!tpu.dma_semaphore, #tpu.memory_space<semaphore_mem>>) src(%dma_wait3A_23 : memref<6400x4xf32, #tpu.memory_space<vmem_shared>>) dst(%dma_wait3A_21 : memref<6400x4xf32, #tpu.memory_space<hbm>>)
      tpu.yield
    }) : () -> ()
    return
  }
}

#map = affine_map<(d0, d1) -> (0, 0)>
#map1 = affine_map<(d0, d1) -> (0, 0, 0)>
module attributes {stable_mosaic.version = 14 : i64} {
  func.func @_agg_kernel(%arg0: i32, %arg1: i32, %arg2: memref<102400x4xf32, #tpu.memory_space<hbm>>, %arg3: memref<32x784x128xi32, #tpu.memory_space<hbm>>, %arg4: memref<32x784x128xi32, #tpu.memory_space<hbm>>, %arg5: memref<102400x4xf32, #tpu.memory_space<hbm>>, %arg6: memref<2x102400x4xf32, #tpu.memory_space<hbm>>, %arg7: memref<102400x4xf32, #tpu.memory_space<vmem_shared>>, %arg8: memref<8x128xi32, #tpu.memory_space<vmem>>, %arg9: memref<8x128xi32, #tpu.memory_space<vmem>>, %arg10: memref<8x128x4xf32, #tpu.memory_space<vmem>>, %arg11: memref<!tpu.dma_semaphore, #tpu.memory_space<semaphore_mem>>, %arg12: memref<!tpu.dma_semaphore, #tpu.memory_space<semaphore_mem>>, %arg13: memref<!tpu.dma_semaphore, #tpu.memory_space<semaphore_mem>>) attributes {dimension_semantics = [#tpu.dimension_semantics<core_parallel>, #tpu.dimension_semantics<subcore_parallel>], iteration_bounds = array<i64: 2, 16>, scalar_prefetch = 0 : i64, scratch_operands = 7 : i64, tpu.core_type = #tpu.core_type<sc_vector_subcore>, window_params = [{transform_indices = #map}, {transform_indices = #map1}, {transform_indices = #map1}, {transform_indices = #map}, {transform_indices = #map1}]} {
    %mul3A = arith.constant 2 : i32
    %mul3A_0 = arith.muli %arg1, %mul3A : i32
    %add3A = arith.addi %mul3A_0, %arg0 : i32
    %mul3A_1 = arith.constant 6400 : i32
    %mul3A_2 = arith.muli %arg1, %mul3A_1 : i32
    "tpu.region"() ({
      %run_scoped3A = tpu.sem_alloc : memref<!tpu.dma_semaphore, #tpu.memory_space<semaphore_mem>>
      %dma_start3A = arith.constant 0 : i32
      %dma_start3A_10 = tpu.memref_slice %arg7[%mul3A_2, %dma_start3A] : memref<102400x4xf32, #tpu.memory_space<vmem_shared>> -> memref<6400x4xf32, #tpu.memory_space<vmem_shared>>
      %dma_start3A_11 = arith.constant 0 : i32
      %dma_start3A_12 = tpu.memref_slice %arg5[%mul3A_2, %dma_start3A_11] : memref<102400x4xf32, #tpu.memory_space<hbm>> -> memref<6400x4xf32, #tpu.memory_space<hbm>>
      tpu.enqueue_dma source(%dma_start3A_12 : memref<6400x4xf32, #tpu.memory_space<hbm>>) target(%dma_start3A_10 : memref<6400x4xf32, #tpu.memory_space<vmem_shared>>) target_semaphore(%run_scoped3A : memref<!tpu.dma_semaphore, #tpu.memory_space<semaphore_mem>>)
      %dma_wait3A = arith.constant 0 : i32
      %dma_wait3A_13 = tpu.memref_slice %arg7[%mul3A_2, %dma_wait3A] : memref<102400x4xf32, #tpu.memory_space<vmem_shared>> -> memref<6400x4xf32, #tpu.memory_space<vmem_shared>>
      %dma_wait3A_14 = arith.constant 0 : i32
      %dma_wait3A_15 = tpu.memref_slice %arg5[%mul3A_2, %dma_wait3A_14] : memref<102400x4xf32, #tpu.memory_space<hbm>> -> memref<6400x4xf32, #tpu.memory_space<hbm>>
      tpu.wait_dma2 semaphore(%run_scoped3A : memref<!tpu.dma_semaphore, #tpu.memory_space<semaphore_mem>>) src(%dma_wait3A_15 : memref<6400x4xf32, #tpu.memory_space<hbm>>) dst(%dma_wait3A_13 : memref<6400x4xf32, #tpu.memory_space<vmem_shared>>)
      tpu.yield
    }) : () -> ()
    %barrier3A = arith.constant 0 : index
    tpu.barrier barrier_id(%barrier3A)
    %scan3A = arith.constant 0 : i32
    %scan3A_3 = arith.constant 98 : i32
    %scan3A_4 = arith.addi %scan3A, %scan3A_3 : i32
    %scan3A_5 = arith.constant 1 : i32
    scf.for %scan3A_10 = %scan3A to %scan3A_4 step %scan3A_5  : i32 {
      %mul3A_11 = arith.constant 8 : i32
      %mul3A_12 = arith.muli %scan3A_10, %mul3A_11 : i32
      %add3A_13 = arith.constant 0 : i32
      %add3A_14 = arith.addi %add3A_13, %mul3A_12 : i32
      %dma_start3A = arith.constant 0 : i32
      %dma_start3A_15 = arith.constant 0 : i32
      %dma_start3A_16 = tpu.memref_slice %arg3[%add3A, %dma_start3A, %dma_start3A_15] : memref<32x784x128xi32, #tpu.memory_space<hbm>> -> memref<1x784x128xi32, #tpu.memory_space<hbm>>
      %dma_start3A_17 = tpu.memref_squeeze %dma_start3A_16 : memref<1x784x128xi32, #tpu.memory_space<hbm>> -> memref<784x128xi32, #tpu.memory_space<hbm>>
      %dma_start3A_18 = arith.constant 0 : i32
      %dma_start3A_19 = tpu.memref_slice %dma_start3A_17[%add3A_14, %dma_start3A_18] : memref<784x128xi32, #tpu.memory_space<hbm>> -> memref<8x128xi32, #tpu.memory_space<hbm>>
      %dma_start3A_20 = arith.constant 0 : i32
      %dma_start3A_21 = arith.constant 0 : i32
      %dma_start3A_22 = tpu.memref_slice %arg3[%add3A, %dma_start3A_20, %dma_start3A_21] : memref<32x784x128xi32, #tpu.memory_space<hbm>> -> memref<1x784x128xi32, #tpu.memory_space<hbm>>
      %dma_start3A_23 = tpu.memref_squeeze %dma_start3A_22 : memref<1x784x128xi32, #tpu.memory_space<hbm>> -> memref<784x128xi32, #tpu.memory_space<hbm>>
      %dma_start3A_24 = arith.constant 0 : i32
      %dma_start3A_25 = tpu.memref_slice %dma_start3A_23[%add3A_14, %dma_start3A_24] : memref<784x128xi32, #tpu.memory_space<hbm>> -> memref<8x128xi32, #tpu.memory_space<hbm>>
      tpu.enqueue_dma source(%dma_start3A_25 : memref<8x128xi32, #tpu.memory_space<hbm>>) target(%arg8 : memref<8x128xi32, #tpu.memory_space<vmem>>) target_semaphore(%arg11 : memref<!tpu.dma_semaphore, #tpu.memory_space<semaphore_mem>>)
      %dma_start3A_26 = arith.constant 0 : i32
      %dma_start3A_27 = arith.constant 0 : i32
      %dma_start3A_28 = tpu.memref_slice %arg4[%add3A, %dma_start3A_26, %dma_start3A_27] : memref<32x784x128xi32, #tpu.memory_space<hbm>> -> memref<1x784x128xi32, #tpu.memory_space<hbm>>
      %dma_start3A_29 = tpu.memref_squeeze %dma_start3A_28 : memref<1x784x128xi32, #tpu.memory_space<hbm>> -> memref<784x128xi32, #tpu.memory_space<hbm>>
      %dma_start3A_30 = arith.constant 0 : i32
      %dma_start3A_31 = tpu.memref_slice %dma_start3A_29[%add3A_14, %dma_start3A_30] : memref<784x128xi32, #tpu.memory_space<hbm>> -> memref<8x128xi32, #tpu.memory_space<hbm>>
      %dma_start3A_32 = arith.constant 0 : i32
      %dma_start3A_33 = arith.constant 0 : i32
      %dma_start3A_34 = tpu.memref_slice %arg4[%add3A, %dma_start3A_32, %dma_start3A_33] : memref<32x784x128xi32, #tpu.memory_space<hbm>> -> memref<1x784x128xi32, #tpu.memory_space<hbm>>
      %dma_start3A_35 = tpu.memref_squeeze %dma_start3A_34 : memref<1x784x128xi32, #tpu.memory_space<hbm>> -> memref<784x128xi32, #tpu.memory_space<hbm>>
      %dma_start3A_36 = arith.constant 0 : i32
      %dma_start3A_37 = tpu.memref_slice %dma_start3A_35[%add3A_14, %dma_start3A_36] : memref<784x128xi32, #tpu.memory_space<hbm>> -> memref<8x128xi32, #tpu.memory_space<hbm>>
      tpu.enqueue_dma source(%dma_start3A_37 : memref<8x128xi32, #tpu.memory_space<hbm>>) target(%arg9 : memref<8x128xi32, #tpu.memory_space<vmem>>) target_semaphore(%arg11 : memref<!tpu.dma_semaphore, #tpu.memory_space<semaphore_mem>>)
      %dma_wait3A = arith.constant 0 : i32
      %dma_wait3A_38 = arith.constant 0 : i32
      %dma_wait3A_39 = tpu.memref_slice %arg3[%add3A, %dma_wait3A, %dma_wait3A_38] : memref<32x784x128xi32, #tpu.memory_space<hbm>> -> memref<1x784x128xi32, #tpu.memory_space<hbm>>
      %dma_wait3A_40 = tpu.memref_squeeze %dma_wait3A_39 : memref<1x784x128xi32, #tpu.memory_space<hbm>> -> memref<784x128xi32, #tpu.memory_space<hbm>>
      %dma_wait3A_41 = arith.constant 0 : i32
      %dma_wait3A_42 = tpu.memref_slice %dma_wait3A_40[%add3A_14, %dma_wait3A_41] : memref<784x128xi32, #tpu.memory_space<hbm>> -> memref<8x128xi32, #tpu.memory_space<hbm>>
      %dma_wait3A_43 = arith.constant 0 : i32
      %dma_wait3A_44 = arith.constant 0 : i32
      %dma_wait3A_45 = tpu.memref_slice %arg3[%add3A, %dma_wait3A_43, %dma_wait3A_44] : memref<32x784x128xi32, #tpu.memory_space<hbm>> -> memref<1x784x128xi32, #tpu.memory_space<hbm>>
      %dma_wait3A_46 = tpu.memref_squeeze %dma_wait3A_45 : memref<1x784x128xi32, #tpu.memory_space<hbm>> -> memref<784x128xi32, #tpu.memory_space<hbm>>
      %dma_wait3A_47 = arith.constant 0 : i32
      %dma_wait3A_48 = tpu.memref_slice %dma_wait3A_46[%add3A_14, %dma_wait3A_47] : memref<784x128xi32, #tpu.memory_space<hbm>> -> memref<8x128xi32, #tpu.memory_space<hbm>>
      tpu.wait_dma2 semaphore(%arg11 : memref<!tpu.dma_semaphore, #tpu.memory_space<semaphore_mem>>) src(%dma_wait3A_48 : memref<8x128xi32, #tpu.memory_space<hbm>>) dst(%arg8 : memref<8x128xi32, #tpu.memory_space<vmem>>)
      %dma_wait3A_49 = arith.constant 0 : i32
      %dma_wait3A_50 = arith.constant 0 : i32
      %dma_wait3A_51 = tpu.memref_slice %arg4[%add3A, %dma_wait3A_49, %dma_wait3A_50] : memref<32x784x128xi32, #tpu.memory_space<hbm>> -> memref<1x784x128xi32, #tpu.memory_space<hbm>>
      %dma_wait3A_52 = tpu.memref_squeeze %dma_wait3A_51 : memref<1x784x128xi32, #tpu.memory_space<hbm>> -> memref<784x128xi32, #tpu.memory_space<hbm>>
      %dma_wait3A_53 = arith.constant 0 : i32
      %dma_wait3A_54 = tpu.memref_slice %dma_wait3A_52[%add3A_14, %dma_wait3A_53] : memref<784x128xi32, #tpu.memory_space<hbm>> -> memref<8x128xi32, #tpu.memory_space<hbm>>
      %dma_wait3A_55 = arith.constant 0 : i32
      %dma_wait3A_56 = arith.constant 0 : i32
      %dma_wait3A_57 = tpu.memref_slice %arg4[%add3A, %dma_wait3A_55, %dma_wait3A_56] : memref<32x784x128xi32, #tpu.memory_space<hbm>> -> memref<1x784x128xi32, #tpu.memory_space<hbm>>
      %dma_wait3A_58 = tpu.memref_squeeze %dma_wait3A_57 : memref<1x784x128xi32, #tpu.memory_space<hbm>> -> memref<784x128xi32, #tpu.memory_space<hbm>>
      %dma_wait3A_59 = arith.constant 0 : i32
      %dma_wait3A_60 = tpu.memref_slice %dma_wait3A_58[%add3A_14, %dma_wait3A_59] : memref<784x128xi32, #tpu.memory_space<hbm>> -> memref<8x128xi32, #tpu.memory_space<hbm>>
      tpu.wait_dma2 semaphore(%arg11 : memref<!tpu.dma_semaphore, #tpu.memory_space<semaphore_mem>>) src(%dma_wait3A_60 : memref<8x128xi32, #tpu.memory_space<hbm>>) dst(%arg9 : memref<8x128xi32, #tpu.memory_space<vmem>>)
      %dma_start3A_61 = arith.constant 0 : i32
      %dma_start3A_62 = arith.constant 0 : i32
      %dma_start3A_63 = arith.constant 0 : i32
      %dma_start3A_64 = arith.constant 0 : i32
      %dma_start3A_65 = tpu.memref_slice %arg10[%dma_start3A_62, %dma_start3A_63, %dma_start3A_64] : memref<8x128x4xf32, #tpu.memory_space<vmem>> -> memref<1x128x4xf32, #tpu.memory_space<vmem>>
      %dma_start3A_66 = tpu.memref_squeeze %dma_start3A_65 : memref<1x128x4xf32, #tpu.memory_space<vmem>> -> memref<128x4xf32, #tpu.memory_space<vmem>>
      %dma_start3A_67 = arith.constant 0 : i32
      %dma_start3A_68 = tpu.memref_slice %arg8[%dma_start3A_61, %dma_start3A_67] : memref<8x128xi32, #tpu.memory_space<vmem>> -> memref<1x128xi32, #tpu.memory_space<vmem>>
      %dma_start3A_69 = tpu.memref_squeeze %dma_start3A_68 : memref<1x128xi32, #tpu.memory_space<vmem>> -> memref<128xi32, #tpu.memory_space<vmem>>
      %dma_start3A_70 = arith.constant 0 : i32
      %dma_start3A_71 = arith.constant 0 : i32
      %dma_start3A_72 = tpu.memref_slice %arg2[%dma_start3A_70, %dma_start3A_71] : memref<102400x4xf32, #tpu.memory_space<hbm>> -> memref<102400x4xf32, #tpu.memory_space<hbm>>
      tpu.enqueue_indirect_dma source(%dma_start3A_72 : memref<102400x4xf32, #tpu.memory_space<hbm>>) target(%dma_start3A_66 : memref<128x4xf32, #tpu.memory_space<vmem>>) offsets(%dma_start3A_69 : memref<128xi32, #tpu.memory_space<vmem>>) semaphore(%arg12 : memref<!tpu.dma_semaphore, #tpu.memory_space<semaphore_mem>>)
      %dma_start3A_73 = arith.constant 1 : i32
      %dma_start3A_74 = arith.constant 1 : i32
      %dma_start3A_75 = arith.constant 0 : i32
      %dma_start3A_76 = arith.constant 0 : i32
      %dma_start3A_77 = tpu.memref_slice %arg10[%dma_start3A_74, %dma_start3A_75, %dma_start3A_76] : memref<8x128x4xf32, #tpu.memory_space<vmem>> -> memref<1x128x4xf32, #tpu.memory_space<vmem>>
      %dma_start3A_78 = tpu.memref_squeeze %dma_start3A_77 : memref<1x128x4xf32, #tpu.memory_space<vmem>> -> memref<128x4xf32, #tpu.memory_space<vmem>>
      %dma_start3A_79 = arith.constant 0 : i32
      %dma_start3A_80 = tpu.memref_slice %arg8[%dma_start3A_73, %dma_start3A_79] : memref<8x128xi32, #tpu.memory_space<vmem>> -> memref<1x128xi32, #tpu.memory_space<vmem>>
      %dma_start3A_81 = tpu.memref_squeeze %dma_start3A_80 : memref<1x128xi32, #tpu.memory_space<vmem>> -> memref<128xi32, #tpu.memory_space<vmem>>
      %dma_start3A_82 = arith.constant 0 : i32
      %dma_start3A_83 = arith.constant 0 : i32
      %dma_start3A_84 = tpu.memref_slice %arg2[%dma_start3A_82, %dma_start3A_83] : memref<102400x4xf32, #tpu.memory_space<hbm>> -> memref<102400x4xf32, #tpu.memory_space<hbm>>
      tpu.enqueue_indirect_dma source(%dma_start3A_84 : memref<102400x4xf32, #tpu.memory_space<hbm>>) target(%dma_start3A_78 : memref<128x4xf32, #tpu.memory_space<vmem>>) offsets(%dma_start3A_81 : memref<128xi32, #tpu.memory_space<vmem>>) semaphore(%arg12 : memref<!tpu.dma_semaphore, #tpu.memory_space<semaphore_mem>>)
      %dma_start3A_85 = arith.constant 2 : i32
      %dma_start3A_86 = arith.constant 2 : i32
      %dma_start3A_87 = arith.constant 0 : i32
      %dma_start3A_88 = arith.constant 0 : i32
      %dma_start3A_89 = tpu.memref_slice %arg10[%dma_start3A_86, %dma_start3A_87, %dma_start3A_88] : memref<8x128x4xf32, #tpu.memory_space<vmem>> -> memref<1x128x4xf32, #tpu.memory_space<vmem>>
      %dma_start3A_90 = tpu.memref_squeeze %dma_start3A_89 : memref<1x128x4xf32, #tpu.memory_space<vmem>> -> memref<128x4xf32, #tpu.memory_space<vmem>>
      %dma_start3A_91 = arith.constant 0 : i32
      %dma_start3A_92 = tpu.memref_slice %arg8[%dma_start3A_85, %dma_start3A_91] : memref<8x128xi32, #tpu.memory_space<vmem>> -> memref<1x128xi32, #tpu.memory_space<vmem>>
      %dma_start3A_93 = tpu.memref_squeeze %dma_start3A_92 : memref<1x128xi32, #tpu.memory_space<vmem>> -> memref<128xi32, #tpu.memory_space<vmem>>
      %dma_start3A_94 = arith.constant 0 : i32
      %dma_start3A_95 = arith.constant 0 : i32
      %dma_start3A_96 = tpu.memref_slice %arg2[%dma_start3A_94, %dma_start3A_95] : memref<102400x4xf32, #tpu.memory_space<hbm>> -> memref<102400x4xf32, #tpu.memory_space<hbm>>
      tpu.enqueue_indirect_dma source(%dma_start3A_96 : memref<102400x4xf32, #tpu.memory_space<hbm>>) target(%dma_start3A_90 : memref<128x4xf32, #tpu.memory_space<vmem>>) offsets(%dma_start3A_93 : memref<128xi32, #tpu.memory_space<vmem>>) semaphore(%arg12 : memref<!tpu.dma_semaphore, #tpu.memory_space<semaphore_mem>>)
      %dma_start3A_97 = arith.constant 3 : i32
      %dma_start3A_98 = arith.constant 3 : i32
      %dma_start3A_99 = arith.constant 0 : i32
      %dma_start3A_100 = arith.constant 0 : i32
      %dma_start3A_101 = tpu.memref_slice %arg10[%dma_start3A_98, %dma_start3A_99, %dma_start3A_100] : memref<8x128x4xf32, #tpu.memory_space<vmem>> -> memref<1x128x4xf32, #tpu.memory_space<vmem>>
      %dma_start3A_102 = tpu.memref_squeeze %dma_start3A_101 : memref<1x128x4xf32, #tpu.memory_space<vmem>> -> memref<128x4xf32, #tpu.memory_space<vmem>>
      %dma_start3A_103 = arith.constant 0 : i32
      %dma_start3A_104 = tpu.memref_slice %arg8[%dma_start3A_97, %dma_start3A_103] : memref<8x128xi32, #tpu.memory_space<vmem>> -> memref<1x128xi32, #tpu.memory_space<vmem>>
      %dma_start3A_105 = tpu.memref_squeeze %dma_start3A_104 : memref<1x128xi32, #tpu.memory_space<vmem>> -> memref<128xi32, #tpu.memory_space<vmem>>
      %dma_start3A_106 = arith.constant 0 : i32
      %dma_start3A_107 = arith.constant 0 : i32
      %dma_start3A_108 = tpu.memref_slice %arg2[%dma_start3A_106, %dma_start3A_107] : memref<102400x4xf32, #tpu.memory_space<hbm>> -> memref<102400x4xf32, #tpu.memory_space<hbm>>
      tpu.enqueue_indirect_dma source(%dma_start3A_108 : memref<102400x4xf32, #tpu.memory_space<hbm>>) target(%dma_start3A_102 : memref<128x4xf32, #tpu.memory_space<vmem>>) offsets(%dma_start3A_105 : memref<128xi32, #tpu.memory_space<vmem>>) semaphore(%arg12 : memref<!tpu.dma_semaphore, #tpu.memory_space<semaphore_mem>>)
      %dma_start3A_109 = arith.constant 4 : i32
      %dma_start3A_110 = arith.constant 4 : i32
      %dma_start3A_111 = arith.constant 0 : i32
      %dma_start3A_112 = arith.constant 0 : i32
      %dma_start3A_113 = tpu.memref_slice %arg10[%dma_start3A_110, %dma_start3A_111, %dma_start3A_112] : memref<8x128x4xf32, #tpu.memory_space<vmem>> -> memref<1x128x4xf32, #tpu.memory_space<vmem>>
      %dma_start3A_114 = tpu.memref_squeeze %dma_start3A_113 : memref<1x128x4xf32, #tpu.memory_space<vmem>> -> memref<128x4xf32, #tpu.memory_space<vmem>>
      %dma_start3A_115 = arith.constant 0 : i32
      %dma_start3A_116 = tpu.memref_slice %arg8[%dma_start3A_109, %dma_start3A_115] : memref<8x128xi32, #tpu.memory_space<vmem>> -> memref<1x128xi32, #tpu.memory_space<vmem>>
      %dma_start3A_117 = tpu.memref_squeeze %dma_start3A_116 : memref<1x128xi32, #tpu.memory_space<vmem>> -> memref<128xi32, #tpu.memory_space<vmem>>
      %dma_start3A_118 = arith.constant 0 : i32
      %dma_start3A_119 = arith.constant 0 : i32
      %dma_start3A_120 = tpu.memref_slice %arg2[%dma_start3A_118, %dma_start3A_119] : memref<102400x4xf32, #tpu.memory_space<hbm>> -> memref<102400x4xf32, #tpu.memory_space<hbm>>
      tpu.enqueue_indirect_dma source(%dma_start3A_120 : memref<102400x4xf32, #tpu.memory_space<hbm>>) target(%dma_start3A_114 : memref<128x4xf32, #tpu.memory_space<vmem>>) offsets(%dma_start3A_117 : memref<128xi32, #tpu.memory_space<vmem>>) semaphore(%arg12 : memref<!tpu.dma_semaphore, #tpu.memory_space<semaphore_mem>>)
      %dma_start3A_121 = arith.constant 5 : i32
      %dma_start3A_122 = arith.constant 5 : i32
      %dma_start3A_123 = arith.constant 0 : i32
      %dma_start3A_124 = arith.constant 0 : i32
      %dma_start3A_125 = tpu.memref_slice %arg10[%dma_start3A_122, %dma_start3A_123, %dma_start3A_124] : memref<8x128x4xf32, #tpu.memory_space<vmem>> -> memref<1x128x4xf32, #tpu.memory_space<vmem>>
      %dma_start3A_126 = tpu.memref_squeeze %dma_start3A_125 : memref<1x128x4xf32, #tpu.memory_space<vmem>> -> memref<128x4xf32, #tpu.memory_space<vmem>>
      %dma_start3A_127 = arith.constant 0 : i32
      %dma_start3A_128 = tpu.memref_slice %arg8[%dma_start3A_121, %dma_start3A_127] : memref<8x128xi32, #tpu.memory_space<vmem>> -> memref<1x128xi32, #tpu.memory_space<vmem>>
      %dma_start3A_129 = tpu.memref_squeeze %dma_start3A_128 : memref<1x128xi32, #tpu.memory_space<vmem>> -> memref<128xi32, #tpu.memory_space<vmem>>
      %dma_start3A_130 = arith.constant 0 : i32
      %dma_start3A_131 = arith.constant 0 : i32
      %dma_start3A_132 = tpu.memref_slice %arg2[%dma_start3A_130, %dma_start3A_131] : memref<102400x4xf32, #tpu.memory_space<hbm>> -> memref<102400x4xf32, #tpu.memory_space<hbm>>
      tpu.enqueue_indirect_dma source(%dma_start3A_132 : memref<102400x4xf32, #tpu.memory_space<hbm>>) target(%dma_start3A_126 : memref<128x4xf32, #tpu.memory_space<vmem>>) offsets(%dma_start3A_129 : memref<128xi32, #tpu.memory_space<vmem>>) semaphore(%arg12 : memref<!tpu.dma_semaphore, #tpu.memory_space<semaphore_mem>>)
      %dma_start3A_133 = arith.constant 6 : i32
      %dma_start3A_134 = arith.constant 6 : i32
      %dma_start3A_135 = arith.constant 0 : i32
      %dma_start3A_136 = arith.constant 0 : i32
      %dma_start3A_137 = tpu.memref_slice %arg10[%dma_start3A_134, %dma_start3A_135, %dma_start3A_136] : memref<8x128x4xf32, #tpu.memory_space<vmem>> -> memref<1x128x4xf32, #tpu.memory_space<vmem>>
      %dma_start3A_138 = tpu.memref_squeeze %dma_start3A_137 : memref<1x128x4xf32, #tpu.memory_space<vmem>> -> memref<128x4xf32, #tpu.memory_space<vmem>>
      %dma_start3A_139 = arith.constant 0 : i32
      %dma_start3A_140 = tpu.memref_slice %arg8[%dma_start3A_133, %dma_start3A_139] : memref<8x128xi32, #tpu.memory_space<vmem>> -> memref<1x128xi32, #tpu.memory_space<vmem>>
      %dma_start3A_141 = tpu.memref_squeeze %dma_start3A_140 : memref<1x128xi32, #tpu.memory_space<vmem>> -> memref<128xi32, #tpu.memory_space<vmem>>
      %dma_start3A_142 = arith.constant 0 : i32
      %dma_start3A_143 = arith.constant 0 : i32
      %dma_start3A_144 = tpu.memref_slice %arg2[%dma_start3A_142, %dma_start3A_143] : memref<102400x4xf32, #tpu.memory_space<hbm>> -> memref<102400x4xf32, #tpu.memory_space<hbm>>
      tpu.enqueue_indirect_dma source(%dma_start3A_144 : memref<102400x4xf32, #tpu.memory_space<hbm>>) target(%dma_start3A_138 : memref<128x4xf32, #tpu.memory_space<vmem>>) offsets(%dma_start3A_141 : memref<128xi32, #tpu.memory_space<vmem>>) semaphore(%arg12 : memref<!tpu.dma_semaphore, #tpu.memory_space<semaphore_mem>>)
      %dma_start3A_145 = arith.constant 7 : i32
      %dma_start3A_146 = arith.constant 7 : i32
      %dma_start3A_147 = arith.constant 0 : i32
      %dma_start3A_148 = arith.constant 0 : i32
      %dma_start3A_149 = tpu.memref_slice %arg10[%dma_start3A_146, %dma_start3A_147, %dma_start3A_148] : memref<8x128x4xf32, #tpu.memory_space<vmem>> -> memref<1x128x4xf32, #tpu.memory_space<vmem>>
      %dma_start3A_150 = tpu.memref_squeeze %dma_start3A_149 : memref<1x128x4xf32, #tpu.memory_space<vmem>> -> memref<128x4xf32, #tpu.memory_space<vmem>>
      %dma_start3A_151 = arith.constant 0 : i32
      %dma_start3A_152 = tpu.memref_slice %arg8[%dma_start3A_145, %dma_start3A_151] : memref<8x128xi32, #tpu.memory_space<vmem>> -> memref<1x128xi32, #tpu.memory_space<vmem>>
      %dma_start3A_153 = tpu.memref_squeeze %dma_start3A_152 : memref<1x128xi32, #tpu.memory_space<vmem>> -> memref<128xi32, #tpu.memory_space<vmem>>
      %dma_start3A_154 = arith.constant 0 : i32
      %dma_start3A_155 = arith.constant 0 : i32
      %dma_start3A_156 = tpu.memref_slice %arg2[%dma_start3A_154, %dma_start3A_155] : memref<102400x4xf32, #tpu.memory_space<hbm>> -> memref<102400x4xf32, #tpu.memory_space<hbm>>
      tpu.enqueue_indirect_dma source(%dma_start3A_156 : memref<102400x4xf32, #tpu.memory_space<hbm>>) target(%dma_start3A_150 : memref<128x4xf32, #tpu.memory_space<vmem>>) offsets(%dma_start3A_153 : memref<128xi32, #tpu.memory_space<vmem>>) semaphore(%arg12 : memref<!tpu.dma_semaphore, #tpu.memory_space<semaphore_mem>>)
      %dma_wait3A_157 = arith.constant 0 : i32
      %dma_wait3A_158 = arith.constant 0 : i32
      %dma_wait3A_159 = arith.constant 0 : i32
      %dma_wait3A_160 = arith.constant 0 : i32
      %dma_wait3A_161 = tpu.memref_slice %arg10[%dma_wait3A_158, %dma_wait3A_159, %dma_wait3A_160] : memref<8x128x4xf32, #tpu.memory_space<vmem>> -> memref<1x128x4xf32, #tpu.memory_space<vmem>>
      %dma_wait3A_162 = tpu.memref_squeeze %dma_wait3A_161 : memref<1x128x4xf32, #tpu.memory_space<vmem>> -> memref<128x4xf32, #tpu.memory_space<vmem>>
      %dma_wait3A_163 = arith.constant 0 : i32
      %dma_wait3A_164 = tpu.memref_slice %arg8[%dma_wait3A_157, %dma_wait3A_163] : memref<8x128xi32, #tpu.memory_space<vmem>> -> memref<1x128xi32, #tpu.memory_space<vmem>>
      %dma_wait3A_165 = tpu.memref_squeeze %dma_wait3A_164 : memref<1x128xi32, #tpu.memory_space<vmem>> -> memref<128xi32, #tpu.memory_space<vmem>>
      %dma_wait3A_166 = arith.constant 0 : i32
      %dma_wait3A_167 = arith.constant 0 : i32
      %dma_wait3A_168 = tpu.memref_slice %arg2[%dma_wait3A_166, %dma_wait3A_167] : memref<102400x4xf32, #tpu.memory_space<hbm>> -> memref<102400x4xf32, #tpu.memory_space<hbm>>
      tpu.wait_indirect_dma semaphore(%arg12 : memref<!tpu.dma_semaphore, #tpu.memory_space<semaphore_mem>>) src(%dma_wait3A_168 : memref<102400x4xf32, #tpu.memory_space<hbm>>) dst(%dma_wait3A_162 : memref<128x4xf32, #tpu.memory_space<vmem>>)
      %dma_wait3A_169 = arith.constant 1 : i32
      %dma_wait3A_170 = arith.constant 1 : i32
      %dma_wait3A_171 = arith.constant 0 : i32
      %dma_wait3A_172 = arith.constant 0 : i32
      %dma_wait3A_173 = tpu.memref_slice %arg10[%dma_wait3A_170, %dma_wait3A_171, %dma_wait3A_172] : memref<8x128x4xf32, #tpu.memory_space<vmem>> -> memref<1x128x4xf32, #tpu.memory_space<vmem>>
      %dma_wait3A_174 = tpu.memref_squeeze %dma_wait3A_173 : memref<1x128x4xf32, #tpu.memory_space<vmem>> -> memref<128x4xf32, #tpu.memory_space<vmem>>
      %dma_wait3A_175 = arith.constant 0 : i32
      %dma_wait3A_176 = tpu.memref_slice %arg8[%dma_wait3A_169, %dma_wait3A_175] : memref<8x128xi32, #tpu.memory_space<vmem>> -> memref<1x128xi32, #tpu.memory_space<vmem>>
      %dma_wait3A_177 = tpu.memref_squeeze %dma_wait3A_176 : memref<1x128xi32, #tpu.memory_space<vmem>> -> memref<128xi32, #tpu.memory_space<vmem>>
      %dma_wait3A_178 = arith.constant 0 : i32
      %dma_wait3A_179 = arith.constant 0 : i32
      %dma_wait3A_180 = tpu.memref_slice %arg2[%dma_wait3A_178, %dma_wait3A_179] : memref<102400x4xf32, #tpu.memory_space<hbm>> -> memref<102400x4xf32, #tpu.memory_space<hbm>>
      tpu.wait_indirect_dma semaphore(%arg12 : memref<!tpu.dma_semaphore, #tpu.memory_space<semaphore_mem>>) src(%dma_wait3A_180 : memref<102400x4xf32, #tpu.memory_space<hbm>>) dst(%dma_wait3A_174 : memref<128x4xf32, #tpu.memory_space<vmem>>)
      %dma_wait3A_181 = arith.constant 2 : i32
      %dma_wait3A_182 = arith.constant 2 : i32
      %dma_wait3A_183 = arith.constant 0 : i32
      %dma_wait3A_184 = arith.constant 0 : i32
      %dma_wait3A_185 = tpu.memref_slice %arg10[%dma_wait3A_182, %dma_wait3A_183, %dma_wait3A_184] : memref<8x128x4xf32, #tpu.memory_space<vmem>> -> memref<1x128x4xf32, #tpu.memory_space<vmem>>
      %dma_wait3A_186 = tpu.memref_squeeze %dma_wait3A_185 : memref<1x128x4xf32, #tpu.memory_space<vmem>> -> memref<128x4xf32, #tpu.memory_space<vmem>>
      %dma_wait3A_187 = arith.constant 0 : i32
      %dma_wait3A_188 = tpu.memref_slice %arg8[%dma_wait3A_181, %dma_wait3A_187] : memref<8x128xi32, #tpu.memory_space<vmem>> -> memref<1x128xi32, #tpu.memory_space<vmem>>
      %dma_wait3A_189 = tpu.memref_squeeze %dma_wait3A_188 : memref<1x128xi32, #tpu.memory_space<vmem>> -> memref<128xi32, #tpu.memory_space<vmem>>
      %dma_wait3A_190 = arith.constant 0 : i32
      %dma_wait3A_191 = arith.constant 0 : i32
      %dma_wait3A_192 = tpu.memref_slice %arg2[%dma_wait3A_190, %dma_wait3A_191] : memref<102400x4xf32, #tpu.memory_space<hbm>> -> memref<102400x4xf32, #tpu.memory_space<hbm>>
      tpu.wait_indirect_dma semaphore(%arg12 : memref<!tpu.dma_semaphore, #tpu.memory_space<semaphore_mem>>) src(%dma_wait3A_192 : memref<102400x4xf32, #tpu.memory_space<hbm>>) dst(%dma_wait3A_186 : memref<128x4xf32, #tpu.memory_space<vmem>>)
      %dma_wait3A_193 = arith.constant 3 : i32
      %dma_wait3A_194 = arith.constant 3 : i32
      %dma_wait3A_195 = arith.constant 0 : i32
      %dma_wait3A_196 = arith.constant 0 : i32
      %dma_wait3A_197 = tpu.memref_slice %arg10[%dma_wait3A_194, %dma_wait3A_195, %dma_wait3A_196] : memref<8x128x4xf32, #tpu.memory_space<vmem>> -> memref<1x128x4xf32, #tpu.memory_space<vmem>>
      %dma_wait3A_198 = tpu.memref_squeeze %dma_wait3A_197 : memref<1x128x4xf32, #tpu.memory_space<vmem>> -> memref<128x4xf32, #tpu.memory_space<vmem>>
      %dma_wait3A_199 = arith.constant 0 : i32
      %dma_wait3A_200 = tpu.memref_slice %arg8[%dma_wait3A_193, %dma_wait3A_199] : memref<8x128xi32, #tpu.memory_space<vmem>> -> memref<1x128xi32, #tpu.memory_space<vmem>>
      %dma_wait3A_201 = tpu.memref_squeeze %dma_wait3A_200 : memref<1x128xi32, #tpu.memory_space<vmem>> -> memref<128xi32, #tpu.memory_space<vmem>>
      %dma_wait3A_202 = arith.constant 0 : i32
      %dma_wait3A_203 = arith.constant 0 : i32
      %dma_wait3A_204 = tpu.memref_slice %arg2[%dma_wait3A_202, %dma_wait3A_203] : memref<102400x4xf32, #tpu.memory_space<hbm>> -> memref<102400x4xf32, #tpu.memory_space<hbm>>
      tpu.wait_indirect_dma semaphore(%arg12 : memref<!tpu.dma_semaphore, #tpu.memory_space<semaphore_mem>>) src(%dma_wait3A_204 : memref<102400x4xf32, #tpu.memory_space<hbm>>) dst(%dma_wait3A_198 : memref<128x4xf32, #tpu.memory_space<vmem>>)
      %dma_wait3A_205 = arith.constant 4 : i32
      %dma_wait3A_206 = arith.constant 4 : i32
      %dma_wait3A_207 = arith.constant 0 : i32
      %dma_wait3A_208 = arith.constant 0 : i32
      %dma_wait3A_209 = tpu.memref_slice %arg10[%dma_wait3A_206, %dma_wait3A_207, %dma_wait3A_208] : memref<8x128x4xf32, #tpu.memory_space<vmem>> -> memref<1x128x4xf32, #tpu.memory_space<vmem>>
      %dma_wait3A_210 = tpu.memref_squeeze %dma_wait3A_209 : memref<1x128x4xf32, #tpu.memory_space<vmem>> -> memref<128x4xf32, #tpu.memory_space<vmem>>
      %dma_wait3A_211 = arith.constant 0 : i32
      %dma_wait3A_212 = tpu.memref_slice %arg8[%dma_wait3A_205, %dma_wait3A_211] : memref<8x128xi32, #tpu.memory_space<vmem>> -> memref<1x128xi32, #tpu.memory_space<vmem>>
      %dma_wait3A_213 = tpu.memref_squeeze %dma_wait3A_212 : memref<1x128xi32, #tpu.memory_space<vmem>> -> memref<128xi32, #tpu.memory_space<vmem>>
      %dma_wait3A_214 = arith.constant 0 : i32
      %dma_wait3A_215 = arith.constant 0 : i32
      %dma_wait3A_216 = tpu.memref_slice %arg2[%dma_wait3A_214, %dma_wait3A_215] : memref<102400x4xf32, #tpu.memory_space<hbm>> -> memref<102400x4xf32, #tpu.memory_space<hbm>>
      tpu.wait_indirect_dma semaphore(%arg12 : memref<!tpu.dma_semaphore, #tpu.memory_space<semaphore_mem>>) src(%dma_wait3A_216 : memref<102400x4xf32, #tpu.memory_space<hbm>>) dst(%dma_wait3A_210 : memref<128x4xf32, #tpu.memory_space<vmem>>)
      %dma_wait3A_217 = arith.constant 5 : i32
      %dma_wait3A_218 = arith.constant 5 : i32
      %dma_wait3A_219 = arith.constant 0 : i32
      %dma_wait3A_220 = arith.constant 0 : i32
      %dma_wait3A_221 = tpu.memref_slice %arg10[%dma_wait3A_218, %dma_wait3A_219, %dma_wait3A_220] : memref<8x128x4xf32, #tpu.memory_space<vmem>> -> memref<1x128x4xf32, #tpu.memory_space<vmem>>
      %dma_wait3A_222 = tpu.memref_squeeze %dma_wait3A_221 : memref<1x128x4xf32, #tpu.memory_space<vmem>> -> memref<128x4xf32, #tpu.memory_space<vmem>>
      %dma_wait3A_223 = arith.constant 0 : i32
      %dma_wait3A_224 = tpu.memref_slice %arg8[%dma_wait3A_217, %dma_wait3A_223] : memref<8x128xi32, #tpu.memory_space<vmem>> -> memref<1x128xi32, #tpu.memory_space<vmem>>
      %dma_wait3A_225 = tpu.memref_squeeze %dma_wait3A_224 : memref<1x128xi32, #tpu.memory_space<vmem>> -> memref<128xi32, #tpu.memory_space<vmem>>
      %dma_wait3A_226 = arith.constant 0 : i32
      %dma_wait3A_227 = arith.constant 0 : i32
      %dma_wait3A_228 = tpu.memref_slice %arg2[%dma_wait3A_226, %dma_wait3A_227] : memref<102400x4xf32, #tpu.memory_space<hbm>> -> memref<102400x4xf32, #tpu.memory_space<hbm>>
      tpu.wait_indirect_dma semaphore(%arg12 : memref<!tpu.dma_semaphore, #tpu.memory_space<semaphore_mem>>) src(%dma_wait3A_228 : memref<102400x4xf32, #tpu.memory_space<hbm>>) dst(%dma_wait3A_222 : memref<128x4xf32, #tpu.memory_space<vmem>>)
      %dma_wait3A_229 = arith.constant 6 : i32
      %dma_wait3A_230 = arith.constant 6 : i32
      %dma_wait3A_231 = arith.constant 0 : i32
      %dma_wait3A_232 = arith.constant 0 : i32
      %dma_wait3A_233 = tpu.memref_slice %arg10[%dma_wait3A_230, %dma_wait3A_231, %dma_wait3A_232] : memref<8x128x4xf32, #tpu.memory_space<vmem>> -> memref<1x128x4xf32, #tpu.memory_space<vmem>>
      %dma_wait3A_234 = tpu.memref_squeeze %dma_wait3A_233 : memref<1x128x4xf32, #tpu.memory_space<vmem>> -> memref<128x4xf32, #tpu.memory_space<vmem>>
      %dma_wait3A_235 = arith.constant 0 : i32
      %dma_wait3A_236 = tpu.memref_slice %arg8[%dma_wait3A_229, %dma_wait3A_235] : memref<8x128xi32, #tpu.memory_space<vmem>> -> memref<1x128xi32, #tpu.memory_space<vmem>>
      %dma_wait3A_237 = tpu.memref_squeeze %dma_wait3A_236 : memref<1x128xi32, #tpu.memory_space<vmem>> -> memref<128xi32, #tpu.memory_space<vmem>>
      %dma_wait3A_238 = arith.constant 0 : i32
      %dma_wait3A_239 = arith.constant 0 : i32
      %dma_wait3A_240 = tpu.memref_slice %arg2[%dma_wait3A_238, %dma_wait3A_239] : memref<102400x4xf32, #tpu.memory_space<hbm>> -> memref<102400x4xf32, #tpu.memory_space<hbm>>
      tpu.wait_indirect_dma semaphore(%arg12 : memref<!tpu.dma_semaphore, #tpu.memory_space<semaphore_mem>>) src(%dma_wait3A_240 : memref<102400x4xf32, #tpu.memory_space<hbm>>) dst(%dma_wait3A_234 : memref<128x4xf32, #tpu.memory_space<vmem>>)
      %dma_wait3A_241 = arith.constant 7 : i32
      %dma_wait3A_242 = arith.constant 7 : i32
      %dma_wait3A_243 = arith.constant 0 : i32
      %dma_wait3A_244 = arith.constant 0 : i32
      %dma_wait3A_245 = tpu.memref_slice %arg10[%dma_wait3A_242, %dma_wait3A_243, %dma_wait3A_244] : memref<8x128x4xf32, #tpu.memory_space<vmem>> -> memref<1x128x4xf32, #tpu.memory_space<vmem>>
      %dma_wait3A_246 = tpu.memref_squeeze %dma_wait3A_245 : memref<1x128x4xf32, #tpu.memory_space<vmem>> -> memref<128x4xf32, #tpu.memory_space<vmem>>
      %dma_wait3A_247 = arith.constant 0 : i32
      %dma_wait3A_248 = tpu.memref_slice %arg8[%dma_wait3A_241, %dma_wait3A_247] : memref<8x128xi32, #tpu.memory_space<vmem>> -> memref<1x128xi32, #tpu.memory_space<vmem>>
      %dma_wait3A_249 = tpu.memref_squeeze %dma_wait3A_248 : memref<1x128xi32, #tpu.memory_space<vmem>> -> memref<128xi32, #tpu.memory_space<vmem>>
      %dma_wait3A_250 = arith.constant 0 : i32
      %dma_wait3A_251 = arith.constant 0 : i32
      %dma_wait3A_252 = tpu.memref_slice %arg2[%dma_wait3A_250, %dma_wait3A_251] : memref<102400x4xf32, #tpu.memory_space<hbm>> -> memref<102400x4xf32, #tpu.memory_space<hbm>>
      tpu.wait_indirect_dma semaphore(%arg12 : memref<!tpu.dma_semaphore, #tpu.memory_space<semaphore_mem>>) src(%dma_wait3A_252 : memref<102400x4xf32, #tpu.memory_space<hbm>>) dst(%dma_wait3A_246 : memref<128x4xf32, #tpu.memory_space<vmem>>)
      %dma_start3A_253 = arith.constant 0 : i32
      %dma_start3A_254 = arith.constant 0 : i32
      %dma_start3A_255 = arith.constant 0 : i32
      %dma_start3A_256 = arith.constant 0 : i32
      %dma_start3A_257 = tpu.memref_slice %arg10[%dma_start3A_253, %dma_start3A_255, %dma_start3A_256] : memref<8x128x4xf32, #tpu.memory_space<vmem>> -> memref<1x128x4xf32, #tpu.memory_space<vmem>>
      %dma_start3A_258 = tpu.memref_squeeze %dma_start3A_257 : memref<1x128x4xf32, #tpu.memory_space<vmem>> -> memref<128x4xf32, #tpu.memory_space<vmem>>
      %dma_start3A_259 = arith.constant 0 : i32
      %dma_start3A_260 = tpu.memref_slice %arg9[%dma_start3A_254, %dma_start3A_259] : memref<8x128xi32, #tpu.memory_space<vmem>> -> memref<1x128xi32, #tpu.memory_space<vmem>>
      %dma_start3A_261 = tpu.memref_squeeze %dma_start3A_260 : memref<1x128xi32, #tpu.memory_space<vmem>> -> memref<128xi32, #tpu.memory_space<vmem>>
      %dma_start3A_262 = arith.constant 0 : i32
      %dma_start3A_263 = arith.constant 0 : i32
      %dma_start3A_264 = tpu.memref_slice %arg7[%dma_start3A_262, %dma_start3A_263] : memref<102400x4xf32, #tpu.memory_space<vmem_shared>> -> memref<102400x4xf32, #tpu.memory_space<vmem_shared>>
      tpu.enqueue_indirect_dma source(%dma_start3A_258 : memref<128x4xf32, #tpu.memory_space<vmem>>) target(%dma_start3A_264 : memref<102400x4xf32, #tpu.memory_space<vmem_shared>>) offsets(%dma_start3A_261 : memref<128xi32, #tpu.memory_space<vmem>>) semaphore(%arg13 : memref<!tpu.dma_semaphore, #tpu.memory_space<semaphore_mem>>) {add = true}
      %dma_start3A_265 = arith.constant 1 : i32
      %dma_start3A_266 = arith.constant 1 : i32
      %dma_start3A_267 = arith.constant 0 : i32
      %dma_start3A_268 = arith.constant 0 : i32
      %dma_start3A_269 = tpu.memref_slice %arg10[%dma_start3A_265, %dma_start3A_267, %dma_start3A_268] : memref<8x128x4xf32, #tpu.memory_space<vmem>> -> memref<1x128x4xf32, #tpu.memory_space<vmem>>
      %dma_start3A_270 = tpu.memref_squeeze %dma_start3A_269 : memref<1x128x4xf32, #tpu.memory_space<vmem>> -> memref<128x4xf32, #tpu.memory_space<vmem>>
      %dma_start3A_271 = arith.constant 0 : i32
      %dma_start3A_272 = tpu.memref_slice %arg9[%dma_start3A_266, %dma_start3A_271] : memref<8x128xi32, #tpu.memory_space<vmem>> -> memref<1x128xi32, #tpu.memory_space<vmem>>
      %dma_start3A_273 = tpu.memref_squeeze %dma_start3A_272 : memref<1x128xi32, #tpu.memory_space<vmem>> -> memref<128xi32, #tpu.memory_space<vmem>>
      %dma_start3A_274 = arith.constant 0 : i32
      %dma_start3A_275 = arith.constant 0 : i32
      %dma_start3A_276 = tpu.memref_slice %arg7[%dma_start3A_274, %dma_start3A_275] : memref<102400x4xf32, #tpu.memory_space<vmem_shared>> -> memref<102400x4xf32, #tpu.memory_space<vmem_shared>>
      tpu.enqueue_indirect_dma source(%dma_start3A_270 : memref<128x4xf32, #tpu.memory_space<vmem>>) target(%dma_start3A_276 : memref<102400x4xf32, #tpu.memory_space<vmem_shared>>) offsets(%dma_start3A_273 : memref<128xi32, #tpu.memory_space<vmem>>) semaphore(%arg13 : memref<!tpu.dma_semaphore, #tpu.memory_space<semaphore_mem>>) {add = true}
      %dma_start3A_277 = arith.constant 2 : i32
      %dma_start3A_278 = arith.constant 2 : i32
      %dma_start3A_279 = arith.constant 0 : i32
      %dma_start3A_280 = arith.constant 0 : i32
      %dma_start3A_281 = tpu.memref_slice %arg10[%dma_start3A_277, %dma_start3A_279, %dma_start3A_280] : memref<8x128x4xf32, #tpu.memory_space<vmem>> -> memref<1x128x4xf32, #tpu.memory_space<vmem>>
      %dma_start3A_282 = tpu.memref_squeeze %dma_start3A_281 : memref<1x128x4xf32, #tpu.memory_space<vmem>> -> memref<128x4xf32, #tpu.memory_space<vmem>>
      %dma_start3A_283 = arith.constant 0 : i32
      %dma_start3A_284 = tpu.memref_slice %arg9[%dma_start3A_278, %dma_start3A_283] : memref<8x128xi32, #tpu.memory_space<vmem>> -> memref<1x128xi32, #tpu.memory_space<vmem>>
      %dma_start3A_285 = tpu.memref_squeeze %dma_start3A_284 : memref<1x128xi32, #tpu.memory_space<vmem>> -> memref<128xi32, #tpu.memory_space<vmem>>
      %dma_start3A_286 = arith.constant 0 : i32
      %dma_start3A_287 = arith.constant 0 : i32
      %dma_start3A_288 = tpu.memref_slice %arg7[%dma_start3A_286, %dma_start3A_287] : memref<102400x4xf32, #tpu.memory_space<vmem_shared>> -> memref<102400x4xf32, #tpu.memory_space<vmem_shared>>
      tpu.enqueue_indirect_dma source(%dma_start3A_282 : memref<128x4xf32, #tpu.memory_space<vmem>>) target(%dma_start3A_288 : memref<102400x4xf32, #tpu.memory_space<vmem_shared>>) offsets(%dma_start3A_285 : memref<128xi32, #tpu.memory_space<vmem>>) semaphore(%arg13 : memref<!tpu.dma_semaphore, #tpu.memory_space<semaphore_mem>>) {add = true}
      %dma_start3A_289 = arith.constant 3 : i32
      %dma_start3A_290 = arith.constant 3 : i32
      %dma_start3A_291 = arith.constant 0 : i32
      %dma_start3A_292 = arith.constant 0 : i32
      %dma_start3A_293 = tpu.memref_slice %arg10[%dma_start3A_289, %dma_start3A_291, %dma_start3A_292] : memref<8x128x4xf32, #tpu.memory_space<vmem>> -> memref<1x128x4xf32, #tpu.memory_space<vmem>>
      %dma_start3A_294 = tpu.memref_squeeze %dma_start3A_293 : memref<1x128x4xf32, #tpu.memory_space<vmem>> -> memref<128x4xf32, #tpu.memory_space<vmem>>
      %dma_start3A_295 = arith.constant 0 : i32
      %dma_start3A_296 = tpu.memref_slice %arg9[%dma_start3A_290, %dma_start3A_295] : memref<8x128xi32, #tpu.memory_space<vmem>> -> memref<1x128xi32, #tpu.memory_space<vmem>>
      %dma_start3A_297 = tpu.memref_squeeze %dma_start3A_296 : memref<1x128xi32, #tpu.memory_space<vmem>> -> memref<128xi32, #tpu.memory_space<vmem>>
      %dma_start3A_298 = arith.constant 0 : i32
      %dma_start3A_299 = arith.constant 0 : i32
      %dma_start3A_300 = tpu.memref_slice %arg7[%dma_start3A_298, %dma_start3A_299] : memref<102400x4xf32, #tpu.memory_space<vmem_shared>> -> memref<102400x4xf32, #tpu.memory_space<vmem_shared>>
      tpu.enqueue_indirect_dma source(%dma_start3A_294 : memref<128x4xf32, #tpu.memory_space<vmem>>) target(%dma_start3A_300 : memref<102400x4xf32, #tpu.memory_space<vmem_shared>>) offsets(%dma_start3A_297 : memref<128xi32, #tpu.memory_space<vmem>>) semaphore(%arg13 : memref<!tpu.dma_semaphore, #tpu.memory_space<semaphore_mem>>) {add = true}
      %dma_start3A_301 = arith.constant 4 : i32
      %dma_start3A_302 = arith.constant 4 : i32
      %dma_start3A_303 = arith.constant 0 : i32
      %dma_start3A_304 = arith.constant 0 : i32
      %dma_start3A_305 = tpu.memref_slice %arg10[%dma_start3A_301, %dma_start3A_303, %dma_start3A_304] : memref<8x128x4xf32, #tpu.memory_space<vmem>> -> memref<1x128x4xf32, #tpu.memory_space<vmem>>
      %dma_start3A_306 = tpu.memref_squeeze %dma_start3A_305 : memref<1x128x4xf32, #tpu.memory_space<vmem>> -> memref<128x4xf32, #tpu.memory_space<vmem>>
      %dma_start3A_307 = arith.constant 0 : i32
      %dma_start3A_308 = tpu.memref_slice %arg9[%dma_start3A_302, %dma_start3A_307] : memref<8x128xi32, #tpu.memory_space<vmem>> -> memref<1x128xi32, #tpu.memory_space<vmem>>
      %dma_start3A_309 = tpu.memref_squeeze %dma_start3A_308 : memref<1x128xi32, #tpu.memory_space<vmem>> -> memref<128xi32, #tpu.memory_space<vmem>>
      %dma_start3A_310 = arith.constant 0 : i32
      %dma_start3A_311 = arith.constant 0 : i32
      %dma_start3A_312 = tpu.memref_slice %arg7[%dma_start3A_310, %dma_start3A_311] : memref<102400x4xf32, #tpu.memory_space<vmem_shared>> -> memref<102400x4xf32, #tpu.memory_space<vmem_shared>>
      tpu.enqueue_indirect_dma source(%dma_start3A_306 : memref<128x4xf32, #tpu.memory_space<vmem>>) target(%dma_start3A_312 : memref<102400x4xf32, #tpu.memory_space<vmem_shared>>) offsets(%dma_start3A_309 : memref<128xi32, #tpu.memory_space<vmem>>) semaphore(%arg13 : memref<!tpu.dma_semaphore, #tpu.memory_space<semaphore_mem>>) {add = true}
      %dma_start3A_313 = arith.constant 5 : i32
      %dma_start3A_314 = arith.constant 5 : i32
      %dma_start3A_315 = arith.constant 0 : i32
      %dma_start3A_316 = arith.constant 0 : i32
      %dma_start3A_317 = tpu.memref_slice %arg10[%dma_start3A_313, %dma_start3A_315, %dma_start3A_316] : memref<8x128x4xf32, #tpu.memory_space<vmem>> -> memref<1x128x4xf32, #tpu.memory_space<vmem>>
      %dma_start3A_318 = tpu.memref_squeeze %dma_start3A_317 : memref<1x128x4xf32, #tpu.memory_space<vmem>> -> memref<128x4xf32, #tpu.memory_space<vmem>>
      %dma_start3A_319 = arith.constant 0 : i32
      %dma_start3A_320 = tpu.memref_slice %arg9[%dma_start3A_314, %dma_start3A_319] : memref<8x128xi32, #tpu.memory_space<vmem>> -> memref<1x128xi32, #tpu.memory_space<vmem>>
      %dma_start3A_321 = tpu.memref_squeeze %dma_start3A_320 : memref<1x128xi32, #tpu.memory_space<vmem>> -> memref<128xi32, #tpu.memory_space<vmem>>
      %dma_start3A_322 = arith.constant 0 : i32
      %dma_start3A_323 = arith.constant 0 : i32
      %dma_start3A_324 = tpu.memref_slice %arg7[%dma_start3A_322, %dma_start3A_323] : memref<102400x4xf32, #tpu.memory_space<vmem_shared>> -> memref<102400x4xf32, #tpu.memory_space<vmem_shared>>
      tpu.enqueue_indirect_dma source(%dma_start3A_318 : memref<128x4xf32, #tpu.memory_space<vmem>>) target(%dma_start3A_324 : memref<102400x4xf32, #tpu.memory_space<vmem_shared>>) offsets(%dma_start3A_321 : memref<128xi32, #tpu.memory_space<vmem>>) semaphore(%arg13 : memref<!tpu.dma_semaphore, #tpu.memory_space<semaphore_mem>>) {add = true}
      %dma_start3A_325 = arith.constant 6 : i32
      %dma_start3A_326 = arith.constant 6 : i32
      %dma_start3A_327 = arith.constant 0 : i32
      %dma_start3A_328 = arith.constant 0 : i32
      %dma_start3A_329 = tpu.memref_slice %arg10[%dma_start3A_325, %dma_start3A_327, %dma_start3A_328] : memref<8x128x4xf32, #tpu.memory_space<vmem>> -> memref<1x128x4xf32, #tpu.memory_space<vmem>>
      %dma_start3A_330 = tpu.memref_squeeze %dma_start3A_329 : memref<1x128x4xf32, #tpu.memory_space<vmem>> -> memref<128x4xf32, #tpu.memory_space<vmem>>
      %dma_start3A_331 = arith.constant 0 : i32
      %dma_start3A_332 = tpu.memref_slice %arg9[%dma_start3A_326, %dma_start3A_331] : memref<8x128xi32, #tpu.memory_space<vmem>> -> memref<1x128xi32, #tpu.memory_space<vmem>>
      %dma_start3A_333 = tpu.memref_squeeze %dma_start3A_332 : memref<1x128xi32, #tpu.memory_space<vmem>> -> memref<128xi32, #tpu.memory_space<vmem>>
      %dma_start3A_334 = arith.constant 0 : i32
      %dma_start3A_335 = arith.constant 0 : i32
      %dma_start3A_336 = tpu.memref_slice %arg7[%dma_start3A_334, %dma_start3A_335] : memref<102400x4xf32, #tpu.memory_space<vmem_shared>> -> memref<102400x4xf32, #tpu.memory_space<vmem_shared>>
      tpu.enqueue_indirect_dma source(%dma_start3A_330 : memref<128x4xf32, #tpu.memory_space<vmem>>) target(%dma_start3A_336 : memref<102400x4xf32, #tpu.memory_space<vmem_shared>>) offsets(%dma_start3A_333 : memref<128xi32, #tpu.memory_space<vmem>>) semaphore(%arg13 : memref<!tpu.dma_semaphore, #tpu.memory_space<semaphore_mem>>) {add = true}
      %dma_start3A_337 = arith.constant 7 : i32
      %dma_start3A_338 = arith.constant 7 : i32
      %dma_start3A_339 = arith.constant 0 : i32
      %dma_start3A_340 = arith.constant 0 : i32
      %dma_start3A_341 = tpu.memref_slice %arg10[%dma_start3A_337, %dma_start3A_339, %dma_start3A_340] : memref<8x128x4xf32, #tpu.memory_space<vmem>> -> memref<1x128x4xf32, #tpu.memory_space<vmem>>
      %dma_start3A_342 = tpu.memref_squeeze %dma_start3A_341 : memref<1x128x4xf32, #tpu.memory_space<vmem>> -> memref<128x4xf32, #tpu.memory_space<vmem>>
      %dma_start3A_343 = arith.constant 0 : i32
      %dma_start3A_344 = tpu.memref_slice %arg9[%dma_start3A_338, %dma_start3A_343] : memref<8x128xi32, #tpu.memory_space<vmem>> -> memref<1x128xi32, #tpu.memory_space<vmem>>
      %dma_start3A_345 = tpu.memref_squeeze %dma_start3A_344 : memref<1x128xi32, #tpu.memory_space<vmem>> -> memref<128xi32, #tpu.memory_space<vmem>>
      %dma_start3A_346 = arith.constant 0 : i32
      %dma_start3A_347 = arith.constant 0 : i32
      %dma_start3A_348 = tpu.memref_slice %arg7[%dma_start3A_346, %dma_start3A_347] : memref<102400x4xf32, #tpu.memory_space<vmem_shared>> -> memref<102400x4xf32, #tpu.memory_space<vmem_shared>>
      tpu.enqueue_indirect_dma source(%dma_start3A_342 : memref<128x4xf32, #tpu.memory_space<vmem>>) target(%dma_start3A_348 : memref<102400x4xf32, #tpu.memory_space<vmem_shared>>) offsets(%dma_start3A_345 : memref<128xi32, #tpu.memory_space<vmem>>) semaphore(%arg13 : memref<!tpu.dma_semaphore, #tpu.memory_space<semaphore_mem>>) {add = true}
      %dma_wait3A_349 = arith.constant 0 : i32
      %dma_wait3A_350 = arith.constant 0 : i32
      %dma_wait3A_351 = arith.constant 0 : i32
      %dma_wait3A_352 = arith.constant 0 : i32
      %dma_wait3A_353 = tpu.memref_slice %arg10[%dma_wait3A_349, %dma_wait3A_351, %dma_wait3A_352] : memref<8x128x4xf32, #tpu.memory_space<vmem>> -> memref<1x128x4xf32, #tpu.memory_space<vmem>>
      %dma_wait3A_354 = tpu.memref_squeeze %dma_wait3A_353 : memref<1x128x4xf32, #tpu.memory_space<vmem>> -> memref<128x4xf32, #tpu.memory_space<vmem>>
      %dma_wait3A_355 = arith.constant 0 : i32
      %dma_wait3A_356 = tpu.memref_slice %arg9[%dma_wait3A_350, %dma_wait3A_355] : memref<8x128xi32, #tpu.memory_space<vmem>> -> memref<1x128xi32, #tpu.memory_space<vmem>>
      %dma_wait3A_357 = tpu.memref_squeeze %dma_wait3A_356 : memref<1x128xi32, #tpu.memory_space<vmem>> -> memref<128xi32, #tpu.memory_space<vmem>>
      %dma_wait3A_358 = arith.constant 0 : i32
      %dma_wait3A_359 = arith.constant 0 : i32
      %dma_wait3A_360 = tpu.memref_slice %arg7[%dma_wait3A_358, %dma_wait3A_359] : memref<102400x4xf32, #tpu.memory_space<vmem_shared>> -> memref<102400x4xf32, #tpu.memory_space<vmem_shared>>
      tpu.wait_indirect_dma semaphore(%arg13 : memref<!tpu.dma_semaphore, #tpu.memory_space<semaphore_mem>>) src(%dma_wait3A_354 : memref<128x4xf32, #tpu.memory_space<vmem>>) dst(%dma_wait3A_360 : memref<102400x4xf32, #tpu.memory_space<vmem_shared>>)
      %dma_wait3A_361 = arith.constant 1 : i32
      %dma_wait3A_362 = arith.constant 1 : i32
      %dma_wait3A_363 = arith.constant 0 : i32
      %dma_wait3A_364 = arith.constant 0 : i32
      %dma_wait3A_365 = tpu.memref_slice %arg10[%dma_wait3A_361, %dma_wait3A_363, %dma_wait3A_364] : memref<8x128x4xf32, #tpu.memory_space<vmem>> -> memref<1x128x4xf32, #tpu.memory_space<vmem>>
      %dma_wait3A_366 = tpu.memref_squeeze %dma_wait3A_365 : memref<1x128x4xf32, #tpu.memory_space<vmem>> -> memref<128x4xf32, #tpu.memory_space<vmem>>
      %dma_wait3A_367 = arith.constant 0 : i32
      %dma_wait3A_368 = tpu.memref_slice %arg9[%dma_wait3A_362, %dma_wait3A_367] : memref<8x128xi32, #tpu.memory_space<vmem>> -> memref<1x128xi32, #tpu.memory_space<vmem>>
      %dma_wait3A_369 = tpu.memref_squeeze %dma_wait3A_368 : memref<1x128xi32, #tpu.memory_space<vmem>> -> memref<128xi32, #tpu.memory_space<vmem>>
      %dma_wait3A_370 = arith.constant 0 : i32
      %dma_wait3A_371 = arith.constant 0 : i32
      %dma_wait3A_372 = tpu.memref_slice %arg7[%dma_wait3A_370, %dma_wait3A_371] : memref<102400x4xf32, #tpu.memory_space<vmem_shared>> -> memref<102400x4xf32, #tpu.memory_space<vmem_shared>>
      tpu.wait_indirect_dma semaphore(%arg13 : memref<!tpu.dma_semaphore, #tpu.memory_space<semaphore_mem>>) src(%dma_wait3A_366 : memref<128x4xf32, #tpu.memory_space<vmem>>) dst(%dma_wait3A_372 : memref<102400x4xf32, #tpu.memory_space<vmem_shared>>)
      %dma_wait3A_373 = arith.constant 2 : i32
      %dma_wait3A_374 = arith.constant 2 : i32
      %dma_wait3A_375 = arith.constant 0 : i32
      %dma_wait3A_376 = arith.constant 0 : i32
      %dma_wait3A_377 = tpu.memref_slice %arg10[%dma_wait3A_373, %dma_wait3A_375, %dma_wait3A_376] : memref<8x128x4xf32, #tpu.memory_space<vmem>> -> memref<1x128x4xf32, #tpu.memory_space<vmem>>
      %dma_wait3A_378 = tpu.memref_squeeze %dma_wait3A_377 : memref<1x128x4xf32, #tpu.memory_space<vmem>> -> memref<128x4xf32, #tpu.memory_space<vmem>>
      %dma_wait3A_379 = arith.constant 0 : i32
      %dma_wait3A_380 = tpu.memref_slice %arg9[%dma_wait3A_374, %dma_wait3A_379] : memref<8x128xi32, #tpu.memory_space<vmem>> -> memref<1x128xi32, #tpu.memory_space<vmem>>
      %dma_wait3A_381 = tpu.memref_squeeze %dma_wait3A_380 : memref<1x128xi32, #tpu.memory_space<vmem>> -> memref<128xi32, #tpu.memory_space<vmem>>
      %dma_wait3A_382 = arith.constant 0 : i32
      %dma_wait3A_383 = arith.constant 0 : i32
      %dma_wait3A_384 = tpu.memref_slice %arg7[%dma_wait3A_382, %dma_wait3A_383] : memref<102400x4xf32, #tpu.memory_space<vmem_shared>> -> memref<102400x4xf32, #tpu.memory_space<vmem_shared>>
      tpu.wait_indirect_dma semaphore(%arg13 : memref<!tpu.dma_semaphore, #tpu.memory_space<semaphore_mem>>) src(%dma_wait3A_378 : memref<128x4xf32, #tpu.memory_space<vmem>>) dst(%dma_wait3A_384 : memref<102400x4xf32, #tpu.memory_space<vmem_shared>>)
      %dma_wait3A_385 = arith.constant 3 : i32
      %dma_wait3A_386 = arith.constant 3 : i32
      %dma_wait3A_387 = arith.constant 0 : i32
      %dma_wait3A_388 = arith.constant 0 : i32
      %dma_wait3A_389 = tpu.memref_slice %arg10[%dma_wait3A_385, %dma_wait3A_387, %dma_wait3A_388] : memref<8x128x4xf32, #tpu.memory_space<vmem>> -> memref<1x128x4xf32, #tpu.memory_space<vmem>>
      %dma_wait3A_390 = tpu.memref_squeeze %dma_wait3A_389 : memref<1x128x4xf32, #tpu.memory_space<vmem>> -> memref<128x4xf32, #tpu.memory_space<vmem>>
      %dma_wait3A_391 = arith.constant 0 : i32
      %dma_wait3A_392 = tpu.memref_slice %arg9[%dma_wait3A_386, %dma_wait3A_391] : memref<8x128xi32, #tpu.memory_space<vmem>> -> memref<1x128xi32, #tpu.memory_space<vmem>>
      %dma_wait3A_393 = tpu.memref_squeeze %dma_wait3A_392 : memref<1x128xi32, #tpu.memory_space<vmem>> -> memref<128xi32, #tpu.memory_space<vmem>>
      %dma_wait3A_394 = arith.constant 0 : i32
      %dma_wait3A_395 = arith.constant 0 : i32
      %dma_wait3A_396 = tpu.memref_slice %arg7[%dma_wait3A_394, %dma_wait3A_395] : memref<102400x4xf32, #tpu.memory_space<vmem_shared>> -> memref<102400x4xf32, #tpu.memory_space<vmem_shared>>
      tpu.wait_indirect_dma semaphore(%arg13 : memref<!tpu.dma_semaphore, #tpu.memory_space<semaphore_mem>>) src(%dma_wait3A_390 : memref<128x4xf32, #tpu.memory_space<vmem>>) dst(%dma_wait3A_396 : memref<102400x4xf32, #tpu.memory_space<vmem_shared>>)
      %dma_wait3A_397 = arith.constant 4 : i32
      %dma_wait3A_398 = arith.constant 4 : i32
      %dma_wait3A_399 = arith.constant 0 : i32
      %dma_wait3A_400 = arith.constant 0 : i32
      %dma_wait3A_401 = tpu.memref_slice %arg10[%dma_wait3A_397, %dma_wait3A_399, %dma_wait3A_400] : memref<8x128x4xf32, #tpu.memory_space<vmem>> -> memref<1x128x4xf32, #tpu.memory_space<vmem>>
      %dma_wait3A_402 = tpu.memref_squeeze %dma_wait3A_401 : memref<1x128x4xf32, #tpu.memory_space<vmem>> -> memref<128x4xf32, #tpu.memory_space<vmem>>
      %dma_wait3A_403 = arith.constant 0 : i32
      %dma_wait3A_404 = tpu.memref_slice %arg9[%dma_wait3A_398, %dma_wait3A_403] : memref<8x128xi32, #tpu.memory_space<vmem>> -> memref<1x128xi32, #tpu.memory_space<vmem>>
      %dma_wait3A_405 = tpu.memref_squeeze %dma_wait3A_404 : memref<1x128xi32, #tpu.memory_space<vmem>> -> memref<128xi32, #tpu.memory_space<vmem>>
      %dma_wait3A_406 = arith.constant 0 : i32
      %dma_wait3A_407 = arith.constant 0 : i32
      %dma_wait3A_408 = tpu.memref_slice %arg7[%dma_wait3A_406, %dma_wait3A_407] : memref<102400x4xf32, #tpu.memory_space<vmem_shared>> -> memref<102400x4xf32, #tpu.memory_space<vmem_shared>>
      tpu.wait_indirect_dma semaphore(%arg13 : memref<!tpu.dma_semaphore, #tpu.memory_space<semaphore_mem>>) src(%dma_wait3A_402 : memref<128x4xf32, #tpu.memory_space<vmem>>) dst(%dma_wait3A_408 : memref<102400x4xf32, #tpu.memory_space<vmem_shared>>)
      %dma_wait3A_409 = arith.constant 5 : i32
      %dma_wait3A_410 = arith.constant 5 : i32
      %dma_wait3A_411 = arith.constant 0 : i32
      %dma_wait3A_412 = arith.constant 0 : i32
      %dma_wait3A_413 = tpu.memref_slice %arg10[%dma_wait3A_409, %dma_wait3A_411, %dma_wait3A_412] : memref<8x128x4xf32, #tpu.memory_space<vmem>> -> memref<1x128x4xf32, #tpu.memory_space<vmem>>
      %dma_wait3A_414 = tpu.memref_squeeze %dma_wait3A_413 : memref<1x128x4xf32, #tpu.memory_space<vmem>> -> memref<128x4xf32, #tpu.memory_space<vmem>>
      %dma_wait3A_415 = arith.constant 0 : i32
      %dma_wait3A_416 = tpu.memref_slice %arg9[%dma_wait3A_410, %dma_wait3A_415] : memref<8x128xi32, #tpu.memory_space<vmem>> -> memref<1x128xi32, #tpu.memory_space<vmem>>
      %dma_wait3A_417 = tpu.memref_squeeze %dma_wait3A_416 : memref<1x128xi32, #tpu.memory_space<vmem>> -> memref<128xi32, #tpu.memory_space<vmem>>
      %dma_wait3A_418 = arith.constant 0 : i32
      %dma_wait3A_419 = arith.constant 0 : i32
      %dma_wait3A_420 = tpu.memref_slice %arg7[%dma_wait3A_418, %dma_wait3A_419] : memref<102400x4xf32, #tpu.memory_space<vmem_shared>> -> memref<102400x4xf32, #tpu.memory_space<vmem_shared>>
      tpu.wait_indirect_dma semaphore(%arg13 : memref<!tpu.dma_semaphore, #tpu.memory_space<semaphore_mem>>) src(%dma_wait3A_414 : memref<128x4xf32, #tpu.memory_space<vmem>>) dst(%dma_wait3A_420 : memref<102400x4xf32, #tpu.memory_space<vmem_shared>>)
      %dma_wait3A_421 = arith.constant 6 : i32
      %dma_wait3A_422 = arith.constant 6 : i32
      %dma_wait3A_423 = arith.constant 0 : i32
      %dma_wait3A_424 = arith.constant 0 : i32
      %dma_wait3A_425 = tpu.memref_slice %arg10[%dma_wait3A_421, %dma_wait3A_423, %dma_wait3A_424] : memref<8x128x4xf32, #tpu.memory_space<vmem>> -> memref<1x128x4xf32, #tpu.memory_space<vmem>>
      %dma_wait3A_426 = tpu.memref_squeeze %dma_wait3A_425 : memref<1x128x4xf32, #tpu.memory_space<vmem>> -> memref<128x4xf32, #tpu.memory_space<vmem>>
      %dma_wait3A_427 = arith.constant 0 : i32
      %dma_wait3A_428 = tpu.memref_slice %arg9[%dma_wait3A_422, %dma_wait3A_427] : memref<8x128xi32, #tpu.memory_space<vmem>> -> memref<1x128xi32, #tpu.memory_space<vmem>>
      %dma_wait3A_429 = tpu.memref_squeeze %dma_wait3A_428 : memref<1x128xi32, #tpu.memory_space<vmem>> -> memref<128xi32, #tpu.memory_space<vmem>>
      %dma_wait3A_430 = arith.constant 0 : i32
      %dma_wait3A_431 = arith.constant 0 : i32
      %dma_wait3A_432 = tpu.memref_slice %arg7[%dma_wait3A_430, %dma_wait3A_431] : memref<102400x4xf32, #tpu.memory_space<vmem_shared>> -> memref<102400x4xf32, #tpu.memory_space<vmem_shared>>
      tpu.wait_indirect_dma semaphore(%arg13 : memref<!tpu.dma_semaphore, #tpu.memory_space<semaphore_mem>>) src(%dma_wait3A_426 : memref<128x4xf32, #tpu.memory_space<vmem>>) dst(%dma_wait3A_432 : memref<102400x4xf32, #tpu.memory_space<vmem_shared>>)
      %dma_wait3A_433 = arith.constant 7 : i32
      %dma_wait3A_434 = arith.constant 7 : i32
      %dma_wait3A_435 = arith.constant 0 : i32
      %dma_wait3A_436 = arith.constant 0 : i32
      %dma_wait3A_437 = tpu.memref_slice %arg10[%dma_wait3A_433, %dma_wait3A_435, %dma_wait3A_436] : memref<8x128x4xf32, #tpu.memory_space<vmem>> -> memref<1x128x4xf32, #tpu.memory_space<vmem>>
      %dma_wait3A_438 = tpu.memref_squeeze %dma_wait3A_437 : memref<1x128x4xf32, #tpu.memory_space<vmem>> -> memref<128x4xf32, #tpu.memory_space<vmem>>
      %dma_wait3A_439 = arith.constant 0 : i32
      %dma_wait3A_440 = tpu.memref_slice %arg9[%dma_wait3A_434, %dma_wait3A_439] : memref<8x128xi32, #tpu.memory_space<vmem>> -> memref<1x128xi32, #tpu.memory_space<vmem>>
      %dma_wait3A_441 = tpu.memref_squeeze %dma_wait3A_440 : memref<1x128xi32, #tpu.memory_space<vmem>> -> memref<128xi32, #tpu.memory_space<vmem>>
      %dma_wait3A_442 = arith.constant 0 : i32
      %dma_wait3A_443 = arith.constant 0 : i32
      %dma_wait3A_444 = tpu.memref_slice %arg7[%dma_wait3A_442, %dma_wait3A_443] : memref<102400x4xf32, #tpu.memory_space<vmem_shared>> -> memref<102400x4xf32, #tpu.memory_space<vmem_shared>>
      tpu.wait_indirect_dma semaphore(%arg13 : memref<!tpu.dma_semaphore, #tpu.memory_space<semaphore_mem>>) src(%dma_wait3A_438 : memref<128x4xf32, #tpu.memory_space<vmem>>) dst(%dma_wait3A_444 : memref<102400x4xf32, #tpu.memory_space<vmem_shared>>)
    }
    %scan3A_6 = arith.constant 98 : i32
    %barrier3A_7 = arith.constant 0 : index
    tpu.barrier barrier_id(%barrier3A_7)
    %mul3A_8 = arith.constant 6400 : i32
    %mul3A_9 = arith.muli %arg1, %mul3A_8 : i32
    "tpu.region"() ({
      %run_scoped3A = tpu.sem_alloc : memref<!tpu.dma_semaphore, #tpu.memory_space<semaphore_mem>>
      %dma_start3A = arith.constant 0 : i32
      %dma_start3A_10 = arith.constant 0 : i32
      %dma_start3A_11 = tpu.memref_slice %arg6[%arg0, %dma_start3A, %dma_start3A_10] : memref<2x102400x4xf32, #tpu.memory_space<hbm>> -> memref<1x102400x4xf32, #tpu.memory_space<hbm>>
      %dma_start3A_12 = tpu.memref_squeeze %dma_start3A_11 : memref<1x102400x4xf32, #tpu.memory_space<hbm>> -> memref<102400x4xf32, #tpu.memory_space<hbm>>
      %dma_start3A_13 = arith.constant 0 : i32
      %dma_start3A_14 = tpu.memref_slice %dma_start3A_12[%mul3A_9, %dma_start3A_13] : memref<102400x4xf32, #tpu.memory_space<hbm>> -> memref<6400x4xf32, #tpu.memory_space<hbm>>
      %dma_start3A_15 = arith.constant 0 : i32
      %dma_start3A_16 = tpu.memref_slice %arg7[%mul3A_9, %dma_start3A_15] : memref<102400x4xf32, #tpu.memory_space<vmem_shared>> -> memref<6400x4xf32, #tpu.memory_space<vmem_shared>>
      tpu.enqueue_dma source(%dma_start3A_16 : memref<6400x4xf32, #tpu.memory_space<vmem_shared>>) target(%dma_start3A_14 : memref<6400x4xf32, #tpu.memory_space<hbm>>) target_semaphore(%run_scoped3A : memref<!tpu.dma_semaphore, #tpu.memory_space<semaphore_mem>>)
      %dma_wait3A = arith.constant 0 : i32
      %dma_wait3A_17 = arith.constant 0 : i32
      %dma_wait3A_18 = tpu.memref_slice %arg6[%arg0, %dma_wait3A, %dma_wait3A_17] : memref<2x102400x4xf32, #tpu.memory_space<hbm>> -> memref<1x102400x4xf32, #tpu.memory_space<hbm>>
      %dma_wait3A_19 = tpu.memref_squeeze %dma_wait3A_18 : memref<1x102400x4xf32, #tpu.memory_space<hbm>> -> memref<102400x4xf32, #tpu.memory_space<hbm>>
      %dma_wait3A_20 = arith.constant 0 : i32
      %dma_wait3A_21 = tpu.memref_slice %dma_wait3A_19[%mul3A_9, %dma_wait3A_20] : memref<102400x4xf32, #tpu.memory_space<hbm>> -> memref<6400x4xf32, #tpu.memory_space<hbm>>
      %dma_wait3A_22 = arith.constant 0 : i32
      %dma_wait3A_23 = tpu.memref_slice %arg7[%mul3A_9, %dma_wait3A_22] : memref<102400x4xf32, #tpu.memory_space<vmem_shared>> -> memref<6400x4xf32, #tpu.memory_space<vmem_shared>>
      tpu.wait_dma2 semaphore(%run_scoped3A : memref<!tpu.dma_semaphore, #tpu.memory_space<semaphore_mem>>) src(%dma_wait3A_23 : memref<6400x4xf32, #tpu.memory_space<vmem_shared>>) dst(%dma_wait3A_21 : memref<6400x4xf32, #tpu.memory_space<hbm>>)
      tpu.yield
    }) : () -> ()
    return
  }
}

#map = affine_map<(d0, d1) -> (0, 0)>
#map1 = affine_map<(d0, d1) -> (0, 0, 0)>
module attributes {stable_mosaic.version = 14 : i64} {
  func.func @_agg_kernel(%arg0: i32, %arg1: i32, %arg2: memref<102400x4xf32, #tpu.memory_space<hbm>>, %arg3: memref<32x784x128xi32, #tpu.memory_space<hbm>>, %arg4: memref<32x784x128xi32, #tpu.memory_space<hbm>>, %arg5: memref<102400x4xf32, #tpu.memory_space<hbm>>, %arg6: memref<2x102400x4xf32, #tpu.memory_space<hbm>>, %arg7: memref<102400x4xf32, #tpu.memory_space<vmem_shared>>, %arg8: memref<8x128xi32, #tpu.memory_space<vmem>>, %arg9: memref<8x128xi32, #tpu.memory_space<vmem>>, %arg10: memref<8x128x4xf32, #tpu.memory_space<vmem>>, %arg11: memref<!tpu.dma_semaphore, #tpu.memory_space<semaphore_mem>>, %arg12: memref<!tpu.dma_semaphore, #tpu.memory_space<semaphore_mem>>, %arg13: memref<!tpu.dma_semaphore, #tpu.memory_space<semaphore_mem>>) attributes {dimension_semantics = [#tpu.dimension_semantics<core_parallel>, #tpu.dimension_semantics<subcore_parallel>], iteration_bounds = array<i64: 2, 16>, scalar_prefetch = 0 : i64, scratch_operands = 7 : i64, tpu.core_type = #tpu.core_type<sc_vector_subcore>, window_params = [{transform_indices = #map}, {transform_indices = #map1}, {transform_indices = #map1}, {transform_indices = #map}, {transform_indices = #map1}]} {
    %mul3A = arith.constant 2 : i32
    %mul3A_0 = arith.muli %arg1, %mul3A : i32
    %add3A = arith.addi %mul3A_0, %arg0 : i32
    %mul3A_1 = arith.constant 6400 : i32
    %mul3A_2 = arith.muli %arg1, %mul3A_1 : i32
    "tpu.region"() ({
      %run_scoped3A = tpu.sem_alloc : memref<!tpu.dma_semaphore, #tpu.memory_space<semaphore_mem>>
      %dma_start3A = arith.constant 0 : i32
      %dma_start3A_10 = tpu.memref_slice %arg7[%mul3A_2, %dma_start3A] : memref<102400x4xf32, #tpu.memory_space<vmem_shared>> -> memref<6400x4xf32, #tpu.memory_space<vmem_shared>>
      %dma_start3A_11 = arith.constant 0 : i32
      %dma_start3A_12 = tpu.memref_slice %arg5[%mul3A_2, %dma_start3A_11] : memref<102400x4xf32, #tpu.memory_space<hbm>> -> memref<6400x4xf32, #tpu.memory_space<hbm>>
      tpu.enqueue_dma source(%dma_start3A_12 : memref<6400x4xf32, #tpu.memory_space<hbm>>) target(%dma_start3A_10 : memref<6400x4xf32, #tpu.memory_space<vmem_shared>>) target_semaphore(%run_scoped3A : memref<!tpu.dma_semaphore, #tpu.memory_space<semaphore_mem>>)
      %dma_wait3A = arith.constant 0 : i32
      %dma_wait3A_13 = tpu.memref_slice %arg7[%mul3A_2, %dma_wait3A] : memref<102400x4xf32, #tpu.memory_space<vmem_shared>> -> memref<6400x4xf32, #tpu.memory_space<vmem_shared>>
      %dma_wait3A_14 = arith.constant 0 : i32
      %dma_wait3A_15 = tpu.memref_slice %arg5[%mul3A_2, %dma_wait3A_14] : memref<102400x4xf32, #tpu.memory_space<hbm>> -> memref<6400x4xf32, #tpu.memory_space<hbm>>
      tpu.wait_dma2 semaphore(%run_scoped3A : memref<!tpu.dma_semaphore, #tpu.memory_space<semaphore_mem>>) src(%dma_wait3A_15 : memref<6400x4xf32, #tpu.memory_space<hbm>>) dst(%dma_wait3A_13 : memref<6400x4xf32, #tpu.memory_space<vmem_shared>>)
      tpu.yield
    }) : () -> ()
    %barrier3A = arith.constant 0 : index
    tpu.barrier barrier_id(%barrier3A)
    %scan3A = arith.constant 0 : i32
    %scan3A_3 = arith.constant 98 : i32
    %scan3A_4 = arith.addi %scan3A, %scan3A_3 : i32
    %scan3A_5 = arith.constant 1 : i32
    scf.for %scan3A_10 = %scan3A to %scan3A_4 step %scan3A_5  : i32 {
      %mul3A_11 = arith.constant 8 : i32
      %mul3A_12 = arith.muli %scan3A_10, %mul3A_11 : i32
      %add3A_13 = arith.constant 0 : i32
      %add3A_14 = arith.addi %add3A_13, %mul3A_12 : i32
      %dma_start3A = arith.constant 0 : i32
      %dma_start3A_15 = arith.constant 0 : i32
      %dma_start3A_16 = tpu.memref_slice %arg3[%add3A, %dma_start3A, %dma_start3A_15] : memref<32x784x128xi32, #tpu.memory_space<hbm>> -> memref<1x784x128xi32, #tpu.memory_space<hbm>>
      %dma_start3A_17 = tpu.memref_squeeze %dma_start3A_16 : memref<1x784x128xi32, #tpu.memory_space<hbm>> -> memref<784x128xi32, #tpu.memory_space<hbm>>
      %dma_start3A_18 = arith.constant 0 : i32
      %dma_start3A_19 = tpu.memref_slice %dma_start3A_17[%add3A_14, %dma_start3A_18] : memref<784x128xi32, #tpu.memory_space<hbm>> -> memref<8x128xi32, #tpu.memory_space<hbm>>
      %dma_start3A_20 = arith.constant 0 : i32
      %dma_start3A_21 = arith.constant 0 : i32
      %dma_start3A_22 = tpu.memref_slice %arg3[%add3A, %dma_start3A_20, %dma_start3A_21] : memref<32x784x128xi32, #tpu.memory_space<hbm>> -> memref<1x784x128xi32, #tpu.memory_space<hbm>>
      %dma_start3A_23 = tpu.memref_squeeze %dma_start3A_22 : memref<1x784x128xi32, #tpu.memory_space<hbm>> -> memref<784x128xi32, #tpu.memory_space<hbm>>
      %dma_start3A_24 = arith.constant 0 : i32
      %dma_start3A_25 = tpu.memref_slice %dma_start3A_23[%add3A_14, %dma_start3A_24] : memref<784x128xi32, #tpu.memory_space<hbm>> -> memref<8x128xi32, #tpu.memory_space<hbm>>
      tpu.enqueue_dma source(%dma_start3A_25 : memref<8x128xi32, #tpu.memory_space<hbm>>) target(%arg8 : memref<8x128xi32, #tpu.memory_space<vmem>>) target_semaphore(%arg11 : memref<!tpu.dma_semaphore, #tpu.memory_space<semaphore_mem>>)
      %dma_start3A_26 = arith.constant 0 : i32
      %dma_start3A_27 = arith.constant 0 : i32
      %dma_start3A_28 = tpu.memref_slice %arg4[%add3A, %dma_start3A_26, %dma_start3A_27] : memref<32x784x128xi32, #tpu.memory_space<hbm>> -> memref<1x784x128xi32, #tpu.memory_space<hbm>>
      %dma_start3A_29 = tpu.memref_squeeze %dma_start3A_28 : memref<1x784x128xi32, #tpu.memory_space<hbm>> -> memref<784x128xi32, #tpu.memory_space<hbm>>
      %dma_start3A_30 = arith.constant 0 : i32
      %dma_start3A_31 = tpu.memref_slice %dma_start3A_29[%add3A_14, %dma_start3A_30] : memref<784x128xi32, #tpu.memory_space<hbm>> -> memref<8x128xi32, #tpu.memory_space<hbm>>
      %dma_start3A_32 = arith.constant 0 : i32
      %dma_start3A_33 = arith.constant 0 : i32
      %dma_start3A_34 = tpu.memref_slice %arg4[%add3A, %dma_start3A_32, %dma_start3A_33] : memref<32x784x128xi32, #tpu.memory_space<hbm>> -> memref<1x784x128xi32, #tpu.memory_space<hbm>>
      %dma_start3A_35 = tpu.memref_squeeze %dma_start3A_34 : memref<1x784x128xi32, #tpu.memory_space<hbm>> -> memref<784x128xi32, #tpu.memory_space<hbm>>
      %dma_start3A_36 = arith.constant 0 : i32
      %dma_start3A_37 = tpu.memref_slice %dma_start3A_35[%add3A_14, %dma_start3A_36] : memref<784x128xi32, #tpu.memory_space<hbm>> -> memref<8x128xi32, #tpu.memory_space<hbm>>
      tpu.enqueue_dma source(%dma_start3A_37 : memref<8x128xi32, #tpu.memory_space<hbm>>) target(%arg9 : memref<8x128xi32, #tpu.memory_space<vmem>>) target_semaphore(%arg11 : memref<!tpu.dma_semaphore, #tpu.memory_space<semaphore_mem>>)
      %dma_wait3A = arith.constant 0 : i32
      %dma_wait3A_38 = arith.constant 0 : i32
      %dma_wait3A_39 = tpu.memref_slice %arg3[%add3A, %dma_wait3A, %dma_wait3A_38] : memref<32x784x128xi32, #tpu.memory_space<hbm>> -> memref<1x784x128xi32, #tpu.memory_space<hbm>>
      %dma_wait3A_40 = tpu.memref_squeeze %dma_wait3A_39 : memref<1x784x128xi32, #tpu.memory_space<hbm>> -> memref<784x128xi32, #tpu.memory_space<hbm>>
      %dma_wait3A_41 = arith.constant 0 : i32
      %dma_wait3A_42 = tpu.memref_slice %dma_wait3A_40[%add3A_14, %dma_wait3A_41] : memref<784x128xi32, #tpu.memory_space<hbm>> -> memref<8x128xi32, #tpu.memory_space<hbm>>
      %dma_wait3A_43 = arith.constant 0 : i32
      %dma_wait3A_44 = arith.constant 0 : i32
      %dma_wait3A_45 = tpu.memref_slice %arg3[%add3A, %dma_wait3A_43, %dma_wait3A_44] : memref<32x784x128xi32, #tpu.memory_space<hbm>> -> memref<1x784x128xi32, #tpu.memory_space<hbm>>
      %dma_wait3A_46 = tpu.memref_squeeze %dma_wait3A_45 : memref<1x784x128xi32, #tpu.memory_space<hbm>> -> memref<784x128xi32, #tpu.memory_space<hbm>>
      %dma_wait3A_47 = arith.constant 0 : i32
      %dma_wait3A_48 = tpu.memref_slice %dma_wait3A_46[%add3A_14, %dma_wait3A_47] : memref<784x128xi32, #tpu.memory_space<hbm>> -> memref<8x128xi32, #tpu.memory_space<hbm>>
      tpu.wait_dma2 semaphore(%arg11 : memref<!tpu.dma_semaphore, #tpu.memory_space<semaphore_mem>>) src(%dma_wait3A_48 : memref<8x128xi32, #tpu.memory_space<hbm>>) dst(%arg8 : memref<8x128xi32, #tpu.memory_space<vmem>>)
      %dma_wait3A_49 = arith.constant 0 : i32
      %dma_wait3A_50 = arith.constant 0 : i32
      %dma_wait3A_51 = tpu.memref_slice %arg4[%add3A, %dma_wait3A_49, %dma_wait3A_50] : memref<32x784x128xi32, #tpu.memory_space<hbm>> -> memref<1x784x128xi32, #tpu.memory_space<hbm>>
      %dma_wait3A_52 = tpu.memref_squeeze %dma_wait3A_51 : memref<1x784x128xi32, #tpu.memory_space<hbm>> -> memref<784x128xi32, #tpu.memory_space<hbm>>
      %dma_wait3A_53 = arith.constant 0 : i32
      %dma_wait3A_54 = tpu.memref_slice %dma_wait3A_52[%add3A_14, %dma_wait3A_53] : memref<784x128xi32, #tpu.memory_space<hbm>> -> memref<8x128xi32, #tpu.memory_space<hbm>>
      %dma_wait3A_55 = arith.constant 0 : i32
      %dma_wait3A_56 = arith.constant 0 : i32
      %dma_wait3A_57 = tpu.memref_slice %arg4[%add3A, %dma_wait3A_55, %dma_wait3A_56] : memref<32x784x128xi32, #tpu.memory_space<hbm>> -> memref<1x784x128xi32, #tpu.memory_space<hbm>>
      %dma_wait3A_58 = tpu.memref_squeeze %dma_wait3A_57 : memref<1x784x128xi32, #tpu.memory_space<hbm>> -> memref<784x128xi32, #tpu.memory_space<hbm>>
      %dma_wait3A_59 = arith.constant 0 : i32
      %dma_wait3A_60 = tpu.memref_slice %dma_wait3A_58[%add3A_14, %dma_wait3A_59] : memref<784x128xi32, #tpu.memory_space<hbm>> -> memref<8x128xi32, #tpu.memory_space<hbm>>
      tpu.wait_dma2 semaphore(%arg11 : memref<!tpu.dma_semaphore, #tpu.memory_space<semaphore_mem>>) src(%dma_wait3A_60 : memref<8x128xi32, #tpu.memory_space<hbm>>) dst(%arg9 : memref<8x128xi32, #tpu.memory_space<vmem>>)
      %dma_start3A_61 = arith.constant 0 : i32
      %dma_start3A_62 = arith.constant 0 : i32
      %dma_start3A_63 = arith.constant 0 : i32
      %dma_start3A_64 = arith.constant 0 : i32
      %dma_start3A_65 = tpu.memref_slice %arg10[%dma_start3A_62, %dma_start3A_63, %dma_start3A_64] : memref<8x128x4xf32, #tpu.memory_space<vmem>> -> memref<1x128x4xf32, #tpu.memory_space<vmem>>
      %dma_start3A_66 = tpu.memref_squeeze %dma_start3A_65 : memref<1x128x4xf32, #tpu.memory_space<vmem>> -> memref<128x4xf32, #tpu.memory_space<vmem>>
      %dma_start3A_67 = arith.constant 0 : i32
      %dma_start3A_68 = tpu.memref_slice %arg8[%dma_start3A_61, %dma_start3A_67] : memref<8x128xi32, #tpu.memory_space<vmem>> -> memref<1x128xi32, #tpu.memory_space<vmem>>
      %dma_start3A_69 = tpu.memref_squeeze %dma_start3A_68 : memref<1x128xi32, #tpu.memory_space<vmem>> -> memref<128xi32, #tpu.memory_space<vmem>>
      %dma_start3A_70 = arith.constant 0 : i32
      %dma_start3A_71 = arith.constant 0 : i32
      %dma_start3A_72 = tpu.memref_slice %arg2[%dma_start3A_70, %dma_start3A_71] : memref<102400x4xf32, #tpu.memory_space<hbm>> -> memref<102400x4xf32, #tpu.memory_space<hbm>>
      tpu.enqueue_indirect_dma source(%dma_start3A_72 : memref<102400x4xf32, #tpu.memory_space<hbm>>) target(%dma_start3A_66 : memref<128x4xf32, #tpu.memory_space<vmem>>) offsets(%dma_start3A_69 : memref<128xi32, #tpu.memory_space<vmem>>) semaphore(%arg12 : memref<!tpu.dma_semaphore, #tpu.memory_space<semaphore_mem>>)
      %dma_start3A_73 = arith.constant 1 : i32
      %dma_start3A_74 = arith.constant 1 : i32
      %dma_start3A_75 = arith.constant 0 : i32
      %dma_start3A_76 = arith.constant 0 : i32
      %dma_start3A_77 = tpu.memref_slice %arg10[%dma_start3A_74, %dma_start3A_75, %dma_start3A_76] : memref<8x128x4xf32, #tpu.memory_space<vmem>> -> memref<1x128x4xf32, #tpu.memory_space<vmem>>
      %dma_start3A_78 = tpu.memref_squeeze %dma_start3A_77 : memref<1x128x4xf32, #tpu.memory_space<vmem>> -> memref<128x4xf32, #tpu.memory_space<vmem>>
      %dma_start3A_79 = arith.constant 0 : i32
      %dma_start3A_80 = tpu.memref_slice %arg8[%dma_start3A_73, %dma_start3A_79] : memref<8x128xi32, #tpu.memory_space<vmem>> -> memref<1x128xi32, #tpu.memory_space<vmem>>
      %dma_start3A_81 = tpu.memref_squeeze %dma_start3A_80 : memref<1x128xi32, #tpu.memory_space<vmem>> -> memref<128xi32, #tpu.memory_space<vmem>>
      %dma_start3A_82 = arith.constant 0 : i32
      %dma_start3A_83 = arith.constant 0 : i32
      %dma_start3A_84 = tpu.memref_slice %arg2[%dma_start3A_82, %dma_start3A_83] : memref<102400x4xf32, #tpu.memory_space<hbm>> -> memref<102400x4xf32, #tpu.memory_space<hbm>>
      tpu.enqueue_indirect_dma source(%dma_start3A_84 : memref<102400x4xf32, #tpu.memory_space<hbm>>) target(%dma_start3A_78 : memref<128x4xf32, #tpu.memory_space<vmem>>) offsets(%dma_start3A_81 : memref<128xi32, #tpu.memory_space<vmem>>) semaphore(%arg12 : memref<!tpu.dma_semaphore, #tpu.memory_space<semaphore_mem>>)
      %dma_start3A_85 = arith.constant 2 : i32
      %dma_start3A_86 = arith.constant 2 : i32
      %dma_start3A_87 = arith.constant 0 : i32
      %dma_start3A_88 = arith.constant 0 : i32
      %dma_start3A_89 = tpu.memref_slice %arg10[%dma_start3A_86, %dma_start3A_87, %dma_start3A_88] : memref<8x128x4xf32, #tpu.memory_space<vmem>> -> memref<1x128x4xf32, #tpu.memory_space<vmem>>
      %dma_start3A_90 = tpu.memref_squeeze %dma_start3A_89 : memref<1x128x4xf32, #tpu.memory_space<vmem>> -> memref<128x4xf32, #tpu.memory_space<vmem>>
      %dma_start3A_91 = arith.constant 0 : i32
      %dma_start3A_92 = tpu.memref_slice %arg8[%dma_start3A_85, %dma_start3A_91] : memref<8x128xi32, #tpu.memory_space<vmem>> -> memref<1x128xi32, #tpu.memory_space<vmem>>
      %dma_start3A_93 = tpu.memref_squeeze %dma_start3A_92 : memref<1x128xi32, #tpu.memory_space<vmem>> -> memref<128xi32, #tpu.memory_space<vmem>>
      %dma_start3A_94 = arith.constant 0 : i32
      %dma_start3A_95 = arith.constant 0 : i32
      %dma_start3A_96 = tpu.memref_slice %arg2[%dma_start3A_94, %dma_start3A_95] : memref<102400x4xf32, #tpu.memory_space<hbm>> -> memref<102400x4xf32, #tpu.memory_space<hbm>>
      tpu.enqueue_indirect_dma source(%dma_start3A_96 : memref<102400x4xf32, #tpu.memory_space<hbm>>) target(%dma_start3A_90 : memref<128x4xf32, #tpu.memory_space<vmem>>) offsets(%dma_start3A_93 : memref<128xi32, #tpu.memory_space<vmem>>) semaphore(%arg12 : memref<!tpu.dma_semaphore, #tpu.memory_space<semaphore_mem>>)
      %dma_start3A_97 = arith.constant 3 : i32
      %dma_start3A_98 = arith.constant 3 : i32
      %dma_start3A_99 = arith.constant 0 : i32
      %dma_start3A_100 = arith.constant 0 : i32
      %dma_start3A_101 = tpu.memref_slice %arg10[%dma_start3A_98, %dma_start3A_99, %dma_start3A_100] : memref<8x128x4xf32, #tpu.memory_space<vmem>> -> memref<1x128x4xf32, #tpu.memory_space<vmem>>
      %dma_start3A_102 = tpu.memref_squeeze %dma_start3A_101 : memref<1x128x4xf32, #tpu.memory_space<vmem>> -> memref<128x4xf32, #tpu.memory_space<vmem>>
      %dma_start3A_103 = arith.constant 0 : i32
      %dma_start3A_104 = tpu.memref_slice %arg8[%dma_start3A_97, %dma_start3A_103] : memref<8x128xi32, #tpu.memory_space<vmem>> -> memref<1x128xi32, #tpu.memory_space<vmem>>
      %dma_start3A_105 = tpu.memref_squeeze %dma_start3A_104 : memref<1x128xi32, #tpu.memory_space<vmem>> -> memref<128xi32, #tpu.memory_space<vmem>>
      %dma_start3A_106 = arith.constant 0 : i32
      %dma_start3A_107 = arith.constant 0 : i32
      %dma_start3A_108 = tpu.memref_slice %arg2[%dma_start3A_106, %dma_start3A_107] : memref<102400x4xf32, #tpu.memory_space<hbm>> -> memref<102400x4xf32, #tpu.memory_space<hbm>>
      tpu.enqueue_indirect_dma source(%dma_start3A_108 : memref<102400x4xf32, #tpu.memory_space<hbm>>) target(%dma_start3A_102 : memref<128x4xf32, #tpu.memory_space<vmem>>) offsets(%dma_start3A_105 : memref<128xi32, #tpu.memory_space<vmem>>) semaphore(%arg12 : memref<!tpu.dma_semaphore, #tpu.memory_space<semaphore_mem>>)
      %dma_start3A_109 = arith.constant 4 : i32
      %dma_start3A_110 = arith.constant 4 : i32
      %dma_start3A_111 = arith.constant 0 : i32
      %dma_start3A_112 = arith.constant 0 : i32
      %dma_start3A_113 = tpu.memref_slice %arg10[%dma_start3A_110, %dma_start3A_111, %dma_start3A_112] : memref<8x128x4xf32, #tpu.memory_space<vmem>> -> memref<1x128x4xf32, #tpu.memory_space<vmem>>
      %dma_start3A_114 = tpu.memref_squeeze %dma_start3A_113 : memref<1x128x4xf32, #tpu.memory_space<vmem>> -> memref<128x4xf32, #tpu.memory_space<vmem>>
      %dma_start3A_115 = arith.constant 0 : i32
      %dma_start3A_116 = tpu.memref_slice %arg8[%dma_start3A_109, %dma_start3A_115] : memref<8x128xi32, #tpu.memory_space<vmem>> -> memref<1x128xi32, #tpu.memory_space<vmem>>
      %dma_start3A_117 = tpu.memref_squeeze %dma_start3A_116 : memref<1x128xi32, #tpu.memory_space<vmem>> -> memref<128xi32, #tpu.memory_space<vmem>>
      %dma_start3A_118 = arith.constant 0 : i32
      %dma_start3A_119 = arith.constant 0 : i32
      %dma_start3A_120 = tpu.memref_slice %arg2[%dma_start3A_118, %dma_start3A_119] : memref<102400x4xf32, #tpu.memory_space<hbm>> -> memref<102400x4xf32, #tpu.memory_space<hbm>>
      tpu.enqueue_indirect_dma source(%dma_start3A_120 : memref<102400x4xf32, #tpu.memory_space<hbm>>) target(%dma_start3A_114 : memref<128x4xf32, #tpu.memory_space<vmem>>) offsets(%dma_start3A_117 : memref<128xi32, #tpu.memory_space<vmem>>) semaphore(%arg12 : memref<!tpu.dma_semaphore, #tpu.memory_space<semaphore_mem>>)
      %dma_start3A_121 = arith.constant 5 : i32
      %dma_start3A_122 = arith.constant 5 : i32
      %dma_start3A_123 = arith.constant 0 : i32
      %dma_start3A_124 = arith.constant 0 : i32
      %dma_start3A_125 = tpu.memref_slice %arg10[%dma_start3A_122, %dma_start3A_123, %dma_start3A_124] : memref<8x128x4xf32, #tpu.memory_space<vmem>> -> memref<1x128x4xf32, #tpu.memory_space<vmem>>
      %dma_start3A_126 = tpu.memref_squeeze %dma_start3A_125 : memref<1x128x4xf32, #tpu.memory_space<vmem>> -> memref<128x4xf32, #tpu.memory_space<vmem>>
      %dma_start3A_127 = arith.constant 0 : i32
      %dma_start3A_128 = tpu.memref_slice %arg8[%dma_start3A_121, %dma_start3A_127] : memref<8x128xi32, #tpu.memory_space<vmem>> -> memref<1x128xi32, #tpu.memory_space<vmem>>
      %dma_start3A_129 = tpu.memref_squeeze %dma_start3A_128 : memref<1x128xi32, #tpu.memory_space<vmem>> -> memref<128xi32, #tpu.memory_space<vmem>>
      %dma_start3A_130 = arith.constant 0 : i32
      %dma_start3A_131 = arith.constant 0 : i32
      %dma_start3A_132 = tpu.memref_slice %arg2[%dma_start3A_130, %dma_start3A_131] : memref<102400x4xf32, #tpu.memory_space<hbm>> -> memref<102400x4xf32, #tpu.memory_space<hbm>>
      tpu.enqueue_indirect_dma source(%dma_start3A_132 : memref<102400x4xf32, #tpu.memory_space<hbm>>) target(%dma_start3A_126 : memref<128x4xf32, #tpu.memory_space<vmem>>) offsets(%dma_start3A_129 : memref<128xi32, #tpu.memory_space<vmem>>) semaphore(%arg12 : memref<!tpu.dma_semaphore, #tpu.memory_space<semaphore_mem>>)
      %dma_start3A_133 = arith.constant 6 : i32
      %dma_start3A_134 = arith.constant 6 : i32
      %dma_start3A_135 = arith.constant 0 : i32
      %dma_start3A_136 = arith.constant 0 : i32
      %dma_start3A_137 = tpu.memref_slice %arg10[%dma_start3A_134, %dma_start3A_135, %dma_start3A_136] : memref<8x128x4xf32, #tpu.memory_space<vmem>> -> memref<1x128x4xf32, #tpu.memory_space<vmem>>
      %dma_start3A_138 = tpu.memref_squeeze %dma_start3A_137 : memref<1x128x4xf32, #tpu.memory_space<vmem>> -> memref<128x4xf32, #tpu.memory_space<vmem>>
      %dma_start3A_139 = arith.constant 0 : i32
      %dma_start3A_140 = tpu.memref_slice %arg8[%dma_start3A_133, %dma_start3A_139] : memref<8x128xi32, #tpu.memory_space<vmem>> -> memref<1x128xi32, #tpu.memory_space<vmem>>
      %dma_start3A_141 = tpu.memref_squeeze %dma_start3A_140 : memref<1x128xi32, #tpu.memory_space<vmem>> -> memref<128xi32, #tpu.memory_space<vmem>>
      %dma_start3A_142 = arith.constant 0 : i32
      %dma_start3A_143 = arith.constant 0 : i32
      %dma_start3A_144 = tpu.memref_slice %arg2[%dma_start3A_142, %dma_start3A_143] : memref<102400x4xf32, #tpu.memory_space<hbm>> -> memref<102400x4xf32, #tpu.memory_space<hbm>>
      tpu.enqueue_indirect_dma source(%dma_start3A_144 : memref<102400x4xf32, #tpu.memory_space<hbm>>) target(%dma_start3A_138 : memref<128x4xf32, #tpu.memory_space<vmem>>) offsets(%dma_start3A_141 : memref<128xi32, #tpu.memory_space<vmem>>) semaphore(%arg12 : memref<!tpu.dma_semaphore, #tpu.memory_space<semaphore_mem>>)
      %dma_start3A_145 = arith.constant 7 : i32
      %dma_start3A_146 = arith.constant 7 : i32
      %dma_start3A_147 = arith.constant 0 : i32
      %dma_start3A_148 = arith.constant 0 : i32
      %dma_start3A_149 = tpu.memref_slice %arg10[%dma_start3A_146, %dma_start3A_147, %dma_start3A_148] : memref<8x128x4xf32, #tpu.memory_space<vmem>> -> memref<1x128x4xf32, #tpu.memory_space<vmem>>
      %dma_start3A_150 = tpu.memref_squeeze %dma_start3A_149 : memref<1x128x4xf32, #tpu.memory_space<vmem>> -> memref<128x4xf32, #tpu.memory_space<vmem>>
      %dma_start3A_151 = arith.constant 0 : i32
      %dma_start3A_152 = tpu.memref_slice %arg8[%dma_start3A_145, %dma_start3A_151] : memref<8x128xi32, #tpu.memory_space<vmem>> -> memref<1x128xi32, #tpu.memory_space<vmem>>
      %dma_start3A_153 = tpu.memref_squeeze %dma_start3A_152 : memref<1x128xi32, #tpu.memory_space<vmem>> -> memref<128xi32, #tpu.memory_space<vmem>>
      %dma_start3A_154 = arith.constant 0 : i32
      %dma_start3A_155 = arith.constant 0 : i32
      %dma_start3A_156 = tpu.memref_slice %arg2[%dma_start3A_154, %dma_start3A_155] : memref<102400x4xf32, #tpu.memory_space<hbm>> -> memref<102400x4xf32, #tpu.memory_space<hbm>>
      tpu.enqueue_indirect_dma source(%dma_start3A_156 : memref<102400x4xf32, #tpu.memory_space<hbm>>) target(%dma_start3A_150 : memref<128x4xf32, #tpu.memory_space<vmem>>) offsets(%dma_start3A_153 : memref<128xi32, #tpu.memory_space<vmem>>) semaphore(%arg12 : memref<!tpu.dma_semaphore, #tpu.memory_space<semaphore_mem>>)
      %dma_wait3A_157 = arith.constant 0 : i32
      %dma_wait3A_158 = arith.constant 0 : i32
      %dma_wait3A_159 = arith.constant 0 : i32
      %dma_wait3A_160 = arith.constant 0 : i32
      %dma_wait3A_161 = tpu.memref_slice %arg10[%dma_wait3A_158, %dma_wait3A_159, %dma_wait3A_160] : memref<8x128x4xf32, #tpu.memory_space<vmem>> -> memref<1x128x4xf32, #tpu.memory_space<vmem>>
      %dma_wait3A_162 = tpu.memref_squeeze %dma_wait3A_161 : memref<1x128x4xf32, #tpu.memory_space<vmem>> -> memref<128x4xf32, #tpu.memory_space<vmem>>
      %dma_wait3A_163 = arith.constant 0 : i32
      %dma_wait3A_164 = tpu.memref_slice %arg8[%dma_wait3A_157, %dma_wait3A_163] : memref<8x128xi32, #tpu.memory_space<vmem>> -> memref<1x128xi32, #tpu.memory_space<vmem>>
      %dma_wait3A_165 = tpu.memref_squeeze %dma_wait3A_164 : memref<1x128xi32, #tpu.memory_space<vmem>> -> memref<128xi32, #tpu.memory_space<vmem>>
      %dma_wait3A_166 = arith.constant 0 : i32
      %dma_wait3A_167 = arith.constant 0 : i32
      %dma_wait3A_168 = tpu.memref_slice %arg2[%dma_wait3A_166, %dma_wait3A_167] : memref<102400x4xf32, #tpu.memory_space<hbm>> -> memref<102400x4xf32, #tpu.memory_space<hbm>>
      tpu.wait_indirect_dma semaphore(%arg12 : memref<!tpu.dma_semaphore, #tpu.memory_space<semaphore_mem>>) src(%dma_wait3A_168 : memref<102400x4xf32, #tpu.memory_space<hbm>>) dst(%dma_wait3A_162 : memref<128x4xf32, #tpu.memory_space<vmem>>)
      %dma_wait3A_169 = arith.constant 1 : i32
      %dma_wait3A_170 = arith.constant 1 : i32
      %dma_wait3A_171 = arith.constant 0 : i32
      %dma_wait3A_172 = arith.constant 0 : i32
      %dma_wait3A_173 = tpu.memref_slice %arg10[%dma_wait3A_170, %dma_wait3A_171, %dma_wait3A_172] : memref<8x128x4xf32, #tpu.memory_space<vmem>> -> memref<1x128x4xf32, #tpu.memory_space<vmem>>
      %dma_wait3A_174 = tpu.memref_squeeze %dma_wait3A_173 : memref<1x128x4xf32, #tpu.memory_space<vmem>> -> memref<128x4xf32, #tpu.memory_space<vmem>>
      %dma_wait3A_175 = arith.constant 0 : i32
      %dma_wait3A_176 = tpu.memref_slice %arg8[%dma_wait3A_169, %dma_wait3A_175] : memref<8x128xi32, #tpu.memory_space<vmem>> -> memref<1x128xi32, #tpu.memory_space<vmem>>
      %dma_wait3A_177 = tpu.memref_squeeze %dma_wait3A_176 : memref<1x128xi32, #tpu.memory_space<vmem>> -> memref<128xi32, #tpu.memory_space<vmem>>
      %dma_wait3A_178 = arith.constant 0 : i32
      %dma_wait3A_179 = arith.constant 0 : i32
      %dma_wait3A_180 = tpu.memref_slice %arg2[%dma_wait3A_178, %dma_wait3A_179] : memref<102400x4xf32, #tpu.memory_space<hbm>> -> memref<102400x4xf32, #tpu.memory_space<hbm>>
      tpu.wait_indirect_dma semaphore(%arg12 : memref<!tpu.dma_semaphore, #tpu.memory_space<semaphore_mem>>) src(%dma_wait3A_180 : memref<102400x4xf32, #tpu.memory_space<hbm>>) dst(%dma_wait3A_174 : memref<128x4xf32, #tpu.memory_space<vmem>>)
      %dma_wait3A_181 = arith.constant 2 : i32
      %dma_wait3A_182 = arith.constant 2 : i32
      %dma_wait3A_183 = arith.constant 0 : i32
      %dma_wait3A_184 = arith.constant 0 : i32
      %dma_wait3A_185 = tpu.memref_slice %arg10[%dma_wait3A_182, %dma_wait3A_183, %dma_wait3A_184] : memref<8x128x4xf32, #tpu.memory_space<vmem>> -> memref<1x128x4xf32, #tpu.memory_space<vmem>>
      %dma_wait3A_186 = tpu.memref_squeeze %dma_wait3A_185 : memref<1x128x4xf32, #tpu.memory_space<vmem>> -> memref<128x4xf32, #tpu.memory_space<vmem>>
      %dma_wait3A_187 = arith.constant 0 : i32
      %dma_wait3A_188 = tpu.memref_slice %arg8[%dma_wait3A_181, %dma_wait3A_187] : memref<8x128xi32, #tpu.memory_space<vmem>> -> memref<1x128xi32, #tpu.memory_space<vmem>>
      %dma_wait3A_189 = tpu.memref_squeeze %dma_wait3A_188 : memref<1x128xi32, #tpu.memory_space<vmem>> -> memref<128xi32, #tpu.memory_space<vmem>>
      %dma_wait3A_190 = arith.constant 0 : i32
      %dma_wait3A_191 = arith.constant 0 : i32
      %dma_wait3A_192 = tpu.memref_slice %arg2[%dma_wait3A_190, %dma_wait3A_191] : memref<102400x4xf32, #tpu.memory_space<hbm>> -> memref<102400x4xf32, #tpu.memory_space<hbm>>
      tpu.wait_indirect_dma semaphore(%arg12 : memref<!tpu.dma_semaphore, #tpu.memory_space<semaphore_mem>>) src(%dma_wait3A_192 : memref<102400x4xf32, #tpu.memory_space<hbm>>) dst(%dma_wait3A_186 : memref<128x4xf32, #tpu.memory_space<vmem>>)
      %dma_wait3A_193 = arith.constant 3 : i32
      %dma_wait3A_194 = arith.constant 3 : i32
      %dma_wait3A_195 = arith.constant 0 : i32
      %dma_wait3A_196 = arith.constant 0 : i32
      %dma_wait3A_197 = tpu.memref_slice %arg10[%dma_wait3A_194, %dma_wait3A_195, %dma_wait3A_196] : memref<8x128x4xf32, #tpu.memory_space<vmem>> -> memref<1x128x4xf32, #tpu.memory_space<vmem>>
      %dma_wait3A_198 = tpu.memref_squeeze %dma_wait3A_197 : memref<1x128x4xf32, #tpu.memory_space<vmem>> -> memref<128x4xf32, #tpu.memory_space<vmem>>
      %dma_wait3A_199 = arith.constant 0 : i32
      %dma_wait3A_200 = tpu.memref_slice %arg8[%dma_wait3A_193, %dma_wait3A_199] : memref<8x128xi32, #tpu.memory_space<vmem>> -> memref<1x128xi32, #tpu.memory_space<vmem>>
      %dma_wait3A_201 = tpu.memref_squeeze %dma_wait3A_200 : memref<1x128xi32, #tpu.memory_space<vmem>> -> memref<128xi32, #tpu.memory_space<vmem>>
      %dma_wait3A_202 = arith.constant 0 : i32
      %dma_wait3A_203 = arith.constant 0 : i32
      %dma_wait3A_204 = tpu.memref_slice %arg2[%dma_wait3A_202, %dma_wait3A_203] : memref<102400x4xf32, #tpu.memory_space<hbm>> -> memref<102400x4xf32, #tpu.memory_space<hbm>>
      tpu.wait_indirect_dma semaphore(%arg12 : memref<!tpu.dma_semaphore, #tpu.memory_space<semaphore_mem>>) src(%dma_wait3A_204 : memref<102400x4xf32, #tpu.memory_space<hbm>>) dst(%dma_wait3A_198 : memref<128x4xf32, #tpu.memory_space<vmem>>)
      %dma_wait3A_205 = arith.constant 4 : i32
      %dma_wait3A_206 = arith.constant 4 : i32
      %dma_wait3A_207 = arith.constant 0 : i32
      %dma_wait3A_208 = arith.constant 0 : i32
      %dma_wait3A_209 = tpu.memref_slice %arg10[%dma_wait3A_206, %dma_wait3A_207, %dma_wait3A_208] : memref<8x128x4xf32, #tpu.memory_space<vmem>> -> memref<1x128x4xf32, #tpu.memory_space<vmem>>
      %dma_wait3A_210 = tpu.memref_squeeze %dma_wait3A_209 : memref<1x128x4xf32, #tpu.memory_space<vmem>> -> memref<128x4xf32, #tpu.memory_space<vmem>>
      %dma_wait3A_211 = arith.constant 0 : i32
      %dma_wait3A_212 = tpu.memref_slice %arg8[%dma_wait3A_205, %dma_wait3A_211] : memref<8x128xi32, #tpu.memory_space<vmem>> -> memref<1x128xi32, #tpu.memory_space<vmem>>
      %dma_wait3A_213 = tpu.memref_squeeze %dma_wait3A_212 : memref<1x128xi32, #tpu.memory_space<vmem>> -> memref<128xi32, #tpu.memory_space<vmem>>
      %dma_wait3A_214 = arith.constant 0 : i32
      %dma_wait3A_215 = arith.constant 0 : i32
      %dma_wait3A_216 = tpu.memref_slice %arg2[%dma_wait3A_214, %dma_wait3A_215] : memref<102400x4xf32, #tpu.memory_space<hbm>> -> memref<102400x4xf32, #tpu.memory_space<hbm>>
      tpu.wait_indirect_dma semaphore(%arg12 : memref<!tpu.dma_semaphore, #tpu.memory_space<semaphore_mem>>) src(%dma_wait3A_216 : memref<102400x4xf32, #tpu.memory_space<hbm>>) dst(%dma_wait3A_210 : memref<128x4xf32, #tpu.memory_space<vmem>>)
      %dma_wait3A_217 = arith.constant 5 : i32
      %dma_wait3A_218 = arith.constant 5 : i32
      %dma_wait3A_219 = arith.constant 0 : i32
      %dma_wait3A_220 = arith.constant 0 : i32
      %dma_wait3A_221 = tpu.memref_slice %arg10[%dma_wait3A_218, %dma_wait3A_219, %dma_wait3A_220] : memref<8x128x4xf32, #tpu.memory_space<vmem>> -> memref<1x128x4xf32, #tpu.memory_space<vmem>>
      %dma_wait3A_222 = tpu.memref_squeeze %dma_wait3A_221 : memref<1x128x4xf32, #tpu.memory_space<vmem>> -> memref<128x4xf32, #tpu.memory_space<vmem>>
      %dma_wait3A_223 = arith.constant 0 : i32
      %dma_wait3A_224 = tpu.memref_slice %arg8[%dma_wait3A_217, %dma_wait3A_223] : memref<8x128xi32, #tpu.memory_space<vmem>> -> memref<1x128xi32, #tpu.memory_space<vmem>>
      %dma_wait3A_225 = tpu.memref_squeeze %dma_wait3A_224 : memref<1x128xi32, #tpu.memory_space<vmem>> -> memref<128xi32, #tpu.memory_space<vmem>>
      %dma_wait3A_226 = arith.constant 0 : i32
      %dma_wait3A_227 = arith.constant 0 : i32
      %dma_wait3A_228 = tpu.memref_slice %arg2[%dma_wait3A_226, %dma_wait3A_227] : memref<102400x4xf32, #tpu.memory_space<hbm>> -> memref<102400x4xf32, #tpu.memory_space<hbm>>
      tpu.wait_indirect_dma semaphore(%arg12 : memref<!tpu.dma_semaphore, #tpu.memory_space<semaphore_mem>>) src(%dma_wait3A_228 : memref<102400x4xf32, #tpu.memory_space<hbm>>) dst(%dma_wait3A_222 : memref<128x4xf32, #tpu.memory_space<vmem>>)
      %dma_wait3A_229 = arith.constant 6 : i32
      %dma_wait3A_230 = arith.constant 6 : i32
      %dma_wait3A_231 = arith.constant 0 : i32
      %dma_wait3A_232 = arith.constant 0 : i32
      %dma_wait3A_233 = tpu.memref_slice %arg10[%dma_wait3A_230, %dma_wait3A_231, %dma_wait3A_232] : memref<8x128x4xf32, #tpu.memory_space<vmem>> -> memref<1x128x4xf32, #tpu.memory_space<vmem>>
      %dma_wait3A_234 = tpu.memref_squeeze %dma_wait3A_233 : memref<1x128x4xf32, #tpu.memory_space<vmem>> -> memref<128x4xf32, #tpu.memory_space<vmem>>
      %dma_wait3A_235 = arith.constant 0 : i32
      %dma_wait3A_236 = tpu.memref_slice %arg8[%dma_wait3A_229, %dma_wait3A_235] : memref<8x128xi32, #tpu.memory_space<vmem>> -> memref<1x128xi32, #tpu.memory_space<vmem>>
      %dma_wait3A_237 = tpu.memref_squeeze %dma_wait3A_236 : memref<1x128xi32, #tpu.memory_space<vmem>> -> memref<128xi32, #tpu.memory_space<vmem>>
      %dma_wait3A_238 = arith.constant 0 : i32
      %dma_wait3A_239 = arith.constant 0 : i32
      %dma_wait3A_240 = tpu.memref_slice %arg2[%dma_wait3A_238, %dma_wait3A_239] : memref<102400x4xf32, #tpu.memory_space<hbm>> -> memref<102400x4xf32, #tpu.memory_space<hbm>>
      tpu.wait_indirect_dma semaphore(%arg12 : memref<!tpu.dma_semaphore, #tpu.memory_space<semaphore_mem>>) src(%dma_wait3A_240 : memref<102400x4xf32, #tpu.memory_space<hbm>>) dst(%dma_wait3A_234 : memref<128x4xf32, #tpu.memory_space<vmem>>)
      %dma_wait3A_241 = arith.constant 7 : i32
      %dma_wait3A_242 = arith.constant 7 : i32
      %dma_wait3A_243 = arith.constant 0 : i32
      %dma_wait3A_244 = arith.constant 0 : i32
      %dma_wait3A_245 = tpu.memref_slice %arg10[%dma_wait3A_242, %dma_wait3A_243, %dma_wait3A_244] : memref<8x128x4xf32, #tpu.memory_space<vmem>> -> memref<1x128x4xf32, #tpu.memory_space<vmem>>
      %dma_wait3A_246 = tpu.memref_squeeze %dma_wait3A_245 : memref<1x128x4xf32, #tpu.memory_space<vmem>> -> memref<128x4xf32, #tpu.memory_space<vmem>>
      %dma_wait3A_247 = arith.constant 0 : i32
      %dma_wait3A_248 = tpu.memref_slice %arg8[%dma_wait3A_241, %dma_wait3A_247] : memref<8x128xi32, #tpu.memory_space<vmem>> -> memref<1x128xi32, #tpu.memory_space<vmem>>
      %dma_wait3A_249 = tpu.memref_squeeze %dma_wait3A_248 : memref<1x128xi32, #tpu.memory_space<vmem>> -> memref<128xi32, #tpu.memory_space<vmem>>
      %dma_wait3A_250 = arith.constant 0 : i32
      %dma_wait3A_251 = arith.constant 0 : i32
      %dma_wait3A_252 = tpu.memref_slice %arg2[%dma_wait3A_250, %dma_wait3A_251] : memref<102400x4xf32, #tpu.memory_space<hbm>> -> memref<102400x4xf32, #tpu.memory_space<hbm>>
      tpu.wait_indirect_dma semaphore(%arg12 : memref<!tpu.dma_semaphore, #tpu.memory_space<semaphore_mem>>) src(%dma_wait3A_252 : memref<102400x4xf32, #tpu.memory_space<hbm>>) dst(%dma_wait3A_246 : memref<128x4xf32, #tpu.memory_space<vmem>>)
      %dma_start3A_253 = arith.constant 0 : i32
      %dma_start3A_254 = arith.constant 0 : i32
      %dma_start3A_255 = arith.constant 0 : i32
      %dma_start3A_256 = arith.constant 0 : i32
      %dma_start3A_257 = tpu.memref_slice %arg10[%dma_start3A_253, %dma_start3A_255, %dma_start3A_256] : memref<8x128x4xf32, #tpu.memory_space<vmem>> -> memref<1x128x4xf32, #tpu.memory_space<vmem>>
      %dma_start3A_258 = tpu.memref_squeeze %dma_start3A_257 : memref<1x128x4xf32, #tpu.memory_space<vmem>> -> memref<128x4xf32, #tpu.memory_space<vmem>>
      %dma_start3A_259 = arith.constant 0 : i32
      %dma_start3A_260 = tpu.memref_slice %arg9[%dma_start3A_254, %dma_start3A_259] : memref<8x128xi32, #tpu.memory_space<vmem>> -> memref<1x128xi32, #tpu.memory_space<vmem>>
      %dma_start3A_261 = tpu.memref_squeeze %dma_start3A_260 : memref<1x128xi32, #tpu.memory_space<vmem>> -> memref<128xi32, #tpu.memory_space<vmem>>
      %dma_start3A_262 = arith.constant 0 : i32
      %dma_start3A_263 = arith.constant 0 : i32
      %dma_start3A_264 = tpu.memref_slice %arg7[%dma_start3A_262, %dma_start3A_263] : memref<102400x4xf32, #tpu.memory_space<vmem_shared>> -> memref<102400x4xf32, #tpu.memory_space<vmem_shared>>
      tpu.enqueue_indirect_dma source(%dma_start3A_258 : memref<128x4xf32, #tpu.memory_space<vmem>>) target(%dma_start3A_264 : memref<102400x4xf32, #tpu.memory_space<vmem_shared>>) offsets(%dma_start3A_261 : memref<128xi32, #tpu.memory_space<vmem>>) semaphore(%arg13 : memref<!tpu.dma_semaphore, #tpu.memory_space<semaphore_mem>>) {add = true}
      %dma_start3A_265 = arith.constant 1 : i32
      %dma_start3A_266 = arith.constant 1 : i32
      %dma_start3A_267 = arith.constant 0 : i32
      %dma_start3A_268 = arith.constant 0 : i32
      %dma_start3A_269 = tpu.memref_slice %arg10[%dma_start3A_265, %dma_start3A_267, %dma_start3A_268] : memref<8x128x4xf32, #tpu.memory_space<vmem>> -> memref<1x128x4xf32, #tpu.memory_space<vmem>>
      %dma_start3A_270 = tpu.memref_squeeze %dma_start3A_269 : memref<1x128x4xf32, #tpu.memory_space<vmem>> -> memref<128x4xf32, #tpu.memory_space<vmem>>
      %dma_start3A_271 = arith.constant 0 : i32
      %dma_start3A_272 = tpu.memref_slice %arg9[%dma_start3A_266, %dma_start3A_271] : memref<8x128xi32, #tpu.memory_space<vmem>> -> memref<1x128xi32, #tpu.memory_space<vmem>>
      %dma_start3A_273 = tpu.memref_squeeze %dma_start3A_272 : memref<1x128xi32, #tpu.memory_space<vmem>> -> memref<128xi32, #tpu.memory_space<vmem>>
      %dma_start3A_274 = arith.constant 0 : i32
      %dma_start3A_275 = arith.constant 0 : i32
      %dma_start3A_276 = tpu.memref_slice %arg7[%dma_start3A_274, %dma_start3A_275] : memref<102400x4xf32, #tpu.memory_space<vmem_shared>> -> memref<102400x4xf32, #tpu.memory_space<vmem_shared>>
      tpu.enqueue_indirect_dma source(%dma_start3A_270 : memref<128x4xf32, #tpu.memory_space<vmem>>) target(%dma_start3A_276 : memref<102400x4xf32, #tpu.memory_space<vmem_shared>>) offsets(%dma_start3A_273 : memref<128xi32, #tpu.memory_space<vmem>>) semaphore(%arg13 : memref<!tpu.dma_semaphore, #tpu.memory_space<semaphore_mem>>) {add = true}
      %dma_start3A_277 = arith.constant 2 : i32
      %dma_start3A_278 = arith.constant 2 : i32
      %dma_start3A_279 = arith.constant 0 : i32
      %dma_start3A_280 = arith.constant 0 : i32
      %dma_start3A_281 = tpu.memref_slice %arg10[%dma_start3A_277, %dma_start3A_279, %dma_start3A_280] : memref<8x128x4xf32, #tpu.memory_space<vmem>> -> memref<1x128x4xf32, #tpu.memory_space<vmem>>
      %dma_start3A_282 = tpu.memref_squeeze %dma_start3A_281 : memref<1x128x4xf32, #tpu.memory_space<vmem>> -> memref<128x4xf32, #tpu.memory_space<vmem>>
      %dma_start3A_283 = arith.constant 0 : i32
      %dma_start3A_284 = tpu.memref_slice %arg9[%dma_start3A_278, %dma_start3A_283] : memref<8x128xi32, #tpu.memory_space<vmem>> -> memref<1x128xi32, #tpu.memory_space<vmem>>
      %dma_start3A_285 = tpu.memref_squeeze %dma_start3A_284 : memref<1x128xi32, #tpu.memory_space<vmem>> -> memref<128xi32, #tpu.memory_space<vmem>>
      %dma_start3A_286 = arith.constant 0 : i32
      %dma_start3A_287 = arith.constant 0 : i32
      %dma_start3A_288 = tpu.memref_slice %arg7[%dma_start3A_286, %dma_start3A_287] : memref<102400x4xf32, #tpu.memory_space<vmem_shared>> -> memref<102400x4xf32, #tpu.memory_space<vmem_shared>>
      tpu.enqueue_indirect_dma source(%dma_start3A_282 : memref<128x4xf32, #tpu.memory_space<vmem>>) target(%dma_start3A_288 : memref<102400x4xf32, #tpu.memory_space<vmem_shared>>) offsets(%dma_start3A_285 : memref<128xi32, #tpu.memory_space<vmem>>) semaphore(%arg13 : memref<!tpu.dma_semaphore, #tpu.memory_space<semaphore_mem>>) {add = true}
      %dma_start3A_289 = arith.constant 3 : i32
      %dma_start3A_290 = arith.constant 3 : i32
      %dma_start3A_291 = arith.constant 0 : i32
      %dma_start3A_292 = arith.constant 0 : i32
      %dma_start3A_293 = tpu.memref_slice %arg10[%dma_start3A_289, %dma_start3A_291, %dma_start3A_292] : memref<8x128x4xf32, #tpu.memory_space<vmem>> -> memref<1x128x4xf32, #tpu.memory_space<vmem>>
      %dma_start3A_294 = tpu.memref_squeeze %dma_start3A_293 : memref<1x128x4xf32, #tpu.memory_space<vmem>> -> memref<128x4xf32, #tpu.memory_space<vmem>>
      %dma_start3A_295 = arith.constant 0 : i32
      %dma_start3A_296 = tpu.memref_slice %arg9[%dma_start3A_290, %dma_start3A_295] : memref<8x128xi32, #tpu.memory_space<vmem>> -> memref<1x128xi32, #tpu.memory_space<vmem>>
      %dma_start3A_297 = tpu.memref_squeeze %dma_start3A_296 : memref<1x128xi32, #tpu.memory_space<vmem>> -> memref<128xi32, #tpu.memory_space<vmem>>
      %dma_start3A_298 = arith.constant 0 : i32
      %dma_start3A_299 = arith.constant 0 : i32
      %dma_start3A_300 = tpu.memref_slice %arg7[%dma_start3A_298, %dma_start3A_299] : memref<102400x4xf32, #tpu.memory_space<vmem_shared>> -> memref<102400x4xf32, #tpu.memory_space<vmem_shared>>
      tpu.enqueue_indirect_dma source(%dma_start3A_294 : memref<128x4xf32, #tpu.memory_space<vmem>>) target(%dma_start3A_300 : memref<102400x4xf32, #tpu.memory_space<vmem_shared>>) offsets(%dma_start3A_297 : memref<128xi32, #tpu.memory_space<vmem>>) semaphore(%arg13 : memref<!tpu.dma_semaphore, #tpu.memory_space<semaphore_mem>>) {add = true}
      %dma_start3A_301 = arith.constant 4 : i32
      %dma_start3A_302 = arith.constant 4 : i32
      %dma_start3A_303 = arith.constant 0 : i32
      %dma_start3A_304 = arith.constant 0 : i32
      %dma_start3A_305 = tpu.memref_slice %arg10[%dma_start3A_301, %dma_start3A_303, %dma_start3A_304] : memref<8x128x4xf32, #tpu.memory_space<vmem>> -> memref<1x128x4xf32, #tpu.memory_space<vmem>>
      %dma_start3A_306 = tpu.memref_squeeze %dma_start3A_305 : memref<1x128x4xf32, #tpu.memory_space<vmem>> -> memref<128x4xf32, #tpu.memory_space<vmem>>
      %dma_start3A_307 = arith.constant 0 : i32
      %dma_start3A_308 = tpu.memref_slice %arg9[%dma_start3A_302, %dma_start3A_307] : memref<8x128xi32, #tpu.memory_space<vmem>> -> memref<1x128xi32, #tpu.memory_space<vmem>>
      %dma_start3A_309 = tpu.memref_squeeze %dma_start3A_308 : memref<1x128xi32, #tpu.memory_space<vmem>> -> memref<128xi32, #tpu.memory_space<vmem>>
      %dma_start3A_310 = arith.constant 0 : i32
      %dma_start3A_311 = arith.constant 0 : i32
      %dma_start3A_312 = tpu.memref_slice %arg7[%dma_start3A_310, %dma_start3A_311] : memref<102400x4xf32, #tpu.memory_space<vmem_shared>> -> memref<102400x4xf32, #tpu.memory_space<vmem_shared>>
      tpu.enqueue_indirect_dma source(%dma_start3A_306 : memref<128x4xf32, #tpu.memory_space<vmem>>) target(%dma_start3A_312 : memref<102400x4xf32, #tpu.memory_space<vmem_shared>>) offsets(%dma_start3A_309 : memref<128xi32, #tpu.memory_space<vmem>>) semaphore(%arg13 : memref<!tpu.dma_semaphore, #tpu.memory_space<semaphore_mem>>) {add = true}
      %dma_start3A_313 = arith.constant 5 : i32
      %dma_start3A_314 = arith.constant 5 : i32
      %dma_start3A_315 = arith.constant 0 : i32
      %dma_start3A_316 = arith.constant 0 : i32
      %dma_start3A_317 = tpu.memref_slice %arg10[%dma_start3A_313, %dma_start3A_315, %dma_start3A_316] : memref<8x128x4xf32, #tpu.memory_space<vmem>> -> memref<1x128x4xf32, #tpu.memory_space<vmem>>
      %dma_start3A_318 = tpu.memref_squeeze %dma_start3A_317 : memref<1x128x4xf32, #tpu.memory_space<vmem>> -> memref<128x4xf32, #tpu.memory_space<vmem>>
      %dma_start3A_319 = arith.constant 0 : i32
      %dma_start3A_320 = tpu.memref_slice %arg9[%dma_start3A_314, %dma_start3A_319] : memref<8x128xi32, #tpu.memory_space<vmem>> -> memref<1x128xi32, #tpu.memory_space<vmem>>
      %dma_start3A_321 = tpu.memref_squeeze %dma_start3A_320 : memref<1x128xi32, #tpu.memory_space<vmem>> -> memref<128xi32, #tpu.memory_space<vmem>>
      %dma_start3A_322 = arith.constant 0 : i32
      %dma_start3A_323 = arith.constant 0 : i32
      %dma_start3A_324 = tpu.memref_slice %arg7[%dma_start3A_322, %dma_start3A_323] : memref<102400x4xf32, #tpu.memory_space<vmem_shared>> -> memref<102400x4xf32, #tpu.memory_space<vmem_shared>>
      tpu.enqueue_indirect_dma source(%dma_start3A_318 : memref<128x4xf32, #tpu.memory_space<vmem>>) target(%dma_start3A_324 : memref<102400x4xf32, #tpu.memory_space<vmem_shared>>) offsets(%dma_start3A_321 : memref<128xi32, #tpu.memory_space<vmem>>) semaphore(%arg13 : memref<!tpu.dma_semaphore, #tpu.memory_space<semaphore_mem>>) {add = true}
      %dma_start3A_325 = arith.constant 6 : i32
      %dma_start3A_326 = arith.constant 6 : i32
      %dma_start3A_327 = arith.constant 0 : i32
      %dma_start3A_328 = arith.constant 0 : i32
      %dma_start3A_329 = tpu.memref_slice %arg10[%dma_start3A_325, %dma_start3A_327, %dma_start3A_328] : memref<8x128x4xf32, #tpu.memory_space<vmem>> -> memref<1x128x4xf32, #tpu.memory_space<vmem>>
      %dma_start3A_330 = tpu.memref_squeeze %dma_start3A_329 : memref<1x128x4xf32, #tpu.memory_space<vmem>> -> memref<128x4xf32, #tpu.memory_space<vmem>>
      %dma_start3A_331 = arith.constant 0 : i32
      %dma_start3A_332 = tpu.memref_slice %arg9[%dma_start3A_326, %dma_start3A_331] : memref<8x128xi32, #tpu.memory_space<vmem>> -> memref<1x128xi32, #tpu.memory_space<vmem>>
      %dma_start3A_333 = tpu.memref_squeeze %dma_start3A_332 : memref<1x128xi32, #tpu.memory_space<vmem>> -> memref<128xi32, #tpu.memory_space<vmem>>
      %dma_start3A_334 = arith.constant 0 : i32
      %dma_start3A_335 = arith.constant 0 : i32
      %dma_start3A_336 = tpu.memref_slice %arg7[%dma_start3A_334, %dma_start3A_335] : memref<102400x4xf32, #tpu.memory_space<vmem_shared>> -> memref<102400x4xf32, #tpu.memory_space<vmem_shared>>
      tpu.enqueue_indirect_dma source(%dma_start3A_330 : memref<128x4xf32, #tpu.memory_space<vmem>>) target(%dma_start3A_336 : memref<102400x4xf32, #tpu.memory_space<vmem_shared>>) offsets(%dma_start3A_333 : memref<128xi32, #tpu.memory_space<vmem>>) semaphore(%arg13 : memref<!tpu.dma_semaphore, #tpu.memory_space<semaphore_mem>>) {add = true}
      %dma_start3A_337 = arith.constant 7 : i32
      %dma_start3A_338 = arith.constant 7 : i32
      %dma_start3A_339 = arith.constant 0 : i32
      %dma_start3A_340 = arith.constant 0 : i32
      %dma_start3A_341 = tpu.memref_slice %arg10[%dma_start3A_337, %dma_start3A_339, %dma_start3A_340] : memref<8x128x4xf32, #tpu.memory_space<vmem>> -> memref<1x128x4xf32, #tpu.memory_space<vmem>>
      %dma_start3A_342 = tpu.memref_squeeze %dma_start3A_341 : memref<1x128x4xf32, #tpu.memory_space<vmem>> -> memref<128x4xf32, #tpu.memory_space<vmem>>
      %dma_start3A_343 = arith.constant 0 : i32
      %dma_start3A_344 = tpu.memref_slice %arg9[%dma_start3A_338, %dma_start3A_343] : memref<8x128xi32, #tpu.memory_space<vmem>> -> memref<1x128xi32, #tpu.memory_space<vmem>>
      %dma_start3A_345 = tpu.memref_squeeze %dma_start3A_344 : memref<1x128xi32, #tpu.memory_space<vmem>> -> memref<128xi32, #tpu.memory_space<vmem>>
      %dma_start3A_346 = arith.constant 0 : i32
      %dma_start3A_347 = arith.constant 0 : i32
      %dma_start3A_348 = tpu.memref_slice %arg7[%dma_start3A_346, %dma_start3A_347] : memref<102400x4xf32, #tpu.memory_space<vmem_shared>> -> memref<102400x4xf32, #tpu.memory_space<vmem_shared>>
      tpu.enqueue_indirect_dma source(%dma_start3A_342 : memref<128x4xf32, #tpu.memory_space<vmem>>) target(%dma_start3A_348 : memref<102400x4xf32, #tpu.memory_space<vmem_shared>>) offsets(%dma_start3A_345 : memref<128xi32, #tpu.memory_space<vmem>>) semaphore(%arg13 : memref<!tpu.dma_semaphore, #tpu.memory_space<semaphore_mem>>) {add = true}
      %dma_wait3A_349 = arith.constant 0 : i32
      %dma_wait3A_350 = arith.constant 0 : i32
      %dma_wait3A_351 = arith.constant 0 : i32
      %dma_wait3A_352 = arith.constant 0 : i32
      %dma_wait3A_353 = tpu.memref_slice %arg10[%dma_wait3A_349, %dma_wait3A_351, %dma_wait3A_352] : memref<8x128x4xf32, #tpu.memory_space<vmem>> -> memref<1x128x4xf32, #tpu.memory_space<vmem>>
      %dma_wait3A_354 = tpu.memref_squeeze %dma_wait3A_353 : memref<1x128x4xf32, #tpu.memory_space<vmem>> -> memref<128x4xf32, #tpu.memory_space<vmem>>
      %dma_wait3A_355 = arith.constant 0 : i32
      %dma_wait3A_356 = tpu.memref_slice %arg9[%dma_wait3A_350, %dma_wait3A_355] : memref<8x128xi32, #tpu.memory_space<vmem>> -> memref<1x128xi32, #tpu.memory_space<vmem>>
      %dma_wait3A_357 = tpu.memref_squeeze %dma_wait3A_356 : memref<1x128xi32, #tpu.memory_space<vmem>> -> memref<128xi32, #tpu.memory_space<vmem>>
      %dma_wait3A_358 = arith.constant 0 : i32
      %dma_wait3A_359 = arith.constant 0 : i32
      %dma_wait3A_360 = tpu.memref_slice %arg7[%dma_wait3A_358, %dma_wait3A_359] : memref<102400x4xf32, #tpu.memory_space<vmem_shared>> -> memref<102400x4xf32, #tpu.memory_space<vmem_shared>>
      tpu.wait_indirect_dma semaphore(%arg13 : memref<!tpu.dma_semaphore, #tpu.memory_space<semaphore_mem>>) src(%dma_wait3A_354 : memref<128x4xf32, #tpu.memory_space<vmem>>) dst(%dma_wait3A_360 : memref<102400x4xf32, #tpu.memory_space<vmem_shared>>)
      %dma_wait3A_361 = arith.constant 1 : i32
      %dma_wait3A_362 = arith.constant 1 : i32
      %dma_wait3A_363 = arith.constant 0 : i32
      %dma_wait3A_364 = arith.constant 0 : i32
      %dma_wait3A_365 = tpu.memref_slice %arg10[%dma_wait3A_361, %dma_wait3A_363, %dma_wait3A_364] : memref<8x128x4xf32, #tpu.memory_space<vmem>> -> memref<1x128x4xf32, #tpu.memory_space<vmem>>
      %dma_wait3A_366 = tpu.memref_squeeze %dma_wait3A_365 : memref<1x128x4xf32, #tpu.memory_space<vmem>> -> memref<128x4xf32, #tpu.memory_space<vmem>>
      %dma_wait3A_367 = arith.constant 0 : i32
      %dma_wait3A_368 = tpu.memref_slice %arg9[%dma_wait3A_362, %dma_wait3A_367] : memref<8x128xi32, #tpu.memory_space<vmem>> -> memref<1x128xi32, #tpu.memory_space<vmem>>
      %dma_wait3A_369 = tpu.memref_squeeze %dma_wait3A_368 : memref<1x128xi32, #tpu.memory_space<vmem>> -> memref<128xi32, #tpu.memory_space<vmem>>
      %dma_wait3A_370 = arith.constant 0 : i32
      %dma_wait3A_371 = arith.constant 0 : i32
      %dma_wait3A_372 = tpu.memref_slice %arg7[%dma_wait3A_370, %dma_wait3A_371] : memref<102400x4xf32, #tpu.memory_space<vmem_shared>> -> memref<102400x4xf32, #tpu.memory_space<vmem_shared>>
      tpu.wait_indirect_dma semaphore(%arg13 : memref<!tpu.dma_semaphore, #tpu.memory_space<semaphore_mem>>) src(%dma_wait3A_366 : memref<128x4xf32, #tpu.memory_space<vmem>>) dst(%dma_wait3A_372 : memref<102400x4xf32, #tpu.memory_space<vmem_shared>>)
      %dma_wait3A_373 = arith.constant 2 : i32
      %dma_wait3A_374 = arith.constant 2 : i32
      %dma_wait3A_375 = arith.constant 0 : i32
      %dma_wait3A_376 = arith.constant 0 : i32
      %dma_wait3A_377 = tpu.memref_slice %arg10[%dma_wait3A_373, %dma_wait3A_375, %dma_wait3A_376] : memref<8x128x4xf32, #tpu.memory_space<vmem>> -> memref<1x128x4xf32, #tpu.memory_space<vmem>>
      %dma_wait3A_378 = tpu.memref_squeeze %dma_wait3A_377 : memref<1x128x4xf32, #tpu.memory_space<vmem>> -> memref<128x4xf32, #tpu.memory_space<vmem>>
      %dma_wait3A_379 = arith.constant 0 : i32
      %dma_wait3A_380 = tpu.memref_slice %arg9[%dma_wait3A_374, %dma_wait3A_379] : memref<8x128xi32, #tpu.memory_space<vmem>> -> memref<1x128xi32, #tpu.memory_space<vmem>>
      %dma_wait3A_381 = tpu.memref_squeeze %dma_wait3A_380 : memref<1x128xi32, #tpu.memory_space<vmem>> -> memref<128xi32, #tpu.memory_space<vmem>>
      %dma_wait3A_382 = arith.constant 0 : i32
      %dma_wait3A_383 = arith.constant 0 : i32
      %dma_wait3A_384 = tpu.memref_slice %arg7[%dma_wait3A_382, %dma_wait3A_383] : memref<102400x4xf32, #tpu.memory_space<vmem_shared>> -> memref<102400x4xf32, #tpu.memory_space<vmem_shared>>
      tpu.wait_indirect_dma semaphore(%arg13 : memref<!tpu.dma_semaphore, #tpu.memory_space<semaphore_mem>>) src(%dma_wait3A_378 : memref<128x4xf32, #tpu.memory_space<vmem>>) dst(%dma_wait3A_384 : memref<102400x4xf32, #tpu.memory_space<vmem_shared>>)
      %dma_wait3A_385 = arith.constant 3 : i32
      %dma_wait3A_386 = arith.constant 3 : i32
      %dma_wait3A_387 = arith.constant 0 : i32
      %dma_wait3A_388 = arith.constant 0 : i32
      %dma_wait3A_389 = tpu.memref_slice %arg10[%dma_wait3A_385, %dma_wait3A_387, %dma_wait3A_388] : memref<8x128x4xf32, #tpu.memory_space<vmem>> -> memref<1x128x4xf32, #tpu.memory_space<vmem>>
      %dma_wait3A_390 = tpu.memref_squeeze %dma_wait3A_389 : memref<1x128x4xf32, #tpu.memory_space<vmem>> -> memref<128x4xf32, #tpu.memory_space<vmem>>
      %dma_wait3A_391 = arith.constant 0 : i32
      %dma_wait3A_392 = tpu.memref_slice %arg9[%dma_wait3A_386, %dma_wait3A_391] : memref<8x128xi32, #tpu.memory_space<vmem>> -> memref<1x128xi32, #tpu.memory_space<vmem>>
      %dma_wait3A_393 = tpu.memref_squeeze %dma_wait3A_392 : memref<1x128xi32, #tpu.memory_space<vmem>> -> memref<128xi32, #tpu.memory_space<vmem>>
      %dma_wait3A_394 = arith.constant 0 : i32
      %dma_wait3A_395 = arith.constant 0 : i32
      %dma_wait3A_396 = tpu.memref_slice %arg7[%dma_wait3A_394, %dma_wait3A_395] : memref<102400x4xf32, #tpu.memory_space<vmem_shared>> -> memref<102400x4xf32, #tpu.memory_space<vmem_shared>>
      tpu.wait_indirect_dma semaphore(%arg13 : memref<!tpu.dma_semaphore, #tpu.memory_space<semaphore_mem>>) src(%dma_wait3A_390 : memref<128x4xf32, #tpu.memory_space<vmem>>) dst(%dma_wait3A_396 : memref<102400x4xf32, #tpu.memory_space<vmem_shared>>)
      %dma_wait3A_397 = arith.constant 4 : i32
      %dma_wait3A_398 = arith.constant 4 : i32
      %dma_wait3A_399 = arith.constant 0 : i32
      %dma_wait3A_400 = arith.constant 0 : i32
      %dma_wait3A_401 = tpu.memref_slice %arg10[%dma_wait3A_397, %dma_wait3A_399, %dma_wait3A_400] : memref<8x128x4xf32, #tpu.memory_space<vmem>> -> memref<1x128x4xf32, #tpu.memory_space<vmem>>
      %dma_wait3A_402 = tpu.memref_squeeze %dma_wait3A_401 : memref<1x128x4xf32, #tpu.memory_space<vmem>> -> memref<128x4xf32, #tpu.memory_space<vmem>>
      %dma_wait3A_403 = arith.constant 0 : i32
      %dma_wait3A_404 = tpu.memref_slice %arg9[%dma_wait3A_398, %dma_wait3A_403] : memref<8x128xi32, #tpu.memory_space<vmem>> -> memref<1x128xi32, #tpu.memory_space<vmem>>
      %dma_wait3A_405 = tpu.memref_squeeze %dma_wait3A_404 : memref<1x128xi32, #tpu.memory_space<vmem>> -> memref<128xi32, #tpu.memory_space<vmem>>
      %dma_wait3A_406 = arith.constant 0 : i32
      %dma_wait3A_407 = arith.constant 0 : i32
      %dma_wait3A_408 = tpu.memref_slice %arg7[%dma_wait3A_406, %dma_wait3A_407] : memref<102400x4xf32, #tpu.memory_space<vmem_shared>> -> memref<102400x4xf32, #tpu.memory_space<vmem_shared>>
      tpu.wait_indirect_dma semaphore(%arg13 : memref<!tpu.dma_semaphore, #tpu.memory_space<semaphore_mem>>) src(%dma_wait3A_402 : memref<128x4xf32, #tpu.memory_space<vmem>>) dst(%dma_wait3A_408 : memref<102400x4xf32, #tpu.memory_space<vmem_shared>>)
      %dma_wait3A_409 = arith.constant 5 : i32
      %dma_wait3A_410 = arith.constant 5 : i32
      %dma_wait3A_411 = arith.constant 0 : i32
      %dma_wait3A_412 = arith.constant 0 : i32
      %dma_wait3A_413 = tpu.memref_slice %arg10[%dma_wait3A_409, %dma_wait3A_411, %dma_wait3A_412] : memref<8x128x4xf32, #tpu.memory_space<vmem>> -> memref<1x128x4xf32, #tpu.memory_space<vmem>>
      %dma_wait3A_414 = tpu.memref_squeeze %dma_wait3A_413 : memref<1x128x4xf32, #tpu.memory_space<vmem>> -> memref<128x4xf32, #tpu.memory_space<vmem>>
      %dma_wait3A_415 = arith.constant 0 : i32
      %dma_wait3A_416 = tpu.memref_slice %arg9[%dma_wait3A_410, %dma_wait3A_415] : memref<8x128xi32, #tpu.memory_space<vmem>> -> memref<1x128xi32, #tpu.memory_space<vmem>>
      %dma_wait3A_417 = tpu.memref_squeeze %dma_wait3A_416 : memref<1x128xi32, #tpu.memory_space<vmem>> -> memref<128xi32, #tpu.memory_space<vmem>>
      %dma_wait3A_418 = arith.constant 0 : i32
      %dma_wait3A_419 = arith.constant 0 : i32
      %dma_wait3A_420 = tpu.memref_slice %arg7[%dma_wait3A_418, %dma_wait3A_419] : memref<102400x4xf32, #tpu.memory_space<vmem_shared>> -> memref<102400x4xf32, #tpu.memory_space<vmem_shared>>
      tpu.wait_indirect_dma semaphore(%arg13 : memref<!tpu.dma_semaphore, #tpu.memory_space<semaphore_mem>>) src(%dma_wait3A_414 : memref<128x4xf32, #tpu.memory_space<vmem>>) dst(%dma_wait3A_420 : memref<102400x4xf32, #tpu.memory_space<vmem_shared>>)
      %dma_wait3A_421 = arith.constant 6 : i32
      %dma_wait3A_422 = arith.constant 6 : i32
      %dma_wait3A_423 = arith.constant 0 : i32
      %dma_wait3A_424 = arith.constant 0 : i32
      %dma_wait3A_425 = tpu.memref_slice %arg10[%dma_wait3A_421, %dma_wait3A_423, %dma_wait3A_424] : memref<8x128x4xf32, #tpu.memory_space<vmem>> -> memref<1x128x4xf32, #tpu.memory_space<vmem>>
      %dma_wait3A_426 = tpu.memref_squeeze %dma_wait3A_425 : memref<1x128x4xf32, #tpu.memory_space<vmem>> -> memref<128x4xf32, #tpu.memory_space<vmem>>
      %dma_wait3A_427 = arith.constant 0 : i32
      %dma_wait3A_428 = tpu.memref_slice %arg9[%dma_wait3A_422, %dma_wait3A_427] : memref<8x128xi32, #tpu.memory_space<vmem>> -> memref<1x128xi32, #tpu.memory_space<vmem>>
      %dma_wait3A_429 = tpu.memref_squeeze %dma_wait3A_428 : memref<1x128xi32, #tpu.memory_space<vmem>> -> memref<128xi32, #tpu.memory_space<vmem>>
      %dma_wait3A_430 = arith.constant 0 : i32
      %dma_wait3A_431 = arith.constant 0 : i32
      %dma_wait3A_432 = tpu.memref_slice %arg7[%dma_wait3A_430, %dma_wait3A_431] : memref<102400x4xf32, #tpu.memory_space<vmem_shared>> -> memref<102400x4xf32, #tpu.memory_space<vmem_shared>>
      tpu.wait_indirect_dma semaphore(%arg13 : memref<!tpu.dma_semaphore, #tpu.memory_space<semaphore_mem>>) src(%dma_wait3A_426 : memref<128x4xf32, #tpu.memory_space<vmem>>) dst(%dma_wait3A_432 : memref<102400x4xf32, #tpu.memory_space<vmem_shared>>)
      %dma_wait3A_433 = arith.constant 7 : i32
      %dma_wait3A_434 = arith.constant 7 : i32
      %dma_wait3A_435 = arith.constant 0 : i32
      %dma_wait3A_436 = arith.constant 0 : i32
      %dma_wait3A_437 = tpu.memref_slice %arg10[%dma_wait3A_433, %dma_wait3A_435, %dma_wait3A_436] : memref<8x128x4xf32, #tpu.memory_space<vmem>> -> memref<1x128x4xf32, #tpu.memory_space<vmem>>
      %dma_wait3A_438 = tpu.memref_squeeze %dma_wait3A_437 : memref<1x128x4xf32, #tpu.memory_space<vmem>> -> memref<128x4xf32, #tpu.memory_space<vmem>>
      %dma_wait3A_439 = arith.constant 0 : i32
      %dma_wait3A_440 = tpu.memref_slice %arg9[%dma_wait3A_434, %dma_wait3A_439] : memref<8x128xi32, #tpu.memory_space<vmem>> -> memref<1x128xi32, #tpu.memory_space<vmem>>
      %dma_wait3A_441 = tpu.memref_squeeze %dma_wait3A_440 : memref<1x128xi32, #tpu.memory_space<vmem>> -> memref<128xi32, #tpu.memory_space<vmem>>
      %dma_wait3A_442 = arith.constant 0 : i32
      %dma_wait3A_443 = arith.constant 0 : i32
      %dma_wait3A_444 = tpu.memref_slice %arg7[%dma_wait3A_442, %dma_wait3A_443] : memref<102400x4xf32, #tpu.memory_space<vmem_shared>> -> memref<102400x4xf32, #tpu.memory_space<vmem_shared>>
      tpu.wait_indirect_dma semaphore(%arg13 : memref<!tpu.dma_semaphore, #tpu.memory_space<semaphore_mem>>) src(%dma_wait3A_438 : memref<128x4xf32, #tpu.memory_space<vmem>>) dst(%dma_wait3A_444 : memref<102400x4xf32, #tpu.memory_space<vmem_shared>>)
    }
    %scan3A_6 = arith.constant 98 : i32
    %barrier3A_7 = arith.constant 0 : index
    tpu.barrier barrier_id(%barrier3A_7)
    %mul3A_8 = arith.constant 6400 : i32
    %mul3A_9 = arith.muli %arg1, %mul3A_8 : i32
    "tpu.region"() ({
      %run_scoped3A = tpu.sem_alloc : memref<!tpu.dma_semaphore, #tpu.memory_space<semaphore_mem>>
      %dma_start3A = arith.constant 0 : i32
      %dma_start3A_10 = arith.constant 0 : i32
      %dma_start3A_11 = tpu.memref_slice %arg6[%arg0, %dma_start3A, %dma_start3A_10] : memref<2x102400x4xf32, #tpu.memory_space<hbm>> -> memref<1x102400x4xf32, #tpu.memory_space<hbm>>
      %dma_start3A_12 = tpu.memref_squeeze %dma_start3A_11 : memref<1x102400x4xf32, #tpu.memory_space<hbm>> -> memref<102400x4xf32, #tpu.memory_space<hbm>>
      %dma_start3A_13 = arith.constant 0 : i32
      %dma_start3A_14 = tpu.memref_slice %dma_start3A_12[%mul3A_9, %dma_start3A_13] : memref<102400x4xf32, #tpu.memory_space<hbm>> -> memref<6400x4xf32, #tpu.memory_space<hbm>>
      %dma_start3A_15 = arith.constant 0 : i32
      %dma_start3A_16 = tpu.memref_slice %arg7[%mul3A_9, %dma_start3A_15] : memref<102400x4xf32, #tpu.memory_space<vmem_shared>> -> memref<6400x4xf32, #tpu.memory_space<vmem_shared>>
      tpu.enqueue_dma source(%dma_start3A_16 : memref<6400x4xf32, #tpu.memory_space<vmem_shared>>) target(%dma_start3A_14 : memref<6400x4xf32, #tpu.memory_space<hbm>>) target_semaphore(%run_scoped3A : memref<!tpu.dma_semaphore, #tpu.memory_space<semaphore_mem>>)
      %dma_wait3A = arith.constant 0 : i32
      %dma_wait3A_17 = arith.constant 0 : i32
      %dma_wait3A_18 = tpu.memref_slice %arg6[%arg0, %dma_wait3A, %dma_wait3A_17] : memref<2x102400x4xf32, #tpu.memory_space<hbm>> -> memref<1x102400x4xf32, #tpu.memory_space<hbm>>
      %dma_wait3A_19 = tpu.memref_squeeze %dma_wait3A_18 : memref<1x102400x4xf32, #tpu.memory_space<hbm>> -> memref<102400x4xf32, #tpu.memory_space<hbm>>
      %dma_wait3A_20 = arith.constant 0 : i32
      %dma_wait3A_21 = tpu.memref_slice %dma_wait3A_19[%mul3A_9, %dma_wait3A_20] : memref<102400x4xf32, #tpu.memory_space<hbm>> -> memref<6400x4xf32, #tpu.memory_space<hbm>>
      %dma_wait3A_22 = arith.constant 0 : i32
      %dma_wait3A_23 = tpu.memref_slice %arg7[%mul3A_9, %dma_wait3A_22] : memref<102400x4xf32, #tpu.memory_space<vmem_shared>> -> memref<6400x4xf32, #tpu.memory_space<vmem_shared>>
      tpu.wait_dma2 semaphore(%run_scoped3A : memref<!tpu.dma_semaphore, #tpu.memory_space<semaphore_mem>>) src(%dma_wait3A_23 : memref<6400x4xf32, #tpu.memory_space<vmem_shared>>) dst(%dma_wait3A_21 : memref<6400x4xf32, #tpu.memory_space<hbm>>)
      tpu.yield
    }) : () -> ()
    return
  }
}

module attributes {stable_mosaic.version = 14 : i64} {
  func.func @_tc_prescale_pk_body(%arg0: i32, %arg1: memref<800x128xf32, #tpu.memory_space<vmem>>, %arg2: memref<800x128xf32, #tpu.memory_space<vmem>>, %arg3: memref<800x128xf32, #tpu.memory_space<vmem>>, %arg4: memref<800x128xf32, #tpu.memory_space<vmem>>, %arg5: memref<800x128xf32, #tpu.memory_space<vmem>>) attributes {dimension_semantics = [#tpu.dimension_semantics<arbitrary>], iteration_bounds = array<i64: 4>, scalar_prefetch = 0 : i64, scratch_operands = 0 : i64, tpu.core_type = #tpu.core_type<tc>, window_params = [{transform_indices = @transform_0, window_bounds = array<i64: 800, 128>}, {transform_indices = @transform_1, window_bounds = array<i64: 800, 128>}, {transform_indices = @transform_2, window_bounds = array<i64: 800, 128>}, {transform_indices = @transform_3, window_bounds = array<i64: 800, 128>}, {transform_indices = @transform_4, window_bounds = array<i64: 800, 128>}]} {
    %get3A = arith.constant 0 : index
    %get3A_0 = arith.constant 0 : index
    %get3A_1 = vector.load %arg1[%get3A, %get3A_0] : memref<800x128xf32, #tpu.memory_space<vmem>>, vector<800x128xf32>
    %get3A_2 = arith.constant 0 : index
    %get3A_3 = arith.constant 0 : index
    %get3A_4 = vector.load %arg2[%get3A_2, %get3A_3] : memref<800x128xf32, #tpu.memory_space<vmem>>, vector<800x128xf32>
    %add3A = arith.addf %get3A_1, %get3A_4 : vector<800x128xf32>
    %add3A_5 = arith.constant 1.000000e+00 : f32
    %add3A_6 = vector.broadcast %add3A_5 : f32 to vector<800x128xf32>
    %add3A_7 = arith.addf %add3A, %add3A_6 : vector<800x128xf32>
    %rsqrt3A = math.rsqrt %add3A_7 : vector<800x128xf32>
    %swap3A = arith.constant 0 : index
    %swap3A_8 = arith.constant 0 : index
    %swap3A_9 = vector.load %arg4[%swap3A, %swap3A_8] : memref<800x128xf32, #tpu.memory_space<vmem>>, vector<800x128xf32>
    tpu.vector_store %arg4[%swap3A, %swap3A_8], %rsqrt3A {strides = array<i32>} : memref<800x128xf32, #tpu.memory_space<vmem>>, vector<800x128xf32>,
    %get3A_10 = arith.constant 0 : index
    %get3A_11 = arith.constant 0 : index
    %get3A_12 = vector.load %arg3[%get3A_10, %get3A_11] : memref<800x128xf32, #tpu.memory_space<vmem>>, vector<800x128xf32>
    %mul3A = arith.mulf %get3A_12, %rsqrt3A : vector<800x128xf32>
    %swap3A_13 = arith.constant 0 : index
    %swap3A_14 = arith.constant 0 : index
    %swap3A_15 = vector.load %arg5[%swap3A_13, %swap3A_14] : memref<800x128xf32, #tpu.memory_space<vmem>>, vector<800x128xf32>
    tpu.vector_store %arg5[%swap3A_13, %swap3A_14], %mul3A {strides = array<i32>} : memref<800x128xf32, #tpu.memory_space<vmem>>, vector<800x128xf32>,
    return
  }
  func.func @transform_0(%arg0: i32) -> (i32, i32) {
    %c0_i32 = arith.constant 0 : i32
    %c0_i32_0 = arith.constant 0 : i32
    return %arg0, %c0_i32 : i32, i32
  }
  func.func @transform_1(%arg0: i32) -> (i32, i32) {
    %add3A = arith.constant 4 : i32
    %add3A_0 = arith.addi %arg0, %add3A : i32
    %c0_i32 = arith.constant 0 : i32
    %c0_i32_1 = arith.constant 0 : i32
    return %add3A_0, %c0_i32 : i32, i32
  }
  func.func @transform_2(%arg0: i32) -> (i32, i32) {
    %c0_i32 = arith.constant 0 : i32
    %c0_i32_0 = arith.constant 0 : i32
    return %arg0, %c0_i32 : i32, i32
  }
  func.func @transform_3(%arg0: i32) -> (i32, i32) {
    %c0_i32 = arith.constant 0 : i32
    %c0_i32_0 = arith.constant 0 : i32
    return %arg0, %c0_i32 : i32, i32
  }
  func.func @transform_4(%arg0: i32) -> (i32, i32) {
    %c0_i32 = arith.constant 0 : i32
    %c0_i32_0 = arith.constant 0 : i32
    return %arg0, %c0_i32 : i32, i32
  }
}

module attributes {stable_mosaic.version = 14 : i64} {
  func.func @_tc_mid_pk_body(%arg0: i32, %arg1: memref<800x128xf32, #tpu.memory_space<vmem>>, %arg2: memref<800x128xf32, #tpu.memory_space<vmem>>, %arg3: memref<800x128xf32, #tpu.memory_space<vmem>>, %arg4: memref<800x128xf32, #tpu.memory_space<vmem>>, %arg5: memref<128x2048xf32, #tpu.memory_space<vmem>>, %arg6: memref<1x2048xf32, #tpu.memory_space<vmem>>, %arg7: memref<2048x128xf32, #tpu.memory_space<vmem>>, %arg8: memref<800x128xf32, #tpu.memory_space<vmem>>) attributes {dimension_semantics = [#tpu.dimension_semantics<arbitrary>], iteration_bounds = array<i64: 4>, scalar_prefetch = 0 : i64, scratch_operands = 0 : i64, tpu.core_type = #tpu.core_type<tc>, window_params = [{transform_indices = @transform_0, window_bounds = array<i64: 800, 128>}, {transform_indices = @transform_1, window_bounds = array<i64: 800, 128>}, {transform_indices = @transform_2, window_bounds = array<i64: 800, 128>}, {transform_indices = @transform_3, window_bounds = array<i64: 800, 128>}, {pipeline_mode = #tpu.pipeline_mode<synchronous>, transform_indices = @transform_4, window_bounds = array<i64: 128, 2048>}, {pipeline_mode = #tpu.pipeline_mode<synchronous>, transform_indices = @transform_5, window_bounds = array<i64: 1, 2048>}, {pipeline_mode = #tpu.pipeline_mode<synchronous>, transform_indices = @transform_6, window_bounds = array<i64: 2048, 128>}, {transform_indices = @transform_7, window_bounds = array<i64: 800, 128>}]} {
    %get3A = arith.constant 0 : index
    %get3A_0 = arith.constant 0 : index
    %get3A_1 = vector.load %arg4[%get3A, %get3A_0] : memref<800x128xf32, #tpu.memory_space<vmem>>, vector<800x128xf32>
    %get3A_2 = arith.constant 0 : index
    %get3A_3 = arith.constant 0 : index
    %get3A_4 = vector.load %arg1[%get3A_2, %get3A_3] : memref<800x128xf32, #tpu.memory_space<vmem>>, vector<800x128xf32>
    %get3A_5 = arith.constant 0 : index
    %get3A_6 = arith.constant 0 : index
    %get3A_7 = vector.load %arg2[%get3A_5, %get3A_6] : memref<800x128xf32, #tpu.memory_space<vmem>>, vector<800x128xf32>
    %add3A = arith.addf %get3A_4, %get3A_7 : vector<800x128xf32>
    %mul3A = arith.mulf %add3A, %get3A_1 : vector<800x128xf32>
    %get3A_8 = arith.constant 0 : index
    %get3A_9 = arith.constant 0 : index
    %get3A_10 = vector.load %arg3[%get3A_8, %get3A_9] : memref<800x128xf32, #tpu.memory_space<vmem>>, vector<800x128xf32>
    %mul3A_11 = arith.mulf %get3A_1, %get3A_1 : vector<800x128xf32>
    %mul3A_12 = arith.mulf %get3A_10, %mul3A_11 : vector<800x128xf32>
    %add3A_13 = arith.addf %mul3A, %mul3A_12 : vector<800x128xf32>
    %get3A_14 = arith.constant 0 : index
    %get3A_15 = arith.constant 0 : index
    %get3A_16 = vector.load %arg5[%get3A_14, %get3A_15] : memref<128x2048xf32, #tpu.memory_space<vmem>>, vector<128x2048xf32>
    %dot_general3A = arith.constant dense<0.000000e+00> : vector<800x2048xf32>
    %dot_general3A_17 = tpu.matmul %add3A_13, %get3A_16, %dot_general3A {dimension_numbers = #tpu.dot_dimension_numbers<[1], [0], [0], [1], [0, 0, 1, 1], [], []>, transpose_lhs_hint = false} : vector<800x128xf32>, vector<128x2048xf32>, vector<800x2048xf32> -> vector<800x2048xf32>
    %get3A_18 = arith.constant 0 : index
    %get3A_19 = arith.constant 0 : index
    %get3A_20 = vector.load %arg6[%get3A_18, %get3A_19] : memref<1x2048xf32, #tpu.memory_space<vmem>>, vector<1x2048xf32>
    %add3A_21 = vector.broadcast %get3A_20 : vector<1x2048xf32> to vector<800x2048xf32>
    %add3A_22 = arith.addf %dot_general3A_17, %add3A_21 : vector<800x2048xf32>
    %max3A = arith.constant 0.000000e+00 : f32
    %max3A_23 = vector.broadcast %max3A : f32 to vector<800x2048xf32>
    %max3A_24 = arith.maximumf %add3A_22, %max3A_23 : vector<800x2048xf32>
    %get3A_25 = arith.constant 0 : index
    %get3A_26 = arith.constant 0 : index
    %get3A_27 = vector.load %arg7[%get3A_25, %get3A_26] : memref<2048x128xf32, #tpu.memory_space<vmem>>, vector<2048x128xf32>
    %dot_general3A_28 = arith.constant dense<0.000000e+00> : vector<800x128xf32>
    %dot_general3A_29 = tpu.matmul %max3A_24, %get3A_27, %dot_general3A_28 {dimension_numbers = #tpu.dot_dimension_numbers<[1], [0], [0], [1], [0, 0, 1, 1], [], []>, transpose_lhs_hint = false} : vector<800x2048xf32>, vector<2048x128xf32>, vector<800x128xf32> -> vector<800x128xf32>
    %mul3A_30 = arith.mulf %dot_general3A_29, %get3A_1 : vector<800x128xf32>
    %swap3A = arith.constant 0 : index
    %swap3A_31 = arith.constant 0 : index
    %swap3A_32 = vector.load %arg8[%swap3A, %swap3A_31] : memref<800x128xf32, #tpu.memory_space<vmem>>, vector<800x128xf32>
    tpu.vector_store %arg8[%swap3A, %swap3A_31], %mul3A_30 {strides = array<i32>} : memref<800x128xf32, #tpu.memory_space<vmem>>, vector<800x128xf32>,
    return
  }
  func.func @transform_0(%arg0: i32) -> (i32, i32) {
    %c0_i32 = arith.constant 0 : i32
    %c0_i32_0 = arith.constant 0 : i32
    return %arg0, %c0_i32 : i32, i32
  }
  func.func @transform_1(%arg0: i32) -> (i32, i32) {
    %add3A = arith.constant 4 : i32
    %add3A_0 = arith.addi %arg0, %add3A : i32
    %c0_i32 = arith.constant 0 : i32
    %c0_i32_1 = arith.constant 0 : i32
    return %add3A_0, %c0_i32 : i32, i32
  }
  func.func @transform_2(%arg0: i32) -> (i32, i32) {
    %c0_i32 = arith.constant 0 : i32
    %c0_i32_0 = arith.constant 0 : i32
    return %arg0, %c0_i32 : i32, i32
  }
  func.func @transform_3(%arg0: i32) -> (i32, i32) {
    %c0_i32 = arith.constant 0 : i32
    %c0_i32_0 = arith.constant 0 : i32
    return %arg0, %c0_i32 : i32, i32
  }
  func.func @transform_4(%arg0: i32) -> (i32, i32) {
    %c0_i32 = arith.constant 0 : i32
    %c0_i32_0 = arith.constant 0 : i32
    %c0_i32_1 = arith.constant 0 : i32
    return %c0_i32, %c0_i32_0 : i32, i32
  }
  func.func @transform_5(%arg0: i32) -> (i32, i32) {
    %c0_i32 = arith.constant 0 : i32
    %c0_i32_0 = arith.constant 0 : i32
    %c0_i32_1 = arith.constant 0 : i32
    return %c0_i32, %c0_i32_0 : i32, i32
  }
  func.func @transform_6(%arg0: i32) -> (i32, i32) {
    %c0_i32 = arith.constant 0 : i32
    %c0_i32_0 = arith.constant 0 : i32
    %c0_i32_1 = arith.constant 0 : i32
    return %c0_i32, %c0_i32_0 : i32, i32
  }
  func.func @transform_7(%arg0: i32) -> (i32, i32) {
    %c0_i32 = arith.constant 0 : i32
    %c0_i32_0 = arith.constant 0 : i32
    return %arg0, %c0_i32 : i32, i32
  }
}

module attributes {stable_mosaic.version = 14 : i64} {
  func.func @_tc_final_pk_body(%arg0: i32, %arg1: memref<800x128xf32, #tpu.memory_space<vmem>>, %arg2: memref<800x128xf32, #tpu.memory_space<vmem>>, %arg3: memref<800x128xf32, #tpu.memory_space<vmem>>, %arg4: memref<800x128xf32, #tpu.memory_space<vmem>>, %arg5: memref<1x1xf32, #tpu.memory_space<vmem>>, %arg6: memref<128x32xf32, #tpu.memory_space<vmem>>, %arg7: memref<800x32xf32, #tpu.memory_space<vmem>>) attributes {dimension_semantics = [#tpu.dimension_semantics<arbitrary>], iteration_bounds = array<i64: 4>, scalar_prefetch = 0 : i64, scratch_operands = 0 : i64, tpu.core_type = #tpu.core_type<tc>, window_params = [{transform_indices = @transform_0, window_bounds = array<i64: 800, 128>}, {transform_indices = @transform_1, window_bounds = array<i64: 800, 128>}, {transform_indices = @transform_2, window_bounds = array<i64: 800, 128>}, {transform_indices = @transform_3, window_bounds = array<i64: 800, 128>}, {pipeline_mode = #tpu.pipeline_mode<synchronous>, transform_indices = @transform_4, window_bounds = array<i64: 1, 1>}, {pipeline_mode = #tpu.pipeline_mode<synchronous>, transform_indices = @transform_5, window_bounds = array<i64: 128, 32>}, {transform_indices = @transform_6, window_bounds = array<i64: 800, 32>}]} {
    %get3A = arith.constant 0 : index
    %get3A_0 = arith.constant 0 : index
    %get3A_1 = vector.load %arg4[%get3A, %get3A_0] : memref<800x128xf32, #tpu.memory_space<vmem>>, vector<800x128xf32>
    %get3A_2 = arith.constant 0 : index
    %get3A_3 = arith.constant 0 : index
    %get3A_4 = vector.load %arg1[%get3A_2, %get3A_3] : memref<800x128xf32, #tpu.memory_space<vmem>>, vector<800x128xf32>
    %get3A_5 = arith.constant 0 : index
    %get3A_6 = arith.constant 0 : index
    %get3A_7 = vector.load %arg2[%get3A_5, %get3A_6] : memref<800x128xf32, #tpu.memory_space<vmem>>, vector<800x128xf32>
    %add3A = arith.addf %get3A_4, %get3A_7 : vector<800x128xf32>
    %get3A_8 = arith.constant 0 : index
    %get3A_9 = arith.constant 0 : index
    %get3A_10 = vector.load %arg3[%get3A_8, %get3A_9] : memref<800x128xf32, #tpu.memory_space<vmem>>, vector<800x128xf32>
    %add3A_11 = arith.addf %add3A, %get3A_10 : vector<800x128xf32>
    %mul3A = arith.mulf %get3A_1, %add3A_11 : vector<800x128xf32>
    %get3A_12 = arith.constant 0 : index
    %get3A_13 = arith.constant 0 : index
    %get3A_14 = vector.load %arg5[%get3A_12, %get3A_13] : memref<1x1xf32, #tpu.memory_space<vmem>>, vector<1x1xf32>
    %add3A_15 = vector.broadcast %get3A_14 : vector<1x1xf32> to vector<800x128xf32>
    %add3A_16 = arith.addf %mul3A, %add3A_15 : vector<800x128xf32>
    %logistic3A = arith.negf %add3A_16 : vector<800x128xf32>
    %logistic3A_17 = math.exp %logistic3A : vector<800x128xf32>
    %logistic3A_18 = arith.constant 1.000000e+00 : f32
    %logistic3A_19 = vector.broadcast %logistic3A_18 : f32 to vector<800x128xf32>
    %logistic3A_20 = arith.addf %logistic3A_19, %logistic3A_17 : vector<800x128xf32>
    %logistic3A_21 = arith.divf %logistic3A_19, %logistic3A_20 : vector<800x128xf32>
    %get3A_22 = arith.constant 0 : index
    %get3A_23 = arith.constant 0 : index
    %get3A_24 = vector.load %arg6[%get3A_22, %get3A_23] : memref<128x32xf32, #tpu.memory_space<vmem>>, vector<128x32xf32>
    %dot_general3A = arith.constant dense<0.000000e+00> : vector<800x32xf32>
    %dot_general3A_25 = tpu.matmul %logistic3A_21, %get3A_24, %dot_general3A {dimension_numbers = #tpu.dot_dimension_numbers<[1], [0], [0], [1], [0, 0, 1, 1], [], []>, transpose_lhs_hint = false} : vector<800x128xf32>, vector<128x32xf32>, vector<800x32xf32> -> vector<800x32xf32>
    %swap3A = arith.constant 0 : index
    %swap3A_26 = arith.constant 0 : index
    %swap3A_27 = vector.load %arg7[%swap3A, %swap3A_26] : memref<800x32xf32, #tpu.memory_space<vmem>>, vector<800x32xf32>
    tpu.vector_store %arg7[%swap3A, %swap3A_26], %dot_general3A_25 {strides = array<i32>} : memref<800x32xf32, #tpu.memory_space<vmem>>, vector<800x32xf32>,
    return
  }
  func.func @transform_0(%arg0: i32) -> (i32, i32) {
    %c0_i32 = arith.constant 0 : i32
    %c0_i32_0 = arith.constant 0 : i32
    return %arg0, %c0_i32 : i32, i32
  }
  func.func @transform_1(%arg0: i32) -> (i32, i32) {
    %add3A = arith.constant 4 : i32
    %add3A_0 = arith.addi %arg0, %add3A : i32
    %c0_i32 = arith.constant 0 : i32
    %c0_i32_1 = arith.constant 0 : i32
    return %add3A_0, %c0_i32 : i32, i32
  }
  func.func @transform_2(%arg0: i32) -> (i32, i32) {
    %c0_i32 = arith.constant 0 : i32
    %c0_i32_0 = arith.constant 0 : i32
    return %arg0, %c0_i32 : i32, i32
  }
  func.func @transform_3(%arg0: i32) -> (i32, i32) {
    %c0_i32 = arith.constant 0 : i32
    %c0_i32_0 = arith.constant 0 : i32
    return %arg0, %c0_i32 : i32, i32
  }
  func.func @transform_4(%arg0: i32) -> (i32, i32) {
    %c0_i32 = arith.constant 0 : i32
    %c0_i32_0 = arith.constant 0 : i32
    %c0_i32_1 = arith.constant 0 : i32
    return %c0_i32, %c0_i32_0 : i32, i32
  }
  func.func @transform_5(%arg0: i32) -> (i32, i32) {
    %c0_i32 = arith.constant 0 : i32
    %c0_i32_0 = arith.constant 0 : i32
    %c0_i32_1 = arith.constant 0 : i32
    return %c0_i32, %c0_i32_0 : i32, i32
  }
  func.func @transform_6(%arg0: i32) -> (i32, i32) {
    %c0_i32 = arith.constant 0 : i32
    %c0_i32_0 = arith.constant 0 : i32
    return %arg0, %c0_i32 : i32, i32
  }
}

</mosaic_0001>

<sc_bundles>
// kernel: kernel.11.cloned.1.call-start
scs
__scs_entry_jumppad:
0x0: {  	(pc) =	sbr.rel $0x88, $3  }
0x1: {  	(tag) =	ssettag $0x0;
	lr =	simm.s32 $0x1  }
0x2: {  	[smem:$0x3F9B] =	sst lr;
	_ =	strace $0xD0000000  }
0x3: {  	_ = 	snop  }
0x4: {  	_ = 	snop  }
0x5: {  	_ = 	snop  }
0x6: {  	_ = 	snop  }
0x7: {  	_ = 	snop  }
__scs_overlays_trampoline_lowered:
0x8: {  	[smem:$0x3FAA] =	sst s0  }
0x9: {  	[smem:$0x3FAB] =	sst s1  }
0xa: {  	[smem:$0x3FAC] =	sst s2  }
0xb: {  	[smem:$0x3FAD] =	sst s3  }
0xc: {  	[smem:$0x3FAE] =	sst s4  }
0xd: {  	[smem:$0x3FAF] =	sst s5  }
0xe: {  	[smem:$0x3FB0] =	sst s6  }
0xf: {  	[smem:$0x3FB1] =	sst s7  }
0x10: {  	[smem:$0x3FB2] =	sst s8  }
0x11: {  	[smem:$0x3FB3] =	sst s9;
	s0 =	simm.s32 @!p0 $0x0  }
0x12: {  	s1 =	sld [smem:$0x3F99];
	s0 =	simm.s32 @p0 $0x1  }
0x13: {  	[smem:$0x3FB4] =	sst s0;
	s0 =	simm.s32 @!p1 $0x0  }
0x14: {  	s2 =	sld [smem:$0x3F98];
	s0 =	simm.s32 @p1 $0x1  }
0x15: {  	[smem:$0x3FB5] =	sst s0;
	s0 =	simm.s32 @!p2 $0x0  }
0x16: {  	s3 =	sld [smem:$0x3FDB];
	s0 =	simm.s32 @p2 $0x1  }
0x17: {  	s4 =	simm.s32 $0x1BF5;
	[smem:$0x3FB7] =	sst s0  }
0x18: {  	s0 =	sld [smem:$0x3F9A];
	_ =	swait.ge [sflag:s4], $0x0  }
0x19: {  	s7 =	sld [smem:$0x3F9B]  }
0x1a: {  	s8 =	sadd.s32 $0xFFFFE003, lr  }
0x1b: {  	s9 =	sadd.s32 $0xFFFFFEF7, lr;
	s5 =	simm.s32 $0xFFFFFFFF;
	p2 =	slt.u32 s8, $0xFFFFF086  }
0x1c: {  	p1 =	slt.u32 s9, $0xF7A;
	s5 =	simm.s32 @!p2 $0x0  }
0x1d: {  	s5 =	simm.s32 @p1 $0x1;
	p0 =	seq.s32 s7, s2  }
0x1e: {  	s7 =	smul.u32 @!p0 $0xF7A, s2;
	p2 =	seq.s32 @!p0 s5, $0x0  }
0x1f: {  	s9 =	smul.u32 $0xF7A, s1;
	s8 =	simm.s32 @!p0 $0x1BF5;
	p2 =	por !p2, p0  }
0x20: {  	[sflag:s8] =	ssyncset.s32 @!p0 $0xFFFFF086;
	s6 =	sadd.s32 @!p0 s3, s7;
	s7 =	simm.s32 @!p0 $0x108  }
0x21: {  	s3 =	sadd.s32 s3, s9;
	s6 =	sadd.s32 @!p0 $0x88, s6;
	s7 =	simm.s32 @p2 $0x1082  }
0x22: {  	[simem:s7], [sflag:s8] =	dma.local @!p0 [hbm:s6], $0xF7A  }
0x23: {  	s9 =	sor.u32 $0xD0000000, s2;
	s6 =	simm.s32 $0x108;
	_ =	swait.ge @!p0 [sflag:s8], $0x0  }
0x24: {  	s3 =	sadd.s32 $0x88, s3;
	s6 =	simm.s32 @!p1 $0x1082;
	[sflag:s4] =	ssyncset.s32 $0xFFFFF086  }
0x25: {  	[simem:s6], [sflag:s4] =	dma.local [hbm:s3], $0xF7A  }
0x26: {  	[smem:$0x3F9B] =	sst s1;
	(tag) =	ssettag s2;
	_ =	strace s9  }
0x27: {  	s1 =	sld [smem:$0x3FAB]  }
0x28: {  	s2 =	sld [smem:$0x3FAC]  }
0x29: {  	s4 =	sld [smem:$0x3FAE]  }
0x2a: {  	p0 =	seq.s32 s5, $0x0;
	s5 =	sld [smem:$0x3FAF]  }
0x2b: {  	s6 =	sld [smem:$0x3FB0]  }
0x2c: {  	s7 =	sld [smem:$0x3FB1]  }
0x2d: {  	s3 =	simm.s32 $0x108;
	s8 =	sld [smem:$0x3FB2]  }
0x2e: {  	s3 =	simm.s32 @!p0 $0x1082;
	s9 =	sld [smem:$0x3FB3]  }
0x2f: {  	lr =	sadd.s32 s0, s3;
	s0 =	sld [smem:$0x3FAA]  }
0x30: {  	s3 =	sld [smem:$0x3FAD]  }
0x31: {  	[smem:$0x3FB6] =	sst s10  }
0x32: {  	s10 =	sld [smem:$0x3FB4];
	_ =	sdelay $0x3  }
0x33: {  	p0 =	seq.s32 s10, $0x1;
	s10 =	sld [smem:$0x3FB6];
	_ =	sdelay $0x3  }
0x34: {  	[smem:$0x3FB6] =	sst s10  }
0x35: {  	s10 =	sld [smem:$0x3FB5];
	_ =	sdelay $0x3  }
0x36: {  	p1 =	seq.s32 s10, $0x1;
	s10 =	sld [smem:$0x3FB6];
	_ =	sdelay $0x3  }
0x37: {  	[smem:$0x3FB6] =	sst s10  }
0x38: {  	s10 =	sld [smem:$0x3FB7]  }
0x39: {  	_ = 	snop;
	(pc) =	sbr.ind lr, $3  }
0x3a: {  	_ = 	snop  }
0x3b: {  	_ = 	snop  }
0x3c: {  	p2 =	seq.s32 s10, $0x1;
	s10 =	sld [smem:$0x3FB6]  }
0x3d: {  	_ =	shalt  }
0x3e: {  	_ =	shalt  }
0x3f: {  	_ =	shalt  }
0x40: {  	_ =	shalt  }
0x41: {  	_ =	shalt  }
0x42: {  	_ =	shalt  }
0x43: {  	_ =	shalt  }
0x44: {  	_ =	shalt  }
0x45: {  	_ =	shalt  }
0x46: {  	_ =	shalt  }
0x47: {  	_ =	shalt  }
0x48: {  	_ =	shalt  }
0x49: {  	_ =	shalt  }
0x4a: {  	_ =	shalt  }
0x4b: {  	_ =	shalt  }
0x4c: {  	_ =	shalt  }
0x4d: {  	_ =	shalt  }
0x4e: {  	_ =	shalt  }
0x4f: {  	_ =	shalt  }
0x50: {  	_ =	shalt  }
0x51: {  	_ =	shalt  }
0x52: {  	_ =	shalt  }
0x53: {  	_ =	shalt  }
0x54: {  	_ =	shalt  }
0x55: {  	_ =	shalt  }
0x56: {  	_ =	shalt  }
0x57: {  	_ =	shalt  }
0x58: {  	_ =	shalt  }
0x59: {  	_ =	shalt  }
0x5a: {  	_ =	shalt  }
0x5b: {  	_ =	shalt  }
0x5c: {  	_ =	shalt  }
0x5d: {  	_ =	shalt  }
0x5e: {  	_ =	shalt  }
0x5f: {  	_ =	shalt  }
0x60: {  	_ =	shalt  }
0x61: {  	_ =	shalt  }
0x62: {  	_ =	shalt  }
0x63: {  	_ =	shalt  }
0x64: {  	_ =	shalt  }
0x65: {  	_ =	shalt  }
0x66: {  	_ =	shalt  }
0x67: {  	_ =	shalt  }
0x68: {  	_ =	shalt  }
0x69: {  	_ =	shalt  }
0x6a: {  	_ =	shalt  }
0x6b: {  	_ =	shalt  }
0x6c: {  	_ =	shalt  }
0x6d: {  	_ =	shalt  }
0x6e: {  	_ =	shalt  }
0x6f: {  	_ =	shalt  }
0x70: {  	_ =	shalt  }
0x71: {  	_ =	shalt  }
0x72: {  	_ =	shalt  }
0x73: {  	_ =	shalt  }
0x74: {  	_ =	shalt  }
0x75: {  	_ =	shalt  }
0x76: {  	_ =	shalt  }
0x77: {  	_ =	shalt  }
0x78: {  	_ =	shalt  }
0x79: {  	_ =	shalt  }
0x7a: {  	_ =	shalt  }
0x7b: {  	_ =	shalt  }
0x7c: {  	_ =	shalt  }
0x7d: {  	_ =	shalt  }
0x7e: {  	_ =	shalt  }
0x7f: {  	_ =	shalt  }
0x80: {  	_ =	shalt  }
0x81: {  	_ =	shalt  }
0x82: {  	_ =	shalt  }
0x83: {  	_ =	shalt  }
0x84: {  	_ =	shalt  }
0x85: {  	_ =	shalt  }
0x86: {  	_ =	shalt  }
0x87: {  	_ =	shalt  }
.Lfunc_end0:
.L_simem_size_0:
called_computation.1_lowered:
.L_overlay_start_0:
0x88: {  	s2 =	sld [smem:$0x3FD9]  }
0x89: {  	s3 =	sld [smem:$0x3FFE];
	_ =	sdelay $0x1  }
0x8a: {  	s1 =	srdreg.scid  }
0x8b: {  	s0 =	sand.u32 $0x1, s1  }
0x8c: {  	s16 =	sshll.u32 s0, $0xA;
	s2 =	sadd.s32 s3, s2  }
0x8d: {  	s2 =	sadd.s32 s2, s16  }
0x8e: {  	[smem:$0x3FC2] =	sst s2  }
0x8f: {  	_ = 	snop  }
0x90: {  	(tm) =	ssettm $0x1  }
0x91: {  	s17 =	sld [smem:$0x3FFB];
	_ =	sdelay $0x3  }
0x92: {  	_ =	strace s17  }
0x93: {  	s2 =	sld [smem:$0x3FFC];
	_ =	sdelay $0x3  }
0x94: {  	_ =	strace s2  }
0x95: {  	s2 =	sld [smem:$0x3FFD];
	_ =	sdelay $0x3  }
0x96: {  	_ =	strace s2  }
0x97: {  	_ =	strace $0x8FFFFFFF  }
0x98: {  	s18 =	sld [smem:$0x3FDB];
	_ =	sdelay $0x1  }
0x99: {  	s19 =	simm.s32 $_scs_section_size  }
0x9a: {  	s4 =	simm.s32 $_size__tile_overlayer_lowered;
	s5 =	simm.s32 $_tile_overlayer_lowered  }
0x9b: {  	s22 =	simm.s32 $0x1BFF;
	s21 =	sshll.u32 s5, $0x1;
	s2 =	sadd.s32 s19, s18  }
0x9c: {  	s6 =	simm.s32 $0x0;
	s20 =	sshll.u32 s4, $0x1;
	s4 =	sadd.s32 s21, s2  }
0x9d: {  	[timem:s6], [sflag:s22] =	dma.local [hbm:s4], s20  }
0x9e: {  	_ =	swait.ge [sflag:s22], s20  }
0x9f: {  	s3 =	ssub.s32 $0x0, s20;
	[sflag:s22] =	ssyncset.done $0x0  }
0xa0: {  	[sflag:s22] =	ssyncadd.s32 s3;
	_ =	sdelay $0x1  }
0xa1: {  	s23 =	simm.s32 $0x1B8B  }
0xa2: {  	_ =	swait.ge [sflag:s23], $0x1  }
0xa3: {  	[sflag:s23] =	ssyncset.done $0x0  }
0xa4: {  	s25 =	simm.s32 $0x1B8E;
	s24 =	sld [smem:$0x3FFE];
	[sflag:s23] =	ssyncadd.s32 $0xFFFFFFFF  }
0xa5: {  	s26 =	simm.s32 $execute0_lowered;
	[smem:$0x3FD2] =	sst s25  }
0xa6: {  	s4 =	sshll.u32 s26, $0x1;
	_ =	strace $0x80000049;
	[dreg:$0x1] =	wrdreg $0xFFFFFFFF  }
0xa7: {  	s28 =	simm.s32 $_size_execute0_lowered;
	s2 =	sadd.s32 s2, s4;
	[dreg:$0x0] =	wrdreg $0x0  }
0xa8: {  	s4 =	sshll.u32 s28, $0x1;
	[dreg:$0x2] =	wrdreg s2  }
0xa9: {  	[dreg:$0x3] =	wrdreg s4  }
0xaa: {  	[dreg:$0x4] =	wrdreg $0xC0  }
0xab: {  	_ =	task [dreg:s6], $0x5FFFF  }
0xac: {  	[dreg:$0x1] =	wrdreg $0xFFFFFFFF  }
0xad: {  	[dreg:$0x0] =	wrdreg $0x60  }
0xae: {  	[dreg:$0x2] =	wrdreg s24  }
0xaf: {  	[dreg:$0x3] =	wrdreg $0x0  }
0xb0: {  	[dreg:$0x4] =	wrdreg $0x9  }
0xb1: {  	_ =	task.clear_ibuf [dreg:s6], $0x5FFFF;
	_ =	strace $0x90000049  }
0xb2: {  	s29 =	simm.s32 $0x9;
	_ =	strace $0x8000004B  }
0xb3: {  	_ =	swait.ge [sflag:s29], $0x1  }
0xb4: {  	[sflag:s29] =	ssyncadd.s32 $0xFFFFFFFF  }
0xb5: {  	_ =	strace $0x9000004B  }
0xb6: {  	_ =	sfence  }
0xb7: {  	s30 =	sld [smem:$0x0];
	_ =	sdelay $0x2  }
0xb8: {  	s31 =	sshll.u32 s1, $0xD;
	s1 =	sshrl.u32 s1, $0x2  }
0xb9: {  	s3 =	sand.u32 $0x4000, s31;
	s1 =	sadd.s32 s1, s30  }
0xba: {  	s0 =	sor.u32 s3, s0;
	s1 =	sshll.u32 s1, $0x11  }
0xbb: {  	s0 =	sor.u32 s1, s0  }
0xbc: {  	s0 =	sadd.s32 $0x8F2B, s0  }
0xbd: {  	[sflag:s0] =	ssyncadd.remote.s32 $0x1  }
0xbe: {  	_ =	sfence.sel $0xFFFF  }
0xbf: {  	[dreg:$0x0] =	wrdreg $0xFFFFFFFF;
	(pc) =	sbr.abs _section_cstart, $3  }
0xc0: {  	[dreg:$0x1] =	wrdreg $0xFFFFFFFF  }
0xc1: {  	_ =	task.clear_ibuf [dreg:s6], $0x2FFFF;
	_ =	strace $0x9FFFFFFF  }
0xc2: {  	(tm) =	ssettm $0x7FFFFFFF  }
0xc3: {  	_ =	shalt  }
tec
execute0_lowered:
.L_overlay_start_1:
0x0: {  	(tag) =	ssettag $0x1  }
0x1: {  	s0 =	rddreg [dreg:$0x0]  }
0x2: {  	s2 =	rddreg [dreg:$0x1]  }
0x3: {  	s1 =	srdreg.scid;
	s11 =	stileid.u32;
	s3 =	simm.s32 $0x0  }
0x4: {  	s19 =	simm.s32 $0x4;
	s12 =	simm.s32 $0x1;
	s23 =	simm.s32 $0x6480  }
0x5: {  	s13 =	simm.s32 $0x80;
	s24 =	simm.s32 $0x6500;
	s14 =	simm.s32 $0x6C00  }
0x6: {  	s25 =	simm.s32 $0x6580;
	s15 =	simm.s32 $0x7000;
	s26 =	simm.s32 $0x6600  }
0x7: {  	s16 =	simm.s32 $0x7400;
	s17 =	simm.s32 $0x7800;
	s18 =	simm.s32 $0x7C00  }
0x8: {  	s28 =	simm.s32 $0x6880;
	s29 =	simm.s32 $0x6900;
	s30 =	simm.s32 $0x6980  }
0x9: {  	s31 =	simm.s32 $0x6A00;
	s1 =	sand.u32 $0x1, s1;
	s4 =	sshll.u32 s11, $0x1  }
0xa: {  	[smem:$0x7FF] =	sst s3;
	s6 =	smul.u32 $0xC800, s11;
	s21 =	sshll.u32 s11, $0x6  }
0xb: {  	s11 =	simm.s32 $0x6800;
	_ =	strace $0x8000004A;
	[dreg:$0x5] =	wrdreg s23  }
0xc: {  	s5 =	sor.u32 s1, s4;
	s4 =	sadd.s32 $0x70800, s0;
	[dreg:$0x6] =	wrdreg s24  }
0xd: {  	s8 =	smul.u32 $0x19000, s1;
	s1 =	ssub.s32 $0x2, s1;
	[dreg:$0x7] =	wrdreg s25  }
0xe: {  	[dreg:$0x8] =	wrdreg s26;
	s23 =	simm.s32 $0x6780;
	s25 =	simm.s32 $0x8800  }
0xf: {  	s26 =	simm.s32 $0x2;
	s24 =	simm.s32 $0x0;
	s7 =	sshrl.u32 s6, $0x3  }
0x10: {  	s5 =	smul.u32 $0x3100, s5;
	s10 =	sshrl.u32 s1, $0x1;
	s9 =	sadd.s32 s7, s0  }
0x11: {  	s6 =	sadd.s32 s6, s2;
	s1 =	ssub.s32 s1, s10;
	s20 =	sadd.s32 $0x192000, s9  }
0x12: {  	s5 =	sadd.s32 s5, s0;
	s1 =	smax.u32 s1, $0x1;
	[dreg:$0x9] =	wrdreg s20  }
0x13: {  	s0 =	sadd.s32 s8, s0;
	s8 =	sor.u32 $0x1C04, s21;
	[dreg:$0xb] =	wrdreg s1  }
0x14: {  	s10 =	simm.s32 $0x6400;
	s9 =	sshrl.u32 s6, $0x3;
	[dreg:$0xa] =	wrdreg s8  }
0x15: {  	s21 =	simm.s32 $0x6700;
	s22 =	sadd.s32 $0xA2800, s5;
	[dreg:$0xc] =	wrdreg s9  }
0x16: {  	s5 =	sadd.s32 $0x2000, s5;
	s0 =	sadd.s32 $0x104800, s0;
	[dreg:$0x3] =	wrdreg s22  }
0x17: {  	s20 =	simm.s32 $0x8000;
	s1 =	simm.s32 $0x6B00;
	[dreg:$0x4] =	wrdreg s5  }
0x18: {  	s22 =	simm.s32 $0x8400;
	s0 =	sadd.s32 s7, s0;
	s5 =	simm.s32 $0x6B80  }
0x19: {  	s7 =	simm.s32 $0x3;
	[dreg:$0xd] =	wrdreg s0;
	s0 =	simm.s32 $0x6A80  }
.LBB2_1:
0x1a: {  	[dreg:$0xe] =	wrdreg s24  }
0x1b: {  	s6 =	rddreg [dreg:$0x9]  }
0x1c: {  	[spmem:s9], [sflag:s8] =	dma.local [hbm:s6], $0x1900  }
0x1d: {  	_ =	swait.ge [sflag:s19], $0x1900  }
0x1e: {  	[sflag:s19] =	ssyncset.done $0x0  }
0x1f: {  	[sflag:s19] =	ssyncadd.s32 $0xFFFFE700  }
0x20: {  	[bflag:$0x0] =	sbarrier.arrive $0xFFFF  }
0x21: {  	s19 =	rddreg [dreg:$0x3]  }
0x22: {  	s24 =	rddreg [dreg:$0x4];
	s6 =	sadd.s32 $0x0, s19  }
0x23: {  	[tilespmem:s10], [sflag:$0x1] =	stream.linear.gather [hbm4b:s6+s3], $0x400, $0x38;
	[tilespmem:$0x8C00] =	vst v63  }
0x24: {  	s9 =	sadd.s32 $0x0, s24  }
0x25: {  	[tilespmem:s11], [sflag:$0x1] =	stream.linear.gather [hbm4b:s9+s3], $0x400, $0x38;
	[tilespmem:$0x8C00] =	vst v63  }
0x26: {  	_ =	swait.ge [sflag:s12], $0x400  }
0x27: {  	[sflag:s12] =	ssyncset.done $0x0  }
0x28: {  	[sflag:s12] =	ssyncadd.s32 $0xFFFFFC00  }
0x29: {  	_ =	swait.ge [sflag:s12], $0x400  }
0x2a: {  	[sflag:s12] =	ssyncset.done $0x0  }
0x2b: {  	[sflag:s12] =	ssyncadd.s32 $0xFFFFFC00  }
0x2c: {  	[tilespmem:s14], [sflag:$0x2] =	stream.indirect.gather [hbm4b:s4+s13], $0x4, s10, s13, $0xb8;
	[tilespmem:$0x8C00] =	vst v63  }
0x2d: {  	s19 =	rddreg [dreg:$0x5]  }
0x2e: {  	[tilespmem:s15], [sflag:$0x2] =	stream.indirect.gather [hbm4b:s4+s13], $0x4, s19, s13, $0xb8;
	[tilespmem:$0x8C00] =	vst v63  }
0x2f: {  	s24 =	rddreg [dreg:$0x6]  }
0x30: {  	[tilespmem:s16], [sflag:$0x2] =	stream.indirect.gather [hbm4b:s4+s13], $0x4, s24, s13, $0xb8;
	[tilespmem:$0x8C00] =	vst v63  }
0x31: {  	s9 =	rddreg [dreg:$0x7]  }
0x32: {  	[tilespmem:s17], [sflag:$0x2] =	stream.indirect.gather [hbm4b:s4+s13], $0x4, s9, s13, $0xb8;
	[tilespmem:$0x8C00] =	vst v63  }
0x33: {  	s19 =	rddreg [dreg:$0x8]  }
0x34: {  	[tilespmem:s18], [sflag:$0x2] =	stream.indirect.gather [hbm4b:s4+s13], $0x4, s19, s13, $0xb8;
	[tilespmem:$0x8C00] =	vst v63  }
0x35: {  	s24 =	simm.s32 $0x6680  }
0x36: {  	[tilespmem:s20], [sflag:$0x2] =	stream.indirect.gather [hbm4b:s4+s13], $0x4, s24, s13, $0xb8;
	[tilespmem:$0x8C00] =	vst v63  }
0x37: {  	_ = 	snop  }
0x38: {  	[tilespmem:s22], [sflag:$0x2] =	stream.indirect.gather [hbm4b:s4+s13], $0x4, s21, s13, $0xb8;
	[tilespmem:$0x8C00] =	vst v63  }
0x39: {  	_ = 	snop  }
0x3a: {  	[tilespmem:s25], [sflag:$0x2] =	stream.indirect.gather [hbm4b:s4+s13], $0x4, s23, s13, $0xb8;
	[tilespmem:$0x8C00] =	vst v63  }
0x3b: {  	_ =	swait.ge [sflag:s26], $0x200  }
0x3c: {  	[sflag:s26] =	ssyncset.done $0x0  }
0x3d: {  	[sflag:s26] =	ssyncadd.s32 $0xFFFFFE00  }
0x3e: {  	_ =	swait.ge [sflag:s26], $0x200  }
0x3f: {  	[sflag:s26] =	ssyncset.done $0x0  }
0x40: {  	[sflag:s26] =	ssyncadd.s32 $0xFFFFFE00  }
0x41: {  	_ =	swait.ge [sflag:s26], $0x200  }
0x42: {  	[sflag:s26] =	ssyncset.done $0x0  }
0x43: {  	[sflag:s26] =	ssyncadd.s32 $0xFFFFFE00  }
0x44: {  	_ =	swait.ge [sflag:s26], $0x200  }
0x45: {  	[sflag:s26] =	ssyncset.done $0x0  }
0x46: {  	[sflag:s26] =	ssyncadd.s32 $0xFFFFFE00  }
0x47: {  	_ =	swait.ge [sflag:s26], $0x200  }
0x48: {  	[sflag:s26] =	ssyncset.done $0x0  }
0x49: {  	[sflag:s26] =	ssyncadd.s32 $0xFFFFFE00  }
0x4a: {  	_ =	swait.ge [sflag:s26], $0x200  }
0x4b: {  	[sflag:s26] =	ssyncset.done $0x0  }
0x4c: {  	[sflag:s26] =	ssyncadd.s32 $0xFFFFFE00  }
0x4d: {  	_ =	swait.ge [sflag:s26], $0x200  }
0x4e: {  	[sflag:s26] =	ssyncset.done $0x0  }
0x4f: {  	[sflag:s26] =	ssyncadd.s32 $0xFFFFFE00  }
0x50: {  	_ =	swait.ge [sflag:s26], $0x200  }
0x51: {  	[sflag:s26] =	ssyncset.done $0x0  }
0x52: {  	[sflag:s26] =	ssyncadd.s32 $0xFFFFFE00  }
0x53: {  	[spmem:s2] =	stream.indirect.scatter.add.f32 [tilespmem:s14], [sflag:$0x3], $0x4, s11, s13, $0xb8;
	[tilespmem:$0x8C00] =	vst v63  }
0x54: {  	_ = 	snop  }
0x55: {  	[spmem:s2] =	stream.indirect.scatter.add.f32 [tilespmem:s15], [sflag:$0x3], $0x4, s28, s13, $0xb8;
	[tilespmem:$0x8C00] =	vst v63  }
0x56: {  	_ = 	snop  }
0x57: {  	[spmem:s2] =	stream.indirect.scatter.add.f32 [tilespmem:s16], [sflag:$0x3], $0x4, s29, s13, $0xb8;
	[tilespmem:$0x8C00] =	vst v63  }
0x58: {  	_ = 	snop  }
0x59: {  	[spmem:s2] =	stream.indirect.scatter.add.f32 [tilespmem:s17], [sflag:$0x3], $0x4, s30, s13, $0xb8;
	[tilespmem:$0x8C00] =	vst v63  }
0x5a: {  	_ = 	snop  }
0x5b: {  	[spmem:s2] =	stream.indirect.scatter.add.f32 [tilespmem:s18], [sflag:$0x3], $0x4, s31, s13, $0xb8;
	[tilespmem:$0x8C00] =	vst v63  }
0x5c: {  	_ = 	snop  }
0x5d: {  	[spmem:s2] =	stream.indirect.scatter.add.f32 [tilespmem:s20], [sflag:$0x3], $0x4, s0, s13, $0xb8;
	[tilespmem:$0x8C00] =	vst v63  }
0x5e: {  	_ = 	snop  }
0x5f: {  	[spmem:s2] =	stream.indirect.scatter.add.f32 [tilespmem:s22], [sflag:$0x3], $0x4, s1, s13, $0xb8;
	[tilespmem:$0x8C00] =	vst v63  }
0x60: {  	_ = 	snop  }
0x61: {  	[spmem:s2] =	stream.indirect.scatter.add.f32 [tilespmem:s25], [sflag:$0x3], $0x4, s5, s13, $0xb8;
	[tilespmem:$0x8C00] =	vst v63  }
0x62: {  	_ =	swait.ge [sflag:s7], $0x200  }
0x63: {  	[sflag:s7] =	ssyncset.done $0x0  }
0x64: {  	[sflag:s7] =	ssyncadd.s32 $0xFFFFFE00  }
0x65: {  	_ =	swait.ge [sflag:s7], $0x200  }
0x66: {  	[sflag:s7] =	ssyncset.done $0x0  }
0x67: {  	[sflag:s7] =	ssyncadd.s32 $0xFFFFFE00  }
0x68: {  	_ =	swait.ge [sflag:s7], $0x200  }
0x69: {  	[sflag:s7] =	ssyncset.done $0x0  }
0x6a: {  	[sflag:s7] =	ssyncadd.s32 $0xFFFFFE00  }
0x6b: {  	_ =	swait.ge [sflag:s7], $0x200  }
0x6c: {  	[sflag:s7] =	ssyncset.done $0x0  }
0x6d: {  	[sflag:s7] =	ssyncadd.s32 $0xFFFFFE00  }
0x6e: {  	_ =	swait.ge [sflag:s7], $0x200  }
0x6f: {  	[sflag:s7] =	ssyncset.done $0x0  }
0x70: {  	[sflag:s7] =	ssyncadd.s32 $0xFFFFFE00  }
0x71: {  	_ =	swait.ge [sflag:s7], $0x200  }
0x72: {  	[sflag:s7] =	ssyncset.done $0x0  }
0x73: {  	[sflag:s7] =	ssyncadd.s32 $0xFFFFFE00  }
0x74: {  	_ =	swait.ge [sflag:s7], $0x200  }
0x75: {  	[sflag:s7] =	ssyncset.done $0x0  }
0x76: {  	[sflag:s7] =	ssyncadd.s32 $0xFFFFFE00  }
0x77: {  	s8 =	simm.s32 $0x100;
	_ =	swait.ge [sflag:s7], $0x200  }
0x78: {  	s6 =	simm.s32 $0x80;
	s9 =	rddreg [dreg:$0x3];
	[sflag:s7] =	ssyncset.done $0x0  }
.LBB2_2:
0x79: {  	[sflag:s7] =	ssyncadd.s32 $0xFFFFFE00;
	s19 =	rddreg [dreg:$0x4];
	s9 =	sadd.s32 s6, s9  }
0x7a: {  	[tilespmem:s10], [sflag:$0x1] =	stream.linear.gather [hbm4b:s9+s3], $0x400, $0x38;
	[tilespmem:$0x8C00] =	vst v63  }
0x7b: {  	s19 =	sadd.s32 s6, s19  }
0x7c: {  	[tilespmem:s11], [sflag:$0x1] =	stream.linear.gather [hbm4b:s19+s3], $0x400, $0x38;
	[tilespmem:$0x8C00] =	vst v63  }
0x7d: {  	_ =	swait.ge [sflag:s12], $0x400  }
0x7e: {  	[sflag:s12] =	ssyncset.done $0x0  }
0x7f: {  	[sflag:s12] =	ssyncadd.s32 $0xFFFFFC00  }
0x80: {  	_ =	swait.ge [sflag:s12], $0x400  }
0x81: {  	[sflag:s12] =	ssyncset.done $0x0  }
0x82: {  	[sflag:s12] =	ssyncadd.s32 $0xFFFFFC00  }
0x83: {  	[tilespmem:s14], [sflag:$0x2] =	stream.indirect.gather [hbm4b:s4+s13], $0x4, s10, s13, $0xb8;
	[tilespmem:$0x8C00] =	vst v63  }
0x84: {  	s24 =	smov.u32 s8;
	s19 =	rddreg [dreg:$0x5]  }
0x85: {  	[tilespmem:s15], [sflag:$0x2] =	stream.indirect.gather [hbm4b:s4+s13], $0x4, s19, s13, $0xb8;
	[tilespmem:$0x8C00] =	vst v63  }
0x86: {  	s6 =	smov.u32 s24;
	s24 =	rddreg [dreg:$0x6]  }
0x87: {  	[tilespmem:s16], [sflag:$0x2] =	stream.indirect.gather [hbm4b:s4+s13], $0x4, s24, s13, $0xb8;
	[tilespmem:$0x8C00] =	vst v63  }
0x88: {  	s9 =	rddreg [dreg:$0x7]  }
0x89: {  	[tilespmem:s17], [sflag:$0x2] =	stream.indirect.gather [hbm4b:s4+s13], $0x4, s9, s13, $0xb8;
	[tilespmem:$0x8C00] =	vst v63  }
0x8a: {  	s24 =	rddreg [dreg:$0x8]  }
0x8b: {  	[tilespmem:s18], [sflag:$0x2] =	stream.indirect.gather [hbm4b:s4+s13], $0x4, s24, s13, $0xb8;
	[tilespmem:$0x8C00] =	vst v63  }
0x8c: {  	s24 =	simm.s32 $0x6680  }
0x8d: {  	[tilespmem:s20], [sflag:$0x2] =	stream.indirect.gather [hbm4b:s4+s13], $0x4, s24, s13, $0xb8;
	[tilespmem:$0x8C00] =	vst v63  }
0x8e: {  	_ = 	snop  }
0x8f: {  	[tilespmem:s22], [sflag:$0x2] =	stream.indirect.gather [hbm4b:s4+s13], $0x4, s21, s13, $0xb8;
	[tilespmem:$0x8C00] =	vst v63  }
0x90: {  	_ = 	snop  }
0x91: {  	[tilespmem:s25], [sflag:$0x2] =	stream.indirect.gather [hbm4b:s4+s13], $0x4, s23, s13, $0xb8;
	[tilespmem:$0x8C00] =	vst v63  }
0x92: {  	_ =	swait.ge [sflag:s26], $0x200  }
0x93: {  	[sflag:s26] =	ssyncset.done $0x0  }
0x94: {  	[sflag:s26] =	ssyncadd.s32 $0xFFFFFE00  }
0x95: {  	_ =	swait.ge [sflag:s26], $0x200  }
0x96: {  	[sflag:s26] =	ssyncset.done $0x0  }
0x97: {  	[sflag:s26] =	ssyncadd.s32 $0xFFFFFE00  }
0x98: {  	_ =	swait.ge [sflag:s26], $0x200  }
0x99: {  	[sflag:s26] =	ssyncset.done $0x0  }
0x9a: {  	[sflag:s26] =	ssyncadd.s32 $0xFFFFFE00  }
0x9b: {  	_ =	swait.ge [sflag:s26], $0x200  }
0x9c: {  	[sflag:s26] =	ssyncset.done $0x0  }
0x9d: {  	[sflag:s26] =	ssyncadd.s32 $0xFFFFFE00  }
0x9e: {  	_ =	swait.ge [sflag:s26], $0x200  }
0x9f: {  	[sflag:s26] =	ssyncset.done $0x0  }
0xa0: {  	[sflag:s26] =	ssyncadd.s32 $0xFFFFFE00  }
0xa1: {  	_ =	swait.ge [sflag:s26], $0x200  }
0xa2: {  	[sflag:s26] =	ssyncset.done $0x0  }
0xa3: {  	[sflag:s26] =	ssyncadd.s32 $0xFFFFFE00  }
0xa4: {  	_ =	swait.ge [sflag:s26], $0x200  }
0xa5: {  	[sflag:s26] =	ssyncset.done $0x0  }
0xa6: {  	[sflag:s26] =	ssyncadd.s32 $0xFFFFFE00  }
0xa7: {  	_ =	swait.ge [sflag:s26], $0x200  }
0xa8: {  	[sflag:s26] =	ssyncset.done $0x0  }
0xa9: {  	[sflag:s26] =	ssyncadd.s32 $0xFFFFFE00  }
0xaa: {  	[spmem:s2] =	stream.indirect.scatter.add.f32 [tilespmem:s14], [sflag:$0x3], $0x4, s11, s13, $0xb8;
	[tilespmem:$0x8C00] =	vst v63  }
0xab: {  	_ = 	snop  }
0xac: {  	[spmem:s2] =	stream.indirect.scatter.add.f32 [tilespmem:s15], [sflag:$0x3], $0x4, s28, s13, $0xb8;
	[tilespmem:$0x8C00] =	vst v63  }
0xad: {  	_ = 	snop  }
0xae: {  	[spmem:s2] =	stream.indirect.scatter.add.f32 [tilespmem:s16], [sflag:$0x3], $0x4, s29, s13, $0xb8;
	[tilespmem:$0x8C00] =	vst v63  }
0xaf: {  	_ = 	snop  }
0xb0: {  	[spmem:s2] =	stream.indirect.scatter.add.f32 [tilespmem:s17], [sflag:$0x3], $0x4, s30, s13, $0xb8;
	[tilespmem:$0x8C00] =	vst v63  }
0xb1: {  	_ = 	snop  }
0xb2: {  	[spmem:s2] =	stream.indirect.scatter.add.f32 [tilespmem:s18], [sflag:$0x3], $0x4, s31, s13, $0xb8;
	[tilespmem:$0x8C00] =	vst v63  }
0xb3: {  	_ = 	snop  }
0xb4: {  	[spmem:s2] =	stream.indirect.scatter.add.f32 [tilespmem:s20], [sflag:$0x3], $0x4, s0, s13, $0xb8;
	[tilespmem:$0x8C00] =	vst v63  }
0xb5: {  	_ = 	snop  }
0xb6: {  	[spmem:s2] =	stream.indirect.scatter.add.f32 [tilespmem:s22], [sflag:$0x3], $0x4, s1, s13, $0xb8;
	[tilespmem:$0x8C00] =	vst v63  }
0xb7: {  	_ = 	snop  }
0xb8: {  	[spmem:s2] =	stream.indirect.scatter.add.f32 [tilespmem:s25], [sflag:$0x3], $0x4, s5, s13, $0xb8;
	[tilespmem:$0x8C00] =	vst v63  }
0xb9: {  	_ =	swait.ge [sflag:s7], $0x200  }
0xba: {  	[sflag:s7] =	ssyncset.done $0x0  }
0xbb: {  	[sflag:s7] =	ssyncadd.s32 $0xFFFFFE00  }
0xbc: {  	_ =	swait.ge [sflag:s7], $0x200  }
0xbd: {  	[sflag:s7] =	ssyncset.done $0x0  }
0xbe: {  	[sflag:s7] =	ssyncadd.s32 $0xFFFFFE00  }
0xbf: {  	_ =	swait.ge [sflag:s7], $0x200  }
0xc0: {  	[sflag:s7] =	ssyncset.done $0x0  }
0xc1: {  	[sflag:s7] =	ssyncadd.s32 $0xFFFFFE00  }
0xc2: {  	_ =	swait.ge [sflag:s7], $0x200  }
0xc3: {  	[sflag:s7] =	ssyncset.done $0x0  }
0xc4: {  	[sflag:s7] =	ssyncadd.s32 $0xFFFFFE00  }
0xc5: {  	_ =	swait.ge [sflag:s7], $0x200  }
0xc6: {  	[sflag:s7] =	ssyncset.done $0x0  }
0xc7: {  	[sflag:s7] =	ssyncadd.s32 $0xFFFFFE00  }
0xc8: {  	_ =	swait.ge [sflag:s7], $0x200  }
0xc9: {  	[sflag:s7] =	ssyncset.done $0x0  }
0xca: {  	p0 =	sne.s32 s8, $0x3080;
	[sflag:s7] =	ssyncadd.s32 $0xFFFFFE00  }
.Ltmp0:
0xcb: {  	_ =	swait.ge [sflag:s7], $0x200;
	(pc) =	sbr.rel @p0 .LBB2_2-.Ltmp0, $4  }
0xcc: {  	[sflag:s7] =	ssyncset.done $0x0  }
0xcd: {  	[sflag:s7] =	ssyncadd.s32 $0xFFFFFE00  }
0xce: {  	_ =	swait.ge [sflag:s7], $0x200  }
0xcf: {  	s8 =	sadd.s32 $0x80, s8;
	s9 =	rddreg [dreg:$0x3];
	[sflag:s7] =	ssyncset.done $0x0  }
0xd0: {  	s8 =	rddreg [dreg:$0x4];
	[sflag:s7] =	ssyncadd.s32 $0xFFFFFE00;
	s9 =	sadd.s32 s6, s9  }
0xd1: {  	[tilespmem:s10], [sflag:$0x1] =	stream.linear.gather [hbm4b:s9+s3], $0x400, $0x38;
	[tilespmem:$0x8C00] =	vst v63  }
0xd2: {  	s8 =	sadd.s32 s6, s8  }
0xd3: {  	[tilespmem:s11], [sflag:$0x1] =	stream.linear.gather [hbm4b:s8+s3], $0x400, $0x38;
	[tilespmem:$0x8C00] =	vst v63  }
0xd4: {  	_ =	swait.ge [sflag:s12], $0x400  }
0xd5: {  	[sflag:s12] =	ssyncset.done $0x0  }
0xd6: {  	[sflag:s12] =	ssyncadd.s32 $0xFFFFFC00  }
0xd7: {  	_ =	swait.ge [sflag:s12], $0x400  }
0xd8: {  	[sflag:s12] =	ssyncset.done $0x0  }
0xd9: {  	[sflag:s12] =	ssyncadd.s32 $0xFFFFFC00  }
0xda: {  	[tilespmem:s14], [sflag:$0x2] =	stream.indirect.gather [hbm4b:s4+s13], $0x4, s10, s13, $0xb8;
	[tilespmem:$0x8C00] =	vst v63  }
0xdb: {  	s9 =	rddreg [dreg:$0x5]  }
0xdc: {  	[tilespmem:s15], [sflag:$0x2] =	stream.indirect.gather [hbm4b:s4+s13], $0x4, s9, s13, $0xb8;
	[tilespmem:$0x8C00] =	vst v63  }
0xdd: {  	s19 =	rddreg [dreg:$0x6]  }
0xde: {  	[tilespmem:s16], [sflag:$0x2] =	stream.indirect.gather [hbm4b:s4+s13], $0x4, s19, s13, $0xb8;
	[tilespmem:$0x8C00] =	vst v63  }
0xdf: {  	s24 =	rddreg [dreg:$0x7]  }
0xe0: {  	[tilespmem:s17], [sflag:$0x2] =	stream.indirect.gather [hbm4b:s4+s13], $0x4, s24, s13, $0xb8;
	[tilespmem:$0x8C00] =	vst v63  }
0xe1: {  	s9 =	rddreg [dreg:$0x8]  }
0xe2: {  	[tilespmem:s18], [sflag:$0x2] =	stream.indirect.gather [hbm4b:s4+s13], $0x4, s9, s13, $0xb8;
	[tilespmem:$0x8C00] =	vst v63  }
0xe3: {  	s19 =	simm.s32 $0x6680  }
0xe4: {  	[tilespmem:s20], [sflag:$0x2] =	stream.indirect.gather [hbm4b:s4+s13], $0x4, s19, s13, $0xb8;
	[tilespmem:$0x8C00] =	vst v63  }
0xe5: {  	_ = 	snop  }
0xe6: {  	[tilespmem:s22], [sflag:$0x2] =	stream.indirect.gather [hbm4b:s4+s13], $0x4, s21, s13, $0xb8;
	[tilespmem:$0x8C00] =	vst v63  }
0xe7: {  	_ = 	snop  }
0xe8: {  	[tilespmem:s25], [sflag:$0x2] =	stream.indirect.gather [hbm4b:s4+s13], $0x4, s23, s13, $0xb8;
	[tilespmem:$0x8C00] =	vst v63  }
0xe9: {  	_ =	swait.ge [sflag:s26], $0x200  }
0xea: {  	[sflag:s26] =	ssyncset.done $0x0  }
0xeb: {  	[sflag:s26] =	ssyncadd.s32 $0xFFFFFE00  }
0xec: {  	_ =	swait.ge [sflag:s26], $0x200  }
0xed: {  	[sflag:s26] =	ssyncset.done $0x0  }
0xee: {  	[sflag:s26] =	ssyncadd.s32 $0xFFFFFE00  }
0xef: {  	_ =	swait.ge [sflag:s26], $0x200  }
0xf0: {  	[sflag:s26] =	ssyncset.done $0x0  }
0xf1: {  	[sflag:s26] =	ssyncadd.s32 $0xFFFFFE00  }
0xf2: {  	_ =	swait.ge [sflag:s26], $0x200  }
0xf3: {  	[sflag:s26] =	ssyncset.done $0x0  }
0xf4: {  	[sflag:s26] =	ssyncadd.s32 $0xFFFFFE00  }
0xf5: {  	_ =	swait.ge [sflag:s26], $0x200  }
0xf6: {  	[sflag:s26] =	ssyncset.done $0x0  }
0xf7: {  	[sflag:s26] =	ssyncadd.s32 $0xFFFFFE00  }
0xf8: {  	_ =	swait.ge [sflag:s26], $0x200  }
0xf9: {  	[sflag:s26] =	ssyncset.done $0x0  }
0xfa: {  	[sflag:s26] =	ssyncadd.s32 $0xFFFFFE00  }
0xfb: {  	_ =	swait.ge [sflag:s26], $0x200  }
0xfc: {  	[sflag:s26] =	ssyncset.done $0x0  }
0xfd: {  	[sflag:s26] =	ssyncadd.s32 $0xFFFFFE00  }
0xfe: {  	_ =	swait.ge [sflag:s26], $0x200  }
0xff: {  	[sflag:s26] =	ssyncset.done $0x0  }
0x100: {  	[sflag:s26] =	ssyncadd.s32 $0xFFFFFE00  }
0x101: {  	[spmem:s2] =	stream.indirect.scatter.add.f32 [tilespmem:s14], [sflag:$0x3], $0x4, s11, s13, $0xb8;
	[tilespmem:$0x8C00] =	vst v63  }
0x102: {  	_ = 	snop  }
0x103: {  	[spmem:s2] =	stream.indirect.scatter.add.f32 [tilespmem:s15], [sflag:$0x3], $0x4, s28, s13, $0xb8;
	[tilespmem:$0x8C00] =	vst v63  }
0x104: {  	_ = 	snop  }
0x105: {  	[spmem:s2] =	stream.indirect.scatter.add.f32 [tilespmem:s16], [sflag:$0x3], $0x4, s29, s13, $0xb8;
	[tilespmem:$0x8C00] =	vst v63  }
0x106: {  	_ = 	snop  }
0x107: {  	[spmem:s2] =	stream.indirect.scatter.add.f32 [tilespmem:s17], [sflag:$0x3], $0x4, s30, s13, $0xb8;
	[tilespmem:$0x8C00] =	vst v63  }
0x108: {  	_ = 	snop  }
0x109: {  	[spmem:s2] =	stream.indirect.scatter.add.f32 [tilespmem:s18], [sflag:$0x3], $0x4, s31, s13, $0xb8;
	[tilespmem:$0x8C00] =	vst v63  }
0x10a: {  	_ = 	snop  }
0x10b: {  	[spmem:s2] =	stream.indirect.scatter.add.f32 [tilespmem:s20], [sflag:$0x3], $0x4, s0, s13, $0xb8;
	[tilespmem:$0x8C00] =	vst v63  }
0x10c: {  	_ = 	snop  }
0x10d: {  	[spmem:s2] =	stream.indirect.scatter.add.f32 [tilespmem:s22], [sflag:$0x3], $0x4, s1, s13, $0xb8;
	[tilespmem:$0x8C00] =	vst v63  }
0x10e: {  	_ = 	snop  }
0x10f: {  	[spmem:s2] =	stream.indirect.scatter.add.f32 [tilespmem:s25], [sflag:$0x3], $0x4, s5, s13, $0xb8;
	[tilespmem:$0x8C00] =	vst v63  }
0x110: {  	_ =	swait.ge [sflag:s7], $0x200  }
0x111: {  	[sflag:s7] =	ssyncset.done $0x0  }
0x112: {  	[sflag:s7] =	ssyncadd.s32 $0xFFFFFE00  }
0x113: {  	_ =	swait.ge [sflag:s7], $0x200  }
0x114: {  	[sflag:s7] =	ssyncset.done $0x0  }
0x115: {  	[sflag:s7] =	ssyncadd.s32 $0xFFFFFE00  }
0x116: {  	_ =	swait.ge [sflag:s7], $0x200  }
0x117: {  	[sflag:s7] =	ssyncset.done $0x0  }
0x118: {  	[sflag:s7] =	ssyncadd.s32 $0xFFFFFE00  }
0x119: {  	_ =	swait.ge [sflag:s7], $0x200  }
0x11a: {  	[sflag:s7] =	ssyncset.done $0x0  }
0x11b: {  	[sflag:s7] =	ssyncadd.s32 $0xFFFFFE00  }
0x11c: {  	_ =	swait.ge [sflag:s7], $0x200  }
0x11d: {  	[sflag:s7] =	ssyncset.done $0x0  }
0x11e: {  	[sflag:s7] =	ssyncadd.s32 $0xFFFFFE00  }
0x11f: {  	_ =	swait.ge [sflag:s7], $0x200  }
0x120: {  	[sflag:s7] =	ssyncset.done $0x0  }
0x121: {  	[sflag:s7] =	ssyncadd.s32 $0xFFFFFE00  }
0x122: {  	_ =	swait.ge [sflag:s7], $0x200  }
0x123: {  	[sflag:s7] =	ssyncset.done $0x0  }
0x124: {  	[sflag:s7] =	ssyncadd.s32 $0xFFFFFE00  }
0x125: {  	_ =	swait.ge [sflag:s7], $0x200  }
0x126: {  	[sflag:s7] =	ssyncset.done $0x0  }
0x127: {  	[sflag:s7] =	ssyncadd.s32 $0xFFFFFE00  }
0x128: {  	[bflag:$0x0] =	sbarrier.arrive $0xFFFF  }
0x129: {  	s8 =	rddreg [dreg:$0xa]  }
0x12a: {  	s9 =	rddreg [dreg:$0xc]  }
0x12b: {  	s19 =	simm.s32 $0x4;
	s24 =	rddreg [dreg:$0xd]  }
0x12c: {  	[hbm:s24], [sflag:s8] =	dma.local [spmem:s9], $0x1900  }
0x12d: {  	_ =	swait.ge [sflag:s19], $0x1900  }
0x12e: {  	s24 =	rddreg [dreg:$0xe]  }
0x12f: {  	s6 =	rddreg [dreg:$0xb];
	s24 =	sadd.s32 $0x1, s24  }
0x130: {  	p0 =	sne.s32 s24, s6  }
.Ltmp1:
0x131: {  	_ = 	snop;
	(pc) =	sbr.rel @p0 .LBB2_1-.Ltmp1, $3  }
0x132: {  	_ =	sdelay $0x1  }
0x133: {  	[sflag:s19] =	ssyncset.done $0x0  }
0x134: {  	[sflag:s19] =	ssyncadd.s32 $0xFFFFE700  }
0x135: {  	_ =	sfence.sel $0x180000  }
0x136: {  	[bflag:$0x0] =	sbarrier.arrive $0xFFFF  }
0x137: {  	_ =	strace $0x9000004A  }
0x138: {  	s0 =	stileid.u32;
	[bflag:$0x2] =	sbarrier.arrive $0xFFFF  }
0x139: {  	p0 =	sne.s32 s0, $0x0;
	s0 =	rddreg [dreg:$0x2]  }
0x13a: {  	s0 =	sadd.s32 @!p0 $0x100000, s0  }
0x13b: {  	[sflag:s0] =	ssyncadd.tile.s32 @!p0 $0x1;
	_ =	shalt  }
.Lfunc_end2:
_tile_overlayer_lowered:
.L_overlay_start_2:
0x13c: {  	(tag) =	ssettag $0x2  }
0x13d: {  	s0 =	rddreg [dreg:$0x0];
	s2 =	stileid.u32  }
0x13e: {  	s1 =	rddreg [dreg:$0x1];
	p0 =	sne.s32 s2, $0x0  }
0x13f: {  	s3 =	rddreg [dreg:$0x2];
	[bflag:$0x3] =	sbarrier.arrive $0xFFFF;
	s2 =	simm.s32 @!p0 $0x1C04  }
0x140: {  	[timem:s3], [sflag:s2] =	dma.local @!p0 [hbm:s0], s1  }
0x141: {  	s0 =	simm.s32 @!p0 $0x4  }
0x142: {  	_ =	swait.ge @!p0 [sflag:s0], s1  }
0x143: {  	s1 =	ssub.s32 @!p0 $0x0, s1;
	[sflag:s0] =	ssyncset.done @!p0 $0x0  }
0x144: {  	[sflag:s0] =	ssyncadd.s32 @!p0 s1  }
0x145: {  	[bflag:$0x3] =	sbarrier.arrive $0xFFFF  }
0x146: {  	_ =	shalt  }

// kernel: kernel.14.cloned.1.call-start
scs
__scs_entry_jumppad:
0x0: {  	(pc) =	sbr.rel $0x88, $3  }
0x1: {  	(tag) =	ssettag $0x0;
	lr =	simm.s32 $0x1  }
0x2: {  	[smem:$0x3F9B] =	sst lr;
	_ =	strace $0xD0000000  }
0x3: {  	_ = 	snop  }
0x4: {  	_ = 	snop  }
0x5: {  	_ = 	snop  }
0x6: {  	_ = 	snop  }
0x7: {  	_ = 	snop  }
__scs_overlays_trampoline_lowered:
0x8: {  	[smem:$0x3FAA] =	sst s0  }
0x9: {  	[smem:$0x3FAB] =	sst s1  }
0xa: {  	[smem:$0x3FAC] =	sst s2  }
0xb: {  	[smem:$0x3FAD] =	sst s3  }
0xc: {  	[smem:$0x3FAE] =	sst s4  }
0xd: {  	[smem:$0x3FAF] =	sst s5  }
0xe: {  	[smem:$0x3FB0] =	sst s6  }
0xf: {  	[smem:$0x3FB1] =	sst s7  }
0x10: {  	[smem:$0x3FB2] =	sst s8  }
0x11: {  	[smem:$0x3FB3] =	sst s9;
	s0 =	simm.s32 @!p0 $0x0  }
0x12: {  	s1 =	sld [smem:$0x3F99];
	s0 =	simm.s32 @p0 $0x1  }
0x13: {  	[smem:$0x3FB4] =	sst s0;
	s0 =	simm.s32 @!p1 $0x0  }
0x14: {  	s2 =	sld [smem:$0x3F98];
	s0 =	simm.s32 @p1 $0x1  }
0x15: {  	[smem:$0x3FB5] =	sst s0;
	s0 =	simm.s32 @!p2 $0x0  }
0x16: {  	s3 =	sld [smem:$0x3FDB];
	s0 =	simm.s32 @p2 $0x1  }
0x17: {  	s4 =	simm.s32 $0x1BF5;
	[smem:$0x3FB7] =	sst s0  }
0x18: {  	s0 =	sld [smem:$0x3F9A];
	_ =	swait.ge [sflag:s4], $0x0  }
0x19: {  	s7 =	sld [smem:$0x3F9B]  }
0x1a: {  	s8 =	sadd.s32 $0xFFFFE003, lr  }
0x1b: {  	s9 =	sadd.s32 $0xFFFFFEF7, lr;
	s5 =	simm.s32 $0xFFFFFFFF;
	p2 =	slt.u32 s8, $0xFFFFF086  }
0x1c: {  	p1 =	slt.u32 s9, $0xF7A;
	s5 =	simm.s32 @!p2 $0x0  }
0x1d: {  	s5 =	simm.s32 @p1 $0x1;
	p0 =	seq.s32 s7, s2  }
0x1e: {  	s7 =	smul.u32 @!p0 $0xF7A, s2;
	p2 =	seq.s32 @!p0 s5, $0x0  }
0x1f: {  	s9 =	smul.u32 $0xF7A, s1;
	s8 =	simm.s32 @!p0 $0x1BF5;
	p2 =	por !p2, p0  }
0x20: {  	[sflag:s8] =	ssyncset.s32 @!p0 $0xFFFFF086;
	s6 =	sadd.s32 @!p0 s3, s7;
	s7 =	simm.s32 @!p0 $0x108  }
0x21: {  	s3 =	sadd.s32 s3, s9;
	s6 =	sadd.s32 @!p0 $0x88, s6;
	s7 =	simm.s32 @p2 $0x1082  }
0x22: {  	[simem:s7], [sflag:s8] =	dma.local @!p0 [hbm:s6], $0xF7A  }
0x23: {  	s9 =	sor.u32 $0xD0000000, s2;
	s6 =	simm.s32 $0x108;
	_ =	swait.ge @!p0 [sflag:s8], $0x0  }
0x24: {  	s3 =	sadd.s32 $0x88, s3;
	s6 =	simm.s32 @!p1 $0x1082;
	[sflag:s4] =	ssyncset.s32 $0xFFFFF086  }
0x25: {  	[simem:s6], [sflag:s4] =	dma.local [hbm:s3], $0xF7A  }
0x26: {  	[smem:$0x3F9B] =	sst s1;
	(tag) =	ssettag s2;
	_ =	strace s9  }
0x27: {  	s1 =	sld [smem:$0x3FAB]  }
0x28: {  	s2 =	sld [smem:$0x3FAC]  }
0x29: {  	s4 =	sld [smem:$0x3FAE]  }
0x2a: {  	p0 =	seq.s32 s5, $0x0;
	s5 =	sld [smem:$0x3FAF]  }
0x2b: {  	s6 =	sld [smem:$0x3FB0]  }
0x2c: {  	s7 =	sld [smem:$0x3FB1]  }
0x2d: {  	s3 =	simm.s32 $0x108;
	s8 =	sld [smem:$0x3FB2]  }
0x2e: {  	s3 =	simm.s32 @!p0 $0x1082;
	s9 =	sld [smem:$0x3FB3]  }
0x2f: {  	lr =	sadd.s32 s0, s3;
	s0 =	sld [smem:$0x3FAA]  }
0x30: {  	s3 =	sld [smem:$0x3FAD]  }
0x31: {  	[smem:$0x3FB6] =	sst s10  }
0x32: {  	s10 =	sld [smem:$0x3FB4];
	_ =	sdelay $0x3  }
0x33: {  	p0 =	seq.s32 s10, $0x1;
	s10 =	sld [smem:$0x3FB6];
	_ =	sdelay $0x3  }
0x34: {  	[smem:$0x3FB6] =	sst s10  }
0x35: {  	s10 =	sld [smem:$0x3FB5];
	_ =	sdelay $0x3  }
0x36: {  	p1 =	seq.s32 s10, $0x1;
	s10 =	sld [smem:$0x3FB6];
	_ =	sdelay $0x3  }
0x37: {  	[smem:$0x3FB6] =	sst s10  }
0x38: {  	s10 =	sld [smem:$0x3FB7]  }
0x39: {  	_ = 	snop;
	(pc) =	sbr.ind lr, $3  }
0x3a: {  	_ = 	snop  }
0x3b: {  	_ = 	snop  }
0x3c: {  	p2 =	seq.s32 s10, $0x1;
	s10 =	sld [smem:$0x3FB6]  }
0x3d: {  	_ =	shalt  }
0x3e: {  	_ =	shalt  }
0x3f: {  	_ =	shalt  }
0x40: {  	_ =	shalt  }
0x41: {  	_ =	shalt  }
0x42: {  	_ =	shalt  }
0x43: {  	_ =	shalt  }
0x44: {  	_ =	shalt  }
0x45: {  	_ =	shalt  }
0x46: {  	_ =	shalt  }
0x47: {  	_ =	shalt  }
0x48: {  	_ =	shalt  }
0x49: {  	_ =	shalt  }
0x4a: {  	_ =	shalt  }
0x4b: {  	_ =	shalt  }
0x4c: {  	_ =	shalt  }
0x4d: {  	_ =	shalt  }
0x4e: {  	_ =	shalt  }
0x4f: {  	_ =	shalt  }
0x50: {  	_ =	shalt  }
0x51: {  	_ =	shalt  }
0x52: {  	_ =	shalt  }
0x53: {  	_ =	shalt  }
0x54: {  	_ =	shalt  }
0x55: {  	_ =	shalt  }
0x56: {  	_ =	shalt  }
0x57: {  	_ =	shalt  }
0x58: {  	_ =	shalt  }
0x59: {  	_ =	shalt  }
0x5a: {  	_ =	shalt  }
0x5b: {  	_ =	shalt  }
0x5c: {  	_ =	shalt  }
0x5d: {  	_ =	shalt  }
0x5e: {  	_ =	shalt  }
0x5f: {  	_ =	shalt  }
0x60: {  	_ =	shalt  }
0x61: {  	_ =	shalt  }
0x62: {  	_ =	shalt  }
0x63: {  	_ =	shalt  }
0x64: {  	_ =	shalt  }
0x65: {  	_ =	shalt  }
0x66: {  	_ =	shalt  }
0x67: {  	_ =	shalt  }
0x68: {  	_ =	shalt  }
0x69: {  	_ =	shalt  }
0x6a: {  	_ =	shalt  }
0x6b: {  	_ =	shalt  }
0x6c: {  	_ =	shalt  }
0x6d: {  	_ =	shalt  }
0x6e: {  	_ =	shalt  }
0x6f: {  	_ =	shalt  }
0x70: {  	_ =	shalt  }
0x71: {  	_ =	shalt  }
0x72: {  	_ =	shalt  }
0x73: {  	_ =	shalt  }
0x74: {  	_ =	shalt  }
0x75: {  	_ =	shalt  }
0x76: {  	_ =	shalt  }
0x77: {  	_ =	shalt  }
0x78: {  	_ =	shalt  }
0x79: {  	_ =	shalt  }
0x7a: {  	_ =	shalt  }
0x7b: {  	_ =	shalt  }
0x7c: {  	_ =	shalt  }
0x7d: {  	_ =	shalt  }
0x7e: {  	_ =	shalt  }
0x7f: {  	_ =	shalt  }
0x80: {  	_ =	shalt  }
0x81: {  	_ =	shalt  }
0x82: {  	_ =	shalt  }
0x83: {  	_ =	shalt  }
0x84: {  	_ =	shalt  }
0x85: {  	_ =	shalt  }
0x86: {  	_ =	shalt  }
0x87: {  	_ =	shalt  }
.Lfunc_end0:
.L_simem_size_0:
called_computation.2_lowered:
.L_overlay_start_0:
0x88: {  	s2 =	sld [smem:$0x3FD9]  }
0x89: {  	s3 =	sld [smem:$0x3FFE];
	_ =	sdelay $0x1  }
0x8a: {  	s1 =	srdreg.scid  }
0x8b: {  	s0 =	sand.u32 $0x1, s1  }
0x8c: {  	s16 =	sshll.u32 s0, $0xA;
	s2 =	sadd.s32 s3, s2  }
0x8d: {  	s2 =	sadd.s32 s2, s16  }
0x8e: {  	[smem:$0x3FC2] =	sst s2  }
0x8f: {  	_ = 	snop  }
0x90: {  	(tm) =	ssettm $0x1  }
0x91: {  	s17 =	sld [smem:$0x3FFB];
	_ =	sdelay $0x3  }
0x92: {  	_ =	strace s17  }
0x93: {  	s2 =	sld [smem:$0x3FFC];
	_ =	sdelay $0x3  }
0x94: {  	_ =	strace s2  }
0x95: {  	s2 =	sld [smem:$0x3FFD];
	_ =	sdelay $0x3  }
0x96: {  	_ =	strace s2  }
0x97: {  	_ =	strace $0x8FFFFFFF  }
0x98: {  	s18 =	sld [smem:$0x3FDB];
	_ =	sdelay $0x1  }
0x99: {  	s19 =	simm.s32 $_scs_section_size  }
0x9a: {  	s4 =	simm.s32 $_size__tile_overlayer_lowered;
	s5 =	simm.s32 $_tile_overlayer_lowered  }
0x9b: {  	s22 =	simm.s32 $0x1BFF;
	s21 =	sshll.u32 s5, $0x1;
	s2 =	sadd.s32 s19, s18  }
0x9c: {  	s6 =	simm.s32 $0x0;
	s20 =	sshll.u32 s4, $0x1;
	s4 =	sadd.s32 s21, s2  }
0x9d: {  	[timem:s6], [sflag:s22] =	dma.local [hbm:s4], s20  }
0x9e: {  	_ =	swait.ge [sflag:s22], s20  }
0x9f: {  	s3 =	ssub.s32 $0x0, s20;
	[sflag:s22] =	ssyncset.done $0x0  }
0xa0: {  	[sflag:s22] =	ssyncadd.s32 s3;
	_ =	sdelay $0x1  }
0xa1: {  	s23 =	simm.s32 $0x1B8B  }
0xa2: {  	_ =	swait.ge [sflag:s23], $0x1  }
0xa3: {  	[sflag:s23] =	ssyncset.done $0x0  }
0xa4: {  	s25 =	simm.s32 $0x1B8E;
	s24 =	sld [smem:$0x3FFE];
	[sflag:s23] =	ssyncadd.s32 $0xFFFFFFFF  }
0xa5: {  	s26 =	simm.s32 $execute0_lowered;
	[smem:$0x3FD2] =	sst s25  }
0xa6: {  	s4 =	sshll.u32 s26, $0x1;
	_ =	strace $0x8000004C;
	[dreg:$0x1] =	wrdreg $0xFFFFFFFF  }
0xa7: {  	s28 =	simm.s32 $_size_execute0_lowered;
	s2 =	sadd.s32 s2, s4;
	[dreg:$0x0] =	wrdreg $0x0  }
0xa8: {  	s4 =	sshll.u32 s28, $0x1;
	[dreg:$0x2] =	wrdreg s2  }
0xa9: {  	[dreg:$0x3] =	wrdreg s4  }
0xaa: {  	[dreg:$0x4] =	wrdreg $0xC0  }
0xab: {  	_ =	task [dreg:s6], $0x5FFFF  }
0xac: {  	[dreg:$0x1] =	wrdreg $0xFFFFFFFF  }
0xad: {  	[dreg:$0x0] =	wrdreg $0x60  }
0xae: {  	[dreg:$0x2] =	wrdreg s24  }
0xaf: {  	[dreg:$0x3] =	wrdreg $0x0  }
0xb0: {  	[dreg:$0x4] =	wrdreg $0x9  }
0xb1: {  	_ =	task.clear_ibuf [dreg:s6], $0x5FFFF;
	_ =	strace $0x9000004C  }
0xb2: {  	s29 =	simm.s32 $0x9;
	_ =	strace $0x8000004E  }
0xb3: {  	_ =	swait.ge [sflag:s29], $0x1  }
0xb4: {  	[sflag:s29] =	ssyncadd.s32 $0xFFFFFFFF  }
0xb5: {  	_ =	strace $0x9000004E  }
0xb6: {  	_ =	sfence  }
0xb7: {  	s30 =	sld [smem:$0x0];
	_ =	sdelay $0x2  }
0xb8: {  	s31 =	sshll.u32 s1, $0xD;
	s1 =	sshrl.u32 s1, $0x2  }
0xb9: {  	s3 =	sand.u32 $0x4000, s31;
	s1 =	sadd.s32 s1, s30  }
0xba: {  	s0 =	sor.u32 s3, s0;
	s1 =	sshll.u32 s1, $0x11  }
0xbb: {  	s0 =	sor.u32 s1, s0  }
0xbc: {  	s0 =	sadd.s32 $0x8F2B, s0  }
0xbd: {  	[sflag:s0] =	ssyncadd.remote.s32 $0x1  }
0xbe: {  	_ =	sfence.sel $0xFFFF  }
0xbf: {  	[dreg:$0x0] =	wrdreg $0xFFFFFFFF;
	(pc) =	sbr.abs _section_cstart, $3  }
0xc0: {  	[dreg:$0x1] =	wrdreg $0xFFFFFFFF  }
0xc1: {  	_ =	task.clear_ibuf [dreg:s6], $0x2FFFF;
	_ =	strace $0x9FFFFFFF  }
0xc2: {  	(tm) =	ssettm $0x7FFFFFFF  }
0xc3: {  	_ =	shalt  }
tec
execute0_lowered:
.L_overlay_start_1:
0x0: {  	(tag) =	ssettag $0x1  }
0x1: {  	s0 =	rddreg [dreg:$0x0]  }
0x2: {  	s2 =	rddreg [dreg:$0x1]  }
0x3: {  	s1 =	srdreg.scid;
	s11 =	stileid.u32;
	s3 =	simm.s32 $0x0  }
0x4: {  	s19 =	simm.s32 $0x4;
	s12 =	simm.s32 $0x1;
	s23 =	simm.s32 $0x6480  }
0x5: {  	s13 =	simm.s32 $0x80;
	s24 =	simm.s32 $0x6500;
	s14 =	simm.s32 $0x6C00  }
0x6: {  	s25 =	simm.s32 $0x6580;
	s15 =	simm.s32 $0x7000;
	s26 =	simm.s32 $0x6600  }
0x7: {  	s16 =	simm.s32 $0x7400;
	s17 =	simm.s32 $0x7800;
	s18 =	simm.s32 $0x7C00  }
0x8: {  	s28 =	simm.s32 $0x6880;
	s29 =	simm.s32 $0x6900;
	s30 =	simm.s32 $0x6980  }
0x9: {  	s31 =	simm.s32 $0x6A00;
	s1 =	sand.u32 $0x1, s1;
	s4 =	sshll.u32 s11, $0x1  }
0xa: {  	[smem:$0x7FF] =	sst s3;
	s6 =	smul.u32 $0xC800, s11;
	s21 =	sshll.u32 s11, $0x6  }
0xb: {  	s11 =	simm.s32 $0x6800;
	_ =	strace $0x8000004D;
	[dreg:$0x5] =	wrdreg s23  }
0xc: {  	s5 =	sor.u32 s1, s4;
	s4 =	sadd.s32 $0x70800, s0;
	[dreg:$0x6] =	wrdreg s24  }
0xd: {  	s8 =	smul.u32 $0x19000, s1;
	s1 =	ssub.s32 $0x2, s1;
	[dreg:$0x7] =	wrdreg s25  }
0xe: {  	[dreg:$0x8] =	wrdreg s26;
	s23 =	simm.s32 $0x6780;
	s25 =	simm.s32 $0x8800  }
0xf: {  	s26 =	simm.s32 $0x2;
	s24 =	simm.s32 $0x0;
	s7 =	sshrl.u32 s6, $0x3  }
0x10: {  	s5 =	smul.u32 $0x3100, s5;
	s10 =	sshrl.u32 s1, $0x1;
	s9 =	sadd.s32 s7, s0  }
0x11: {  	s6 =	sadd.s32 s6, s2;
	s1 =	ssub.s32 s1, s10;
	s20 =	sadd.s32 $0x192000, s9  }
0x12: {  	s5 =	sadd.s32 s5, s0;
	s1 =	smax.u32 s1, $0x1;
	[dreg:$0x9] =	wrdreg s20  }
0x13: {  	s0 =	sadd.s32 s8, s0;
	s8 =	sor.u32 $0x1C04, s21;
	[dreg:$0xb] =	wrdreg s1  }
0x14: {  	s10 =	simm.s32 $0x6400;
	s9 =	sshrl.u32 s6, $0x3;
	[dreg:$0xa] =	wrdreg s8  }
0x15: {  	s21 =	simm.s32 $0x6700;
	s22 =	sadd.s32 $0xA2800, s5;
	[dreg:$0xc] =	wrdreg s9  }
0x16: {  	s5 =	sadd.s32 $0x2000, s5;
	s0 =	sadd.s32 $0x104800, s0;
	[dreg:$0x3] =	wrdreg s22  }
0x17: {  	s20 =	simm.s32 $0x8000;
	s1 =	simm.s32 $0x6B00;
	[dreg:$0x4] =	wrdreg s5  }
0x18: {  	s22 =	simm.s32 $0x8400;
	s0 =	sadd.s32 s7, s0;
	s5 =	simm.s32 $0x6B80  }
0x19: {  	s7 =	simm.s32 $0x3;
	[dreg:$0xd] =	wrdreg s0;
	s0 =	simm.s32 $0x6A80  }
.LBB2_1:
0x1a: {  	[dreg:$0xe] =	wrdreg s24  }
0x1b: {  	s6 =	rddreg [dreg:$0x9]  }
0x1c: {  	[spmem:s9], [sflag:s8] =	dma.local [hbm:s6], $0x1900  }
0x1d: {  	_ =	swait.ge [sflag:s19], $0x1900  }
0x1e: {  	[sflag:s19] =	ssyncset.done $0x0  }
0x1f: {  	[sflag:s19] =	ssyncadd.s32 $0xFFFFE700  }
0x20: {  	[bflag:$0x0] =	sbarrier.arrive $0xFFFF  }
0x21: {  	s19 =	rddreg [dreg:$0x3]  }
0x22: {  	s24 =	rddreg [dreg:$0x4];
	s6 =	sadd.s32 $0x0, s19  }
0x23: {  	[tilespmem:s10], [sflag:$0x1] =	stream.linear.gather [hbm4b:s6+s3], $0x400, $0x38;
	[tilespmem:$0x8C00] =	vst v63  }
0x24: {  	s9 =	sadd.s32 $0x0, s24  }
0x25: {  	[tilespmem:s11], [sflag:$0x1] =	stream.linear.gather [hbm4b:s9+s3], $0x400, $0x38;
	[tilespmem:$0x8C00] =	vst v63  }
0x26: {  	_ =	swait.ge [sflag:s12], $0x400  }
0x27: {  	[sflag:s12] =	ssyncset.done $0x0  }
0x28: {  	[sflag:s12] =	ssyncadd.s32 $0xFFFFFC00  }
0x29: {  	_ =	swait.ge [sflag:s12], $0x400  }
0x2a: {  	[sflag:s12] =	ssyncset.done $0x0  }
0x2b: {  	[sflag:s12] =	ssyncadd.s32 $0xFFFFFC00  }
0x2c: {  	[tilespmem:s14], [sflag:$0x2] =	stream.indirect.gather [hbm4b:s4+s13], $0x4, s10, s13, $0xb8;
	[tilespmem:$0x8C00] =	vst v63  }
0x2d: {  	s19 =	rddreg [dreg:$0x5]  }
0x2e: {  	[tilespmem:s15], [sflag:$0x2] =	stream.indirect.gather [hbm4b:s4+s13], $0x4, s19, s13, $0xb8;
	[tilespmem:$0x8C00] =	vst v63  }
0x2f: {  	s24 =	rddreg [dreg:$0x6]  }
0x30: {  	[tilespmem:s16], [sflag:$0x2] =	stream.indirect.gather [hbm4b:s4+s13], $0x4, s24, s13, $0xb8;
	[tilespmem:$0x8C00] =	vst v63  }
0x31: {  	s9 =	rddreg [dreg:$0x7]  }
0x32: {  	[tilespmem:s17], [sflag:$0x2] =	stream.indirect.gather [hbm4b:s4+s13], $0x4, s9, s13, $0xb8;
	[tilespmem:$0x8C00] =	vst v63  }
0x33: {  	s19 =	rddreg [dreg:$0x8]  }
0x34: {  	[tilespmem:s18], [sflag:$0x2] =	stream.indirect.gather [hbm4b:s4+s13], $0x4, s19, s13, $0xb8;
	[tilespmem:$0x8C00] =	vst v63  }
0x35: {  	s24 =	simm.s32 $0x6680  }
0x36: {  	[tilespmem:s20], [sflag:$0x2] =	stream.indirect.gather [hbm4b:s4+s13], $0x4, s24, s13, $0xb8;
	[tilespmem:$0x8C00] =	vst v63  }
0x37: {  	_ = 	snop  }
0x38: {  	[tilespmem:s22], [sflag:$0x2] =	stream.indirect.gather [hbm4b:s4+s13], $0x4, s21, s13, $0xb8;
	[tilespmem:$0x8C00] =	vst v63  }
0x39: {  	_ = 	snop  }
0x3a: {  	[tilespmem:s25], [sflag:$0x2] =	stream.indirect.gather [hbm4b:s4+s13], $0x4, s23, s13, $0xb8;
	[tilespmem:$0x8C00] =	vst v63  }
0x3b: {  	_ =	swait.ge [sflag:s26], $0x200  }
0x3c: {  	[sflag:s26] =	ssyncset.done $0x0  }
0x3d: {  	[sflag:s26] =	ssyncadd.s32 $0xFFFFFE00  }
0x3e: {  	_ =	swait.ge [sflag:s26], $0x200  }
0x3f: {  	[sflag:s26] =	ssyncset.done $0x0  }
0x40: {  	[sflag:s26] =	ssyncadd.s32 $0xFFFFFE00  }
0x41: {  	_ =	swait.ge [sflag:s26], $0x200  }
0x42: {  	[sflag:s26] =	ssyncset.done $0x0  }
0x43: {  	[sflag:s26] =	ssyncadd.s32 $0xFFFFFE00  }
0x44: {  	_ =	swait.ge [sflag:s26], $0x200  }
0x45: {  	[sflag:s26] =	ssyncset.done $0x0  }
0x46: {  	[sflag:s26] =	ssyncadd.s32 $0xFFFFFE00  }
0x47: {  	_ =	swait.ge [sflag:s26], $0x200  }
0x48: {  	[sflag:s26] =	ssyncset.done $0x0  }
0x49: {  	[sflag:s26] =	ssyncadd.s32 $0xFFFFFE00  }
0x4a: {  	_ =	swait.ge [sflag:s26], $0x200  }
0x4b: {  	[sflag:s26] =	ssyncset.done $0x0  }
0x4c: {  	[sflag:s26] =	ssyncadd.s32 $0xFFFFFE00  }
0x4d: {  	_ =	swait.ge [sflag:s26], $0x200  }
0x4e: {  	[sflag:s26] =	ssyncset.done $0x0  }
0x4f: {  	[sflag:s26] =	ssyncadd.s32 $0xFFFFFE00  }
0x50: {  	_ =	swait.ge [sflag:s26], $0x200  }
0x51: {  	[sflag:s26] =	ssyncset.done $0x0  }
0x52: {  	[sflag:s26] =	ssyncadd.s32 $0xFFFFFE00  }
0x53: {  	[spmem:s2] =	stream.indirect.scatter.add.f32 [tilespmem:s14], [sflag:$0x3], $0x4, s11, s13, $0xb8;
	[tilespmem:$0x8C00] =	vst v63  }
0x54: {  	_ = 	snop  }
0x55: {  	[spmem:s2] =	stream.indirect.scatter.add.f32 [tilespmem:s15], [sflag:$0x3], $0x4, s28, s13, $0xb8;
	[tilespmem:$0x8C00] =	vst v63  }
0x56: {  	_ = 	snop  }
0x57: {  	[spmem:s2] =	stream.indirect.scatter.add.f32 [tilespmem:s16], [sflag:$0x3], $0x4, s29, s13, $0xb8;
	[tilespmem:$0x8C00] =	vst v63  }
0x58: {  	_ = 	snop  }
0x59: {  	[spmem:s2] =	stream.indirect.scatter.add.f32 [tilespmem:s17], [sflag:$0x3], $0x4, s30, s13, $0xb8;
	[tilespmem:$0x8C00] =	vst v63  }
0x5a: {  	_ = 	snop  }
0x5b: {  	[spmem:s2] =	stream.indirect.scatter.add.f32 [tilespmem:s18], [sflag:$0x3], $0x4, s31, s13, $0xb8;
	[tilespmem:$0x8C00] =	vst v63  }
0x5c: {  	_ = 	snop  }
0x5d: {  	[spmem:s2] =	stream.indirect.scatter.add.f32 [tilespmem:s20], [sflag:$0x3], $0x4, s0, s13, $0xb8;
	[tilespmem:$0x8C00] =	vst v63  }
0x5e: {  	_ = 	snop  }
0x5f: {  	[spmem:s2] =	stream.indirect.scatter.add.f32 [tilespmem:s22], [sflag:$0x3], $0x4, s1, s13, $0xb8;
	[tilespmem:$0x8C00] =	vst v63  }
0x60: {  	_ = 	snop  }
0x61: {  	[spmem:s2] =	stream.indirect.scatter.add.f32 [tilespmem:s25], [sflag:$0x3], $0x4, s5, s13, $0xb8;
	[tilespmem:$0x8C00] =	vst v63  }
0x62: {  	_ =	swait.ge [sflag:s7], $0x200  }
0x63: {  	[sflag:s7] =	ssyncset.done $0x0  }
0x64: {  	[sflag:s7] =	ssyncadd.s32 $0xFFFFFE00  }
0x65: {  	_ =	swait.ge [sflag:s7], $0x200  }
0x66: {  	[sflag:s7] =	ssyncset.done $0x0  }
0x67: {  	[sflag:s7] =	ssyncadd.s32 $0xFFFFFE00  }
0x68: {  	_ =	swait.ge [sflag:s7], $0x200  }
0x69: {  	[sflag:s7] =	ssyncset.done $0x0  }
0x6a: {  	[sflag:s7] =	ssyncadd.s32 $0xFFFFFE00  }
0x6b: {  	_ =	swait.ge [sflag:s7], $0x200  }
0x6c: {  	[sflag:s7] =	ssyncset.done $0x0  }
0x6d: {  	[sflag:s7] =	ssyncadd.s32 $0xFFFFFE00  }
0x6e: {  	_ =	swait.ge [sflag:s7], $0x200  }
0x6f: {  	[sflag:s7] =	ssyncset.done $0x0  }
0x70: {  	[sflag:s7] =	ssyncadd.s32 $0xFFFFFE00  }
0x71: {  	_ =	swait.ge [sflag:s7], $0x200  }
0x72: {  	[sflag:s7] =	ssyncset.done $0x0  }
0x73: {  	[sflag:s7] =	ssyncadd.s32 $0xFFFFFE00  }
0x74: {  	_ =	swait.ge [sflag:s7], $0x200  }
0x75: {  	[sflag:s7] =	ssyncset.done $0x0  }
0x76: {  	[sflag:s7] =	ssyncadd.s32 $0xFFFFFE00  }
0x77: {  	s8 =	simm.s32 $0x100;
	_ =	swait.ge [sflag:s7], $0x200  }
0x78: {  	s6 =	simm.s32 $0x80;
	s9 =	rddreg [dreg:$0x3];
	[sflag:s7] =	ssyncset.done $0x0  }
.LBB2_2:
0x79: {  	[sflag:s7] =	ssyncadd.s32 $0xFFFFFE00;
	s19 =	rddreg [dreg:$0x4];
	s9 =	sadd.s32 s6, s9  }
0x7a: {  	[tilespmem:s10], [sflag:$0x1] =	stream.linear.gather [hbm4b:s9+s3], $0x400, $0x38;
	[tilespmem:$0x8C00] =	vst v63  }
0x7b: {  	s19 =	sadd.s32 s6, s19  }
0x7c: {  	[tilespmem:s11], [sflag:$0x1] =	stream.linear.gather [hbm4b:s19+s3], $0x400, $0x38;
	[tilespmem:$0x8C00] =	vst v63  }
0x7d: {  	_ =	swait.ge [sflag:s12], $0x400  }
0x7e: {  	[sflag:s12] =	ssyncset.done $0x0  }
0x7f: {  	[sflag:s12] =	ssyncadd.s32 $0xFFFFFC00  }
0x80: {  	_ =	swait.ge [sflag:s12], $0x400  }
0x81: {  	[sflag:s12] =	ssyncset.done $0x0  }
0x82: {  	[sflag:s12] =	ssyncadd.s32 $0xFFFFFC00  }
0x83: {  	[tilespmem:s14], [sflag:$0x2] =	stream.indirect.gather [hbm4b:s4+s13], $0x4, s10, s13, $0xb8;
	[tilespmem:$0x8C00] =	vst v63  }
0x84: {  	s24 =	smov.u32 s8;
	s19 =	rddreg [dreg:$0x5]  }
0x85: {  	[tilespmem:s15], [sflag:$0x2] =	stream.indirect.gather [hbm4b:s4+s13], $0x4, s19, s13, $0xb8;
	[tilespmem:$0x8C00] =	vst v63  }
0x86: {  	s6 =	smov.u32 s24;
	s24 =	rddreg [dreg:$0x6]  }
0x87: {  	[tilespmem:s16], [sflag:$0x2] =	stream.indirect.gather [hbm4b:s4+s13], $0x4, s24, s13, $0xb8;
	[tilespmem:$0x8C00] =	vst v63  }
0x88: {  	s9 =	rddreg [dreg:$0x7]  }
0x89: {  	[tilespmem:s17], [sflag:$0x2] =	stream.indirect.gather [hbm4b:s4+s13], $0x4, s9, s13, $0xb8;
	[tilespmem:$0x8C00] =	vst v63  }
0x8a: {  	s24 =	rddreg [dreg:$0x8]  }
0x8b: {  	[tilespmem:s18], [sflag:$0x2] =	stream.indirect.gather [hbm4b:s4+s13], $0x4, s24, s13, $0xb8;
	[tilespmem:$0x8C00] =	vst v63  }
0x8c: {  	s24 =	simm.s32 $0x6680  }
0x8d: {  	[tilespmem:s20], [sflag:$0x2] =	stream.indirect.gather [hbm4b:s4+s13], $0x4, s24, s13, $0xb8;
	[tilespmem:$0x8C00] =	vst v63  }
0x8e: {  	_ = 	snop  }
0x8f: {  	[tilespmem:s22], [sflag:$0x2] =	stream.indirect.gather [hbm4b:s4+s13], $0x4, s21, s13, $0xb8;
	[tilespmem:$0x8C00] =	vst v63  }
0x90: {  	_ = 	snop  }
0x91: {  	[tilespmem:s25], [sflag:$0x2] =	stream.indirect.gather [hbm4b:s4+s13], $0x4, s23, s13, $0xb8;
	[tilespmem:$0x8C00] =	vst v63  }
0x92: {  	_ =	swait.ge [sflag:s26], $0x200  }
0x93: {  	[sflag:s26] =	ssyncset.done $0x0  }
0x94: {  	[sflag:s26] =	ssyncadd.s32 $0xFFFFFE00  }
0x95: {  	_ =	swait.ge [sflag:s26], $0x200  }
0x96: {  	[sflag:s26] =	ssyncset.done $0x0  }
0x97: {  	[sflag:s26] =	ssyncadd.s32 $0xFFFFFE00  }
0x98: {  	_ =	swait.ge [sflag:s26], $0x200  }
0x99: {  	[sflag:s26] =	ssyncset.done $0x0  }
0x9a: {  	[sflag:s26] =	ssyncadd.s32 $0xFFFFFE00  }
0x9b: {  	_ =	swait.ge [sflag:s26], $0x200  }
0x9c: {  	[sflag:s26] =	ssyncset.done $0x0  }
0x9d: {  	[sflag:s26] =	ssyncadd.s32 $0xFFFFFE00  }
0x9e: {  	_ =	swait.ge [sflag:s26], $0x200  }
0x9f: {  	[sflag:s26] =	ssyncset.done $0x0  }
0xa0: {  	[sflag:s26] =	ssyncadd.s32 $0xFFFFFE00  }
0xa1: {  	_ =	swait.ge [sflag:s26], $0x200  }
0xa2: {  	[sflag:s26] =	ssyncset.done $0x0  }
0xa3: {  	[sflag:s26] =	ssyncadd.s32 $0xFFFFFE00  }
0xa4: {  	_ =	swait.ge [sflag:s26], $0x200  }
0xa5: {  	[sflag:s26] =	ssyncset.done $0x0  }
0xa6: {  	[sflag:s26] =	ssyncadd.s32 $0xFFFFFE00  }
0xa7: {  	_ =	swait.ge [sflag:s26], $0x200  }
0xa8: {  	[sflag:s26] =	ssyncset.done $0x0  }
0xa9: {  	[sflag:s26] =	ssyncadd.s32 $0xFFFFFE00  }
0xaa: {  	[spmem:s2] =	stream.indirect.scatter.add.f32 [tilespmem:s14], [sflag:$0x3], $0x4, s11, s13, $0xb8;
	[tilespmem:$0x8C00] =	vst v63  }
0xab: {  	_ = 	snop  }
0xac: {  	[spmem:s2] =	stream.indirect.scatter.add.f32 [tilespmem:s15], [sflag:$0x3], $0x4, s28, s13, $0xb8;
	[tilespmem:$0x8C00] =	vst v63  }
0xad: {  	_ = 	snop  }
0xae: {  	[spmem:s2] =	stream.indirect.scatter.add.f32 [tilespmem:s16], [sflag:$0x3], $0x4, s29, s13, $0xb8;
	[tilespmem:$0x8C00] =	vst v63  }
0xaf: {  	_ = 	snop  }
0xb0: {  	[spmem:s2] =	stream.indirect.scatter.add.f32 [tilespmem:s17], [sflag:$0x3], $0x4, s30, s13, $0xb8;
	[tilespmem:$0x8C00] =	vst v63  }
0xb1: {  	_ = 	snop  }
0xb2: {  	[spmem:s2] =	stream.indirect.scatter.add.f32 [tilespmem:s18], [sflag:$0x3], $0x4, s31, s13, $0xb8;
	[tilespmem:$0x8C00] =	vst v63  }
0xb3: {  	_ = 	snop  }
0xb4: {  	[spmem:s2] =	stream.indirect.scatter.add.f32 [tilespmem:s20], [sflag:$0x3], $0x4, s0, s13, $0xb8;
	[tilespmem:$0x8C00] =	vst v63  }
0xb5: {  	_ = 	snop  }
0xb6: {  	[spmem:s2] =	stream.indirect.scatter.add.f32 [tilespmem:s22], [sflag:$0x3], $0x4, s1, s13, $0xb8;
	[tilespmem:$0x8C00] =	vst v63  }
0xb7: {  	_ = 	snop  }
0xb8: {  	[spmem:s2] =	stream.indirect.scatter.add.f32 [tilespmem:s25], [sflag:$0x3], $0x4, s5, s13, $0xb8;
	[tilespmem:$0x8C00] =	vst v63  }
0xb9: {  	_ =	swait.ge [sflag:s7], $0x200  }
0xba: {  	[sflag:s7] =	ssyncset.done $0x0  }
0xbb: {  	[sflag:s7] =	ssyncadd.s32 $0xFFFFFE00  }
0xbc: {  	_ =	swait.ge [sflag:s7], $0x200  }
0xbd: {  	[sflag:s7] =	ssyncset.done $0x0  }
0xbe: {  	[sflag:s7] =	ssyncadd.s32 $0xFFFFFE00  }
0xbf: {  	_ =	swait.ge [sflag:s7], $0x200  }
0xc0: {  	[sflag:s7] =	ssyncset.done $0x0  }
0xc1: {  	[sflag:s7] =	ssyncadd.s32 $0xFFFFFE00  }
0xc2: {  	_ =	swait.ge [sflag:s7], $0x200  }
0xc3: {  	[sflag:s7] =	ssyncset.done $0x0  }
0xc4: {  	[sflag:s7] =	ssyncadd.s32 $0xFFFFFE00  }
0xc5: {  	_ =	swait.ge [sflag:s7], $0x200  }
0xc6: {  	[sflag:s7] =	ssyncset.done $0x0  }
0xc7: {  	[sflag:s7] =	ssyncadd.s32 $0xFFFFFE00  }
0xc8: {  	_ =	swait.ge [sflag:s7], $0x200  }
0xc9: {  	[sflag:s7] =	ssyncset.done $0x0  }
0xca: {  	p0 =	sne.s32 s8, $0x3080;
	[sflag:s7] =	ssyncadd.s32 $0xFFFFFE00  }
.Ltmp0:
0xcb: {  	_ =	swait.ge [sflag:s7], $0x200;
	(pc) =	sbr.rel @p0 .LBB2_2-.Ltmp0, $4  }
0xcc: {  	[sflag:s7] =	ssyncset.done $0x0  }
0xcd: {  	[sflag:s7] =	ssyncadd.s32 $0xFFFFFE00  }
0xce: {  	_ =	swait.ge [sflag:s7], $0x200  }
0xcf: {  	s8 =	sadd.s32 $0x80, s8;
	s9 =	rddreg [dreg:$0x3];
	[sflag:s7] =	ssyncset.done $0x0  }
0xd0: {  	s8 =	rddreg [dreg:$0x4];
	[sflag:s7] =	ssyncadd.s32 $0xFFFFFE00;
	s9 =	sadd.s32 s6, s9  }
0xd1: {  	[tilespmem:s10], [sflag:$0x1] =	stream.linear.gather [hbm4b:s9+s3], $0x400, $0x38;
	[tilespmem:$0x8C00] =	vst v63  }
0xd2: {  	s8 =	sadd.s32 s6, s8  }
0xd3: {  	[tilespmem:s11], [sflag:$0x1] =	stream.linear.gather [hbm4b:s8+s3], $0x400, $0x38;
	[tilespmem:$0x8C00] =	vst v63  }
0xd4: {  	_ =	swait.ge [sflag:s12], $0x400  }
0xd5: {  	[sflag:s12] =	ssyncset.done $0x0  }
0xd6: {  	[sflag:s12] =	ssyncadd.s32 $0xFFFFFC00  }
0xd7: {  	_ =	swait.ge [sflag:s12], $0x400  }
0xd8: {  	[sflag:s12] =	ssyncset.done $0x0  }
0xd9: {  	[sflag:s12] =	ssyncadd.s32 $0xFFFFFC00  }
0xda: {  	[tilespmem:s14], [sflag:$0x2] =	stream.indirect.gather [hbm4b:s4+s13], $0x4, s10, s13, $0xb8;
	[tilespmem:$0x8C00] =	vst v63  }
0xdb: {  	s9 =	rddreg [dreg:$0x5]  }
0xdc: {  	[tilespmem:s15], [sflag:$0x2] =	stream.indirect.gather [hbm4b:s4+s13], $0x4, s9, s13, $0xb8;
	[tilespmem:$0x8C00] =	vst v63  }
0xdd: {  	s19 =	rddreg [dreg:$0x6]  }
0xde: {  	[tilespmem:s16], [sflag:$0x2] =	stream.indirect.gather [hbm4b:s4+s13], $0x4, s19, s13, $0xb8;
	[tilespmem:$0x8C00] =	vst v63  }
0xdf: {  	s24 =	rddreg [dreg:$0x7]  }
0xe0: {  	[tilespmem:s17], [sflag:$0x2] =	stream.indirect.gather [hbm4b:s4+s13], $0x4, s24, s13, $0xb8;
	[tilespmem:$0x8C00] =	vst v63  }
0xe1: {  	s9 =	rddreg [dreg:$0x8]  }
0xe2: {  	[tilespmem:s18], [sflag:$0x2] =	stream.indirect.gather [hbm4b:s4+s13], $0x4, s9, s13, $0xb8;
	[tilespmem:$0x8C00] =	vst v63  }
0xe3: {  	s19 =	simm.s32 $0x6680  }
0xe4: {  	[tilespmem:s20], [sflag:$0x2] =	stream.indirect.gather [hbm4b:s4+s13], $0x4, s19, s13, $0xb8;
	[tilespmem:$0x8C00] =	vst v63  }
0xe5: {  	_ = 	snop  }
0xe6: {  	[tilespmem:s22], [sflag:$0x2] =	stream.indirect.gather [hbm4b:s4+s13], $0x4, s21, s13, $0xb8;
	[tilespmem:$0x8C00] =	vst v63  }
0xe7: {  	_ = 	snop  }
0xe8: {  	[tilespmem:s25], [sflag:$0x2] =	stream.indirect.gather [hbm4b:s4+s13], $0x4, s23, s13, $0xb8;
	[tilespmem:$0x8C00] =	vst v63  }
0xe9: {  	_ =	swait.ge [sflag:s26], $0x200  }
0xea: {  	[sflag:s26] =	ssyncset.done $0x0  }
0xeb: {  	[sflag:s26] =	ssyncadd.s32 $0xFFFFFE00  }
0xec: {  	_ =	swait.ge [sflag:s26], $0x200  }
0xed: {  	[sflag:s26] =	ssyncset.done $0x0  }
0xee: {  	[sflag:s26] =	ssyncadd.s32 $0xFFFFFE00  }
0xef: {  	_ =	swait.ge [sflag:s26], $0x200  }
0xf0: {  	[sflag:s26] =	ssyncset.done $0x0  }
0xf1: {  	[sflag:s26] =	ssyncadd.s32 $0xFFFFFE00  }
0xf2: {  	_ =	swait.ge [sflag:s26], $0x200  }
0xf3: {  	[sflag:s26] =	ssyncset.done $0x0  }
0xf4: {  	[sflag:s26] =	ssyncadd.s32 $0xFFFFFE00  }
0xf5: {  	_ =	swait.ge [sflag:s26], $0x200  }
0xf6: {  	[sflag:s26] =	ssyncset.done $0x0  }
0xf7: {  	[sflag:s26] =	ssyncadd.s32 $0xFFFFFE00  }
0xf8: {  	_ =	swait.ge [sflag:s26], $0x200  }
0xf9: {  	[sflag:s26] =	ssyncset.done $0x0  }
0xfa: {  	[sflag:s26] =	ssyncadd.s32 $0xFFFFFE00  }
0xfb: {  	_ =	swait.ge [sflag:s26], $0x200  }
0xfc: {  	[sflag:s26] =	ssyncset.done $0x0  }
0xfd: {  	[sflag:s26] =	ssyncadd.s32 $0xFFFFFE00  }
0xfe: {  	_ =	swait.ge [sflag:s26], $0x200  }
0xff: {  	[sflag:s26] =	ssyncset.done $0x0  }
0x100: {  	[sflag:s26] =	ssyncadd.s32 $0xFFFFFE00  }
0x101: {  	[spmem:s2] =	stream.indirect.scatter.add.f32 [tilespmem:s14], [sflag:$0x3], $0x4, s11, s13, $0xb8;
	[tilespmem:$0x8C00] =	vst v63  }
0x102: {  	_ = 	snop  }
0x103: {  	[spmem:s2] =	stream.indirect.scatter.add.f32 [tilespmem:s15], [sflag:$0x3], $0x4, s28, s13, $0xb8;
	[tilespmem:$0x8C00] =	vst v63  }
0x104: {  	_ = 	snop  }
0x105: {  	[spmem:s2] =	stream.indirect.scatter.add.f32 [tilespmem:s16], [sflag:$0x3], $0x4, s29, s13, $0xb8;
	[tilespmem:$0x8C00] =	vst v63  }
0x106: {  	_ = 	snop  }
0x107: {  	[spmem:s2] =	stream.indirect.scatter.add.f32 [tilespmem:s17], [sflag:$0x3], $0x4, s30, s13, $0xb8;
	[tilespmem:$0x8C00] =	vst v63  }
0x108: {  	_ = 	snop  }
0x109: {  	[spmem:s2] =	stream.indirect.scatter.add.f32 [tilespmem:s18], [sflag:$0x3], $0x4, s31, s13, $0xb8;
	[tilespmem:$0x8C00] =	vst v63  }
0x10a: {  	_ = 	snop  }
0x10b: {  	[spmem:s2] =	stream.indirect.scatter.add.f32 [tilespmem:s20], [sflag:$0x3], $0x4, s0, s13, $0xb8;
	[tilespmem:$0x8C00] =	vst v63  }
0x10c: {  	_ = 	snop  }
0x10d: {  	[spmem:s2] =	stream.indirect.scatter.add.f32 [tilespmem:s22], [sflag:$0x3], $0x4, s1, s13, $0xb8;
	[tilespmem:$0x8C00] =	vst v63  }
0x10e: {  	_ = 	snop  }
0x10f: {  	[spmem:s2] =	stream.indirect.scatter.add.f32 [tilespmem:s25], [sflag:$0x3], $0x4, s5, s13, $0xb8;
	[tilespmem:$0x8C00] =	vst v63  }
0x110: {  	_ =	swait.ge [sflag:s7], $0x200  }
0x111: {  	[sflag:s7] =	ssyncset.done $0x0  }
0x112: {  	[sflag:s7] =	ssyncadd.s32 $0xFFFFFE00  }
0x113: {  	_ =	swait.ge [sflag:s7], $0x200  }
0x114: {  	[sflag:s7] =	ssyncset.done $0x0  }
0x115: {  	[sflag:s7] =	ssyncadd.s32 $0xFFFFFE00  }
0x116: {  	_ =	swait.ge [sflag:s7], $0x200  }
0x117: {  	[sflag:s7] =	ssyncset.done $0x0  }
0x118: {  	[sflag:s7] =	ssyncadd.s32 $0xFFFFFE00  }
0x119: {  	_ =	swait.ge [sflag:s7], $0x200  }
0x11a: {  	[sflag:s7] =	ssyncset.done $0x0  }
0x11b: {  	[sflag:s7] =	ssyncadd.s32 $0xFFFFFE00  }
0x11c: {  	_ =	swait.ge [sflag:s7], $0x200  }
0x11d: {  	[sflag:s7] =	ssyncset.done $0x0  }
0x11e: {  	[sflag:s7] =	ssyncadd.s32 $0xFFFFFE00  }
0x11f: {  	_ =	swait.ge [sflag:s7], $0x200  }
0x120: {  	[sflag:s7] =	ssyncset.done $0x0  }
0x121: {  	[sflag:s7] =	ssyncadd.s32 $0xFFFFFE00  }
0x122: {  	_ =	swait.ge [sflag:s7], $0x200  }
0x123: {  	[sflag:s7] =	ssyncset.done $0x0  }
0x124: {  	[sflag:s7] =	ssyncadd.s32 $0xFFFFFE00  }
0x125: {  	_ =	swait.ge [sflag:s7], $0x200  }
0x126: {  	[sflag:s7] =	ssyncset.done $0x0  }
0x127: {  	[sflag:s7] =	ssyncadd.s32 $0xFFFFFE00  }
0x128: {  	[bflag:$0x0] =	sbarrier.arrive $0xFFFF  }
0x129: {  	s8 =	rddreg [dreg:$0xa]  }
0x12a: {  	s9 =	rddreg [dreg:$0xc]  }
0x12b: {  	s19 =	simm.s32 $0x4;
	s24 =	rddreg [dreg:$0xd]  }
0x12c: {  	[hbm:s24], [sflag:s8] =	dma.local [spmem:s9], $0x1900  }
0x12d: {  	_ =	swait.ge [sflag:s19], $0x1900  }
0x12e: {  	s24 =	rddreg [dreg:$0xe]  }
0x12f: {  	s6 =	rddreg [dreg:$0xb];
	s24 =	sadd.s32 $0x1, s24  }
0x130: {  	p0 =	sne.s32 s24, s6  }
.Ltmp1:
0x131: {  	_ = 	snop;
	(pc) =	sbr.rel @p0 .LBB2_1-.Ltmp1, $3  }
0x132: {  	_ =	sdelay $0x1  }
0x133: {  	[sflag:s19] =	ssyncset.done $0x0  }
0x134: {  	[sflag:s19] =	ssyncadd.s32 $0xFFFFE700  }
0x135: {  	_ =	sfence.sel $0x180000  }
0x136: {  	[bflag:$0x0] =	sbarrier.arrive $0xFFFF  }
0x137: {  	_ =	strace $0x9000004D  }
0x138: {  	s0 =	stileid.u32;
	[bflag:$0x2] =	sbarrier.arrive $0xFFFF  }
0x139: {  	p0 =	sne.s32 s0, $0x0;
	s0 =	rddreg [dreg:$0x2]  }
0x13a: {  	s0 =	sadd.s32 @!p0 $0x100000, s0  }
0x13b: {  	[sflag:s0] =	ssyncadd.tile.s32 @!p0 $0x1;
	_ =	shalt  }
.Lfunc_end2:
_tile_overlayer_lowered:
.L_overlay_start_2:
0x13c: {  	(tag) =	ssettag $0x2  }
0x13d: {  	s0 =	rddreg [dreg:$0x0];
	s2 =	stileid.u32  }
0x13e: {  	s1 =	rddreg [dreg:$0x1];
	p0 =	sne.s32 s2, $0x0  }
0x13f: {  	s3 =	rddreg [dreg:$0x2];
	[bflag:$0x3] =	sbarrier.arrive $0xFFFF;
	s2 =	simm.s32 @!p0 $0x1C04  }
0x140: {  	[timem:s3], [sflag:s2] =	dma.local @!p0 [hbm:s0], s1  }
0x141: {  	s0 =	simm.s32 @!p0 $0x4  }
0x142: {  	_ =	swait.ge @!p0 [sflag:s0], s1  }
0x143: {  	s1 =	ssub.s32 @!p0 $0x0, s1;
	[sflag:s0] =	ssyncset.done @!p0 $0x0  }
0x144: {  	[sflag:s0] =	ssyncadd.s32 @!p0 s1  }
0x145: {  	[bflag:$0x3] =	sbarrier.arrive $0xFFFF  }
0x146: {  	_ =	shalt  }

// kernel: kernel.8.cloned.1.call-start
scs
__scs_entry_jumppad:
0x0: {  	(pc) =	sbr.rel $0x88, $3  }
0x1: {  	(tag) =	ssettag $0x0;
	lr =	simm.s32 $0x1  }
0x2: {  	[smem:$0x3F9B] =	sst lr;
	_ =	strace $0xD0000000  }
0x3: {  	_ = 	snop  }
0x4: {  	_ = 	snop  }
0x5: {  	_ = 	snop  }
0x6: {  	_ = 	snop  }
0x7: {  	_ = 	snop  }
__scs_overlays_trampoline_lowered:
0x8: {  	[smem:$0x3FAA] =	sst s0  }
0x9: {  	[smem:$0x3FAB] =	sst s1  }
0xa: {  	[smem:$0x3FAC] =	sst s2  }
0xb: {  	[smem:$0x3FAD] =	sst s3  }
0xc: {  	[smem:$0x3FAE] =	sst s4  }
0xd: {  	[smem:$0x3FAF] =	sst s5  }
0xe: {  	[smem:$0x3FB0] =	sst s6  }
0xf: {  	[smem:$0x3FB1] =	sst s7  }
0x10: {  	[smem:$0x3FB2] =	sst s8  }
0x11: {  	[smem:$0x3FB3] =	sst s9;
	s0 =	simm.s32 @!p0 $0x0  }
0x12: {  	s1 =	sld [smem:$0x3F99];
	s0 =	simm.s32 @p0 $0x1  }
0x13: {  	[smem:$0x3FB4] =	sst s0;
	s0 =	simm.s32 @!p1 $0x0  }
0x14: {  	s2 =	sld [smem:$0x3F98];
	s0 =	simm.s32 @p1 $0x1  }
0x15: {  	[smem:$0x3FB5] =	sst s0;
	s0 =	simm.s32 @!p2 $0x0  }
0x16: {  	s3 =	sld [smem:$0x3FDB];
	s0 =	simm.s32 @p2 $0x1  }
0x17: {  	s4 =	simm.s32 $0x1BF5;
	[smem:$0x3FB7] =	sst s0  }
0x18: {  	s0 =	sld [smem:$0x3F9A];
	_ =	swait.ge [sflag:s4], $0x0  }
0x19: {  	s7 =	sld [smem:$0x3F9B]  }
0x1a: {  	s8 =	sadd.s32 $0xFFFFE003, lr  }
0x1b: {  	s9 =	sadd.s32 $0xFFFFFEF7, lr;
	s5 =	simm.s32 $0xFFFFFFFF;
	p2 =	slt.u32 s8, $0xFFFFF086  }
0x1c: {  	p1 =	slt.u32 s9, $0xF7A;
	s5 =	simm.s32 @!p2 $0x0  }
0x1d: {  	s5 =	simm.s32 @p1 $0x1;
	p0 =	seq.s32 s7, s2  }
0x1e: {  	s7 =	smul.u32 @!p0 $0xF7A, s2;
	p2 =	seq.s32 @!p0 s5, $0x0  }
0x1f: {  	s9 =	smul.u32 $0xF7A, s1;
	s8 =	simm.s32 @!p0 $0x1BF5;
	p2 =	por !p2, p0  }
0x20: {  	[sflag:s8] =	ssyncset.s32 @!p0 $0xFFFFF086;
	s6 =	sadd.s32 @!p0 s3, s7;
	s7 =	simm.s32 @!p0 $0x108  }
0x21: {  	s3 =	sadd.s32 s3, s9;
	s6 =	sadd.s32 @!p0 $0x88, s6;
	s7 =	simm.s32 @p2 $0x1082  }
0x22: {  	[simem:s7], [sflag:s8] =	dma.local @!p0 [hbm:s6], $0xF7A  }
0x23: {  	s9 =	sor.u32 $0xD0000000, s2;
	s6 =	simm.s32 $0x108;
	_ =	swait.ge @!p0 [sflag:s8], $0x0  }
0x24: {  	s3 =	sadd.s32 $0x88, s3;
	s6 =	simm.s32 @!p1 $0x1082;
	[sflag:s4] =	ssyncset.s32 $0xFFFFF086  }
0x25: {  	[simem:s6], [sflag:s4] =	dma.local [hbm:s3], $0xF7A  }
0x26: {  	[smem:$0x3F9B] =	sst s1;
	(tag) =	ssettag s2;
	_ =	strace s9  }
0x27: {  	s1 =	sld [smem:$0x3FAB]  }
0x28: {  	s2 =	sld [smem:$0x3FAC]  }
0x29: {  	s4 =	sld [smem:$0x3FAE]  }
0x2a: {  	p0 =	seq.s32 s5, $0x0;
	s5 =	sld [smem:$0x3FAF]  }
0x2b: {  	s6 =	sld [smem:$0x3FB0]  }
0x2c: {  	s7 =	sld [smem:$0x3FB1]  }
0x2d: {  	s3 =	simm.s32 $0x108;
	s8 =	sld [smem:$0x3FB2]  }
0x2e: {  	s3 =	simm.s32 @!p0 $0x1082;
	s9 =	sld [smem:$0x3FB3]  }
0x2f: {  	lr =	sadd.s32 s0, s3;
	s0 =	sld [smem:$0x3FAA]  }
0x30: {  	s3 =	sld [smem:$0x3FAD]  }
0x31: {  	[smem:$0x3FB6] =	sst s10  }
0x32: {  	s10 =	sld [smem:$0x3FB4];
	_ =	sdelay $0x3  }
0x33: {  	p0 =	seq.s32 s10, $0x1;
	s10 =	sld [smem:$0x3FB6];
	_ =	sdelay $0x3  }
0x34: {  	[smem:$0x3FB6] =	sst s10  }
0x35: {  	s10 =	sld [smem:$0x3FB5];
	_ =	sdelay $0x3  }
0x36: {  	p1 =	seq.s32 s10, $0x1;
	s10 =	sld [smem:$0x3FB6];
	_ =	sdelay $0x3  }
0x37: {  	[smem:$0x3FB6] =	sst s10  }
0x38: {  	s10 =	sld [smem:$0x3FB7]  }
0x39: {  	_ = 	snop;
	(pc) =	sbr.ind lr, $3  }
0x3a: {  	_ = 	snop  }
0x3b: {  	_ = 	snop  }
0x3c: {  	p2 =	seq.s32 s10, $0x1;
	s10 =	sld [smem:$0x3FB6]  }
0x3d: {  	_ =	shalt  }
0x3e: {  	_ =	shalt  }
0x3f: {  	_ =	shalt  }
0x40: {  	_ =	shalt  }
0x41: {  	_ =	shalt  }
0x42: {  	_ =	shalt  }
0x43: {  	_ =	shalt  }
0x44: {  	_ =	shalt  }
0x45: {  	_ =	shalt  }
0x46: {  	_ =	shalt  }
0x47: {  	_ =	shalt  }
0x48: {  	_ =	shalt  }
0x49: {  	_ =	shalt  }
0x4a: {  	_ =	shalt  }
0x4b: {  	_ =	shalt  }
0x4c: {  	_ =	shalt  }
0x4d: {  	_ =	shalt  }
0x4e: {  	_ =	shalt  }
0x4f: {  	_ =	shalt  }
0x50: {  	_ =	shalt  }
0x51: {  	_ =	shalt  }
0x52: {  	_ =	shalt  }
0x53: {  	_ =	shalt  }
0x54: {  	_ =	shalt  }
0x55: {  	_ =	shalt  }
0x56: {  	_ =	shalt  }
0x57: {  	_ =	shalt  }
0x58: {  	_ =	shalt  }
0x59: {  	_ =	shalt  }
0x5a: {  	_ =	shalt  }
0x5b: {  	_ =	shalt  }
0x5c: {  	_ =	shalt  }
0x5d: {  	_ =	shalt  }
0x5e: {  	_ =	shalt  }
0x5f: {  	_ =	shalt  }
0x60: {  	_ =	shalt  }
0x61: {  	_ =	shalt  }
0x62: {  	_ =	shalt  }
0x63: {  	_ =	shalt  }
0x64: {  	_ =	shalt  }
0x65: {  	_ =	shalt  }
0x66: {  	_ =	shalt  }
0x67: {  	_ =	shalt  }
0x68: {  	_ =	shalt  }
0x69: {  	_ =	shalt  }
0x6a: {  	_ =	shalt  }
0x6b: {  	_ =	shalt  }
0x6c: {  	_ =	shalt  }
0x6d: {  	_ =	shalt  }
0x6e: {  	_ =	shalt  }
0x6f: {  	_ =	shalt  }
0x70: {  	_ =	shalt  }
0x71: {  	_ =	shalt  }
0x72: {  	_ =	shalt  }
0x73: {  	_ =	shalt  }
0x74: {  	_ =	shalt  }
0x75: {  	_ =	shalt  }
0x76: {  	_ =	shalt  }
0x77: {  	_ =	shalt  }
0x78: {  	_ =	shalt  }
0x79: {  	_ =	shalt  }
0x7a: {  	_ =	shalt  }
0x7b: {  	_ =	shalt  }
0x7c: {  	_ =	shalt  }
0x7d: {  	_ =	shalt  }
0x7e: {  	_ =	shalt  }
0x7f: {  	_ =	shalt  }
0x80: {  	_ =	shalt  }
0x81: {  	_ =	shalt  }
0x82: {  	_ =	shalt  }
0x83: {  	_ =	shalt  }
0x84: {  	_ =	shalt  }
0x85: {  	_ =	shalt  }
0x86: {  	_ =	shalt  }
0x87: {  	_ =	shalt  }
.Lfunc_end0:
.L_simem_size_0:
called_computation_lowered:
.L_overlay_start_0:
0x88: {  	s2 =	sld [smem:$0x3FD9]  }
0x89: {  	s3 =	sld [smem:$0x3FFE];
	_ =	sdelay $0x1  }
0x8a: {  	s1 =	srdreg.scid  }
0x8b: {  	s0 =	sand.u32 $0x1, s1  }
0x8c: {  	s17 =	sshll.u32 s0, $0xA;
	s2 =	sadd.s32 s3, s2  }
0x8d: {  	s2 =	sadd.s32 s2, s17  }
0x8e: {  	[smem:$0x3FC2] =	sst s2  }
0x8f: {  	_ = 	snop  }
0x90: {  	s2 =	sld [smem:$0x3FD0];
	(tm) =	ssettm $0x1  }
0x91: {  	s18 =	sld [smem:$0x3FFB];
	_ =	sdelay $0x3  }
0x92: {  	_ =	strace s18  }
0x93: {  	s3 =	sld [smem:$0x3FFC];
	_ =	sdelay $0x3  }
0x94: {  	_ =	strace s3  }
0x95: {  	s3 =	sld [smem:$0x3FFD];
	_ =	sdelay $0x3  }
0x96: {  	_ =	strace s3  }
0x97: {  	_ =	strace $0x8FFFFFFF  }
0x98: {  	s19 =	sld [smem:$0x3FDB];
	_ =	sdelay $0x1  }
0x99: {  	s4 =	simm.s32 $_scs_section_size  }
0x9a: {  	s5 =	simm.s32 $_size__tile_overlayer_lowered;
	s6 =	simm.s32 $_tile_overlayer_lowered  }
0x9b: {  	s22 =	simm.s32 $0x1BFF;
	s21 =	sshll.u32 s6, $0x1;
	s3 =	sadd.s32 s4, s19  }
0x9c: {  	s7 =	simm.s32 $0x0;
	s20 =	sshll.u32 s5, $0x1;
	s5 =	sadd.s32 s21, s3  }
0x9d: {  	[timem:s7], [sflag:s22] =	dma.local [hbm:s5], s20  }
0x9e: {  	_ =	swait.ge [sflag:s22], s20  }
0x9f: {  	s4 =	ssub.s32 $0x0, s20;
	[sflag:s22] =	ssyncset.done $0x0  }
0xa0: {  	[sflag:s22] =	ssyncadd.s32 s4;
	_ =	sdelay $0x1  }
0xa1: {  	s23 =	simm.s32 $0x1B8B  }
0xa2: {  	_ =	swait.ge [sflag:s23], $0x1  }
0xa3: {  	[sflag:s23] =	ssyncset.done $0x0  }
0xa4: {  	s25 =	simm.s32 $0x1B8E;
	s24 =	sld [smem:$0x3FFE];
	[sflag:s23] =	ssyncadd.s32 $0xFFFFFFFF  }
0xa5: {  	s26 =	simm.s32 $execute0_lowered;
	[smem:$0x3FD2] =	sst s25  }
0xa6: {  	s5 =	sshll.u32 s26, $0x1;
	_ =	strace $0x80000046;
	[dreg:$0x1] =	wrdreg $0xFFFFFFFF  }
0xa7: {  	s28 =	simm.s32 $_size_execute0_lowered;
	s3 =	sadd.s32 s3, s5;
	[dreg:$0x0] =	wrdreg $0x0  }
0xa8: {  	s5 =	sshll.u32 s28, $0x1;
	[dreg:$0x2] =	wrdreg s3  }
0xa9: {  	[dreg:$0x3] =	wrdreg s5  }
0xaa: {  	[dreg:$0x4] =	wrdreg $0xC0  }
0xab: {  	_ =	task [dreg:s7], $0x5FFFF  }
0xac: {  	[dreg:$0x1] =	wrdreg $0xFFFFFFFF  }
0xad: {  	[dreg:$0x0] =	wrdreg $0x60  }
0xae: {  	[dreg:$0x2] =	wrdreg s2  }
0xaf: {  	[dreg:$0x3] =	wrdreg s24  }
0xb0: {  	[dreg:$0x4] =	wrdreg $0x0  }
0xb1: {  	[dreg:$0x5] =	wrdreg $0x9  }
0xb2: {  	_ =	task.clear_ibuf [dreg:s7], $0x6FFFF;
	_ =	strace $0x90000046  }
0xb3: {  	s29 =	simm.s32 $0x9;
	_ =	strace $0x80000048  }
0xb4: {  	_ =	swait.ge [sflag:s29], $0x1  }
0xb5: {  	[sflag:s29] =	ssyncadd.s32 $0xFFFFFFFF  }
0xb6: {  	_ =	strace $0x90000048  }
0xb7: {  	_ =	sfence  }
0xb8: {  	s30 =	sld [smem:$0x0];
	_ =	sdelay $0x2  }
0xb9: {  	s31 =	sshll.u32 s1, $0xD;
	s1 =	sshrl.u32 s1, $0x2  }
0xba: {  	s3 =	sand.u32 $0x4000, s31;
	s1 =	sadd.s32 s1, s30  }
0xbb: {  	s0 =	sor.u32 s3, s0;
	s1 =	sshll.u32 s1, $0x11  }
0xbc: {  	s0 =	sor.u32 s1, s0  }
0xbd: {  	s0 =	sadd.s32 $0x8F2B, s0  }
0xbe: {  	[sflag:s0] =	ssyncadd.remote.s32 $0x1  }
0xbf: {  	_ =	sfence.sel $0xFFFF  }
0xc0: {  	[dreg:$0x0] =	wrdreg $0xFFFFFFFF;
	(pc) =	sbr.abs _section_cstart, $3  }
0xc1: {  	[dreg:$0x1] =	wrdreg $0xFFFFFFFF  }
0xc2: {  	_ =	task.clear_ibuf [dreg:s7], $0x2FFFF;
	_ =	strace $0x9FFFFFFF  }
0xc3: {  	(tm) =	ssettm $0x7FFFFFFF  }
tec
execute0_lowered:
.L_overlay_start_1:
0x0: {  	(tag) =	ssettag $0x1  }
0x1: {  	s1 =	rddreg [dreg:$0x0]  }
0x2: {  	s2 =	srdreg.scid;
	s5 =	rddreg [dreg:$0x1]  }
0x3: {  	s0 =	stileid.u32;
	s3 =	rddreg [dreg:$0x2];
	s4 =	simm.s32 $0x0  }
0x4: {  	s13 =	simm.s32 $0x1;
	s14 =	simm.s32 $0x80;
	s15 =	simm.s32 $0x6480  }
0x5: {  	s16 =	simm.s32 $0x6500;
	s17 =	simm.s32 $0x6580;
	s18 =	simm.s32 $0x6600  }
0x6: {  	s19 =	simm.s32 $0x6680;
	s20 =	simm.s32 $0x6700;
	s21 =	simm.s32 $0x6780  }
0x7: {  	s22 =	simm.s32 $0x2;
	s6 =	sand.u32 $0x1, s2;
	s2 =	rddreg [dreg:$0x3]  }
0x8: {  	s29 =	sshll.u32 s0, $0x1;
	[smem:$0x7FF] =	sst s4;
	s8 =	smul.u32 $0xC800, s0  }
0x9: {  	s31 =	sshll.u32 s0, $0x6;
	s7 =	sor.u32 s6, s29;
	s9 =	smul.u32 $0x19000, s6  }
0xa: {  	_ =	strace $0x80000047;
	s6 =	ssub.s32 $0x2, s6;
	s7 =	smul.u32 $0x3100, s7  }
0xb: {  	s23 =	sshrl.u32 s8, $0x3;
	s30 =	sshrl.u32 s6, $0x1;
	s12 =	sadd.s32 s8, s3  }
0xc: {  	s10 =	sadd.s32 s23, s5;
	s9 =	sadd.s32 s9, s5;
	s11 =	ssub.s32 s6, s30  }
0xd: {  	s6 =	sor.u32 $0x1C03, s31;
	s7 =	sadd.s32 s7, s5;
	s5 =	sadd.s32 $0x192000, s10  }
0xe: {  	s24 =	sadd.s32 $0x64000, s9;
	s8 =	smax.u32 s11, $0x1;
	s9 =	sshrl.u32 s12, $0x3  }
0xf: {  	s10 =	simm.s32 $0x3;
	s11 =	simm.s32 $0x6800;
	s12 =	simm.s32 $0x6400  }
0x10: {  	s7 =	sadd.s32 $0x2000, s7;
	s23 =	sadd.s32 s23, s24;
	s24 =	simm.s32 $0x0  }
.LBB2_1:
0x11: {  	[spmem:s9], [sflag:s6] =	dma.local [hbm:s5], $0x1900  }
0x12: {  	_ =	swait.ge [sflag:s10], $0x1900  }
0x13: {  	[sflag:s10] =	ssyncset.done $0x0  }
0x14: {  	[sflag:s10] =	ssyncadd.s32 $0xFFFFE700  }
0x15: {  	[tilespmem:s11], [sflag:$0x3] =	stream.linear.gather [hbm4b:s1+s4], $0x400, $0x38;
	[tilespmem:$0x6C00] =	vst v63  }
0x16: {  	_ =	swait.ge [sflag:s10], $0x400  }
0x17: {  	[sflag:s10] =	ssyncset.done $0x0  }
0x18: {  	[sflag:s10] =	ssyncadd.s32 $0xFFFFFC00  }
0x19: {  	s25 =	sadd.s32 $0x0, s7;
	[bflag:$0x0] =	sbarrier.arrive $0xFFFF  }
0x1a: {  	[tilespmem:s12], [sflag:$0x1] =	stream.linear.gather [hbm4b:s25+s4], $0x400, $0x38;
	[tilespmem:$0x6C00] =	vst v63  }
0x1b: {  	_ =	swait.ge [sflag:s13], $0x400  }
0x1c: {  	[sflag:s13] =	ssyncset.done $0x0  }
0x1d: {  	[sflag:s13] =	ssyncadd.s32 $0xFFFFFC00  }
0x1e: {  	[spmem:s3] =	stream.indirect.scatter.add.f32 [tilespmem:s11], [sflag:$0x2], $0x4, s12, s14, $0xb8;
	[tilespmem:$0x6C00] =	vst v63  }
0x1f: {  	_ = 	snop  }
0x20: {  	[spmem:s3] =	stream.indirect.scatter.add.f32 [tilespmem:s11], [sflag:$0x2], $0x4, s15, s14, $0xb8;
	[tilespmem:$0x6C00] =	vst v63  }
0x21: {  	_ = 	snop  }
0x22: {  	[spmem:s3] =	stream.indirect.scatter.add.f32 [tilespmem:s11], [sflag:$0x2], $0x4, s16, s14, $0xb8;
	[tilespmem:$0x6C00] =	vst v63  }
0x23: {  	_ = 	snop  }
0x24: {  	[spmem:s3] =	stream.indirect.scatter.add.f32 [tilespmem:s11], [sflag:$0x2], $0x4, s17, s14, $0xb8;
	[tilespmem:$0x6C00] =	vst v63  }
0x25: {  	_ = 	snop  }
0x26: {  	[spmem:s3] =	stream.indirect.scatter.add.f32 [tilespmem:s11], [sflag:$0x2], $0x4, s18, s14, $0xb8;
	[tilespmem:$0x6C00] =	vst v63  }
0x27: {  	_ = 	snop  }
0x28: {  	[spmem:s3] =	stream.indirect.scatter.add.f32 [tilespmem:s11], [sflag:$0x2], $0x4, s19, s14, $0xb8;
	[tilespmem:$0x6C00] =	vst v63  }
0x29: {  	_ = 	snop  }
0x2a: {  	[spmem:s3] =	stream.indirect.scatter.add.f32 [tilespmem:s11], [sflag:$0x2], $0x4, s20, s14, $0xb8;
	[tilespmem:$0x6C00] =	vst v63  }
0x2b: {  	_ = 	snop  }
0x2c: {  	[spmem:s3] =	stream.indirect.scatter.add.f32 [tilespmem:s11], [sflag:$0x2], $0x4, s21, s14, $0xb8;
	[tilespmem:$0x6C00] =	vst v63  }
0x2d: {  	_ =	swait.ge [sflag:s22], $0x200  }
0x2e: {  	[sflag:s22] =	ssyncset.done $0x0  }
0x2f: {  	[sflag:s22] =	ssyncadd.s32 $0xFFFFFE00  }
0x30: {  	_ =	swait.ge [sflag:s22], $0x200  }
0x31: {  	[sflag:s22] =	ssyncset.done $0x0  }
0x32: {  	[sflag:s22] =	ssyncadd.s32 $0xFFFFFE00  }
0x33: {  	_ =	swait.ge [sflag:s22], $0x200  }
0x34: {  	[sflag:s22] =	ssyncset.done $0x0  }
0x35: {  	[sflag:s22] =	ssyncadd.s32 $0xFFFFFE00  }
0x36: {  	_ =	swait.ge [sflag:s22], $0x200  }
0x37: {  	[sflag:s22] =	ssyncset.done $0x0  }
0x38: {  	[sflag:s22] =	ssyncadd.s32 $0xFFFFFE00  }
0x39: {  	_ =	swait.ge [sflag:s22], $0x200  }
0x3a: {  	[sflag:s22] =	ssyncset.done $0x0  }
0x3b: {  	[sflag:s22] =	ssyncadd.s32 $0xFFFFFE00  }
0x3c: {  	_ =	swait.ge [sflag:s22], $0x200  }
0x3d: {  	[sflag:s22] =	ssyncset.done $0x0  }
0x3e: {  	[sflag:s22] =	ssyncadd.s32 $0xFFFFFE00  }
0x3f: {  	_ =	swait.ge [sflag:s22], $0x200  }
0x40: {  	[sflag:s22] =	ssyncset.done $0x0  }
0x41: {  	[sflag:s22] =	ssyncadd.s32 $0xFFFFFE00  }
0x42: {  	_ =	swait.ge [sflag:s22], $0x200  }
0x43: {  	s28 =	simm.s32 $0x100;
	s25 =	simm.s32 $0x80;
	[sflag:s22] =	ssyncset.done $0x0  }
.LBB2_2:
0x44: {  	s29 =	sadd.s32 s25, s7  }
0x45: {  	[sflag:s22] =	ssyncadd.s32 $0xFFFFFE00;
	s25 =	smov.u32 s28;
	s26 =	sadd.s32 $0x80, s28  }
0x46: {  	[tilespmem:s12], [sflag:$0x1] =	stream.linear.gather [hbm4b:s29+s4], $0x400, $0x38;
	[tilespmem:$0x6C00] =	vst v63  }
0x47: {  	p0 =	sne.s32 s28, $0x3080;
	_ =	swait.ge [sflag:s13], $0x400  }
0x48: {  	[sflag:s13] =	ssyncset.done $0x0  }
0x49: {  	[sflag:s13] =	ssyncadd.s32 $0xFFFFFC00  }
0x4a: {  	[spmem:s3] =	stream.indirect.scatter.add.f32 [tilespmem:s11], [sflag:$0x2], $0x4, s12, s14, $0xb8;
	[tilespmem:$0x6C00] =	vst v63  }
0x4b: {  	_ = 	snop  }
0x4c: {  	[spmem:s3] =	stream.indirect.scatter.add.f32 [tilespmem:s11], [sflag:$0x2], $0x4, s15, s14, $0xb8;
	[tilespmem:$0x6C00] =	vst v63  }
0x4d: {  	_ = 	snop  }
0x4e: {  	[spmem:s3] =	stream.indirect.scatter.add.f32 [tilespmem:s11], [sflag:$0x2], $0x4, s16, s14, $0xb8;
	[tilespmem:$0x6C00] =	vst v63  }
0x4f: {  	_ = 	snop  }
0x50: {  	[spmem:s3] =	stream.indirect.scatter.add.f32 [tilespmem:s11], [sflag:$0x2], $0x4, s17, s14, $0xb8;
	[tilespmem:$0x6C00] =	vst v63  }
0x51: {  	_ = 	snop  }
0x52: {  	[spmem:s3] =	stream.indirect.scatter.add.f32 [tilespmem:s11], [sflag:$0x2], $0x4, s18, s14, $0xb8;
	[tilespmem:$0x6C00] =	vst v63  }
0x53: {  	_ = 	snop  }
0x54: {  	[spmem:s3] =	stream.indirect.scatter.add.f32 [tilespmem:s11], [sflag:$0x2], $0x4, s19, s14, $0xb8;
	[tilespmem:$0x6C00] =	vst v63  }
0x55: {  	_ = 	snop  }
0x56: {  	[spmem:s3] =	stream.indirect.scatter.add.f32 [tilespmem:s11], [sflag:$0x2], $0x4, s20, s14, $0xb8;
	[tilespmem:$0x6C00] =	vst v63  }
0x57: {  	_ = 	snop  }
0x58: {  	[spmem:s3] =	stream.indirect.scatter.add.f32 [tilespmem:s11], [sflag:$0x2], $0x4, s21, s14, $0xb8;
	[tilespmem:$0x6C00] =	vst v63  }
0x59: {  	_ =	swait.ge [sflag:s22], $0x200  }
0x5a: {  	[sflag:s22] =	ssyncset.done $0x0  }
0x5b: {  	[sflag:s22] =	ssyncadd.s32 $0xFFFFFE00  }
0x5c: {  	_ =	swait.ge [sflag:s22], $0x200  }
0x5d: {  	[sflag:s22] =	ssyncset.done $0x0  }
0x5e: {  	[sflag:s22] =	ssyncadd.s32 $0xFFFFFE00  }
0x5f: {  	_ =	swait.ge [sflag:s22], $0x200  }
0x60: {  	[sflag:s22] =	ssyncset.done $0x0  }
0x61: {  	[sflag:s22] =	ssyncadd.s32 $0xFFFFFE00  }
0x62: {  	_ =	swait.ge [sflag:s22], $0x200  }
0x63: {  	[sflag:s22] =	ssyncset.done $0x0  }
0x64: {  	[sflag:s22] =	ssyncadd.s32 $0xFFFFFE00  }
0x65: {  	_ =	swait.ge [sflag:s22], $0x200  }
0x66: {  	[sflag:s22] =	ssyncset.done $0x0  }
0x67: {  	[sflag:s22] =	ssyncadd.s32 $0xFFFFFE00  }
0x68: {  	_ =	swait.ge [sflag:s22], $0x200  }
0x69: {  	[sflag:s22] =	ssyncset.done $0x0  }
0x6a: {  	[sflag:s22] =	ssyncadd.s32 $0xFFFFFE00  }
.Ltmp0:
0x6b: {  	_ =	swait.ge [sflag:s22], $0x200;
	(pc) =	sbr.rel @p0 .LBB2_2-.Ltmp0, $4  }
0x6c: {  	[sflag:s22] =	ssyncset.done $0x0  }
0x6d: {  	[sflag:s22] =	ssyncadd.s32 $0xFFFFFE00  }
0x6e: {  	_ =	swait.ge [sflag:s22], $0x200  }
0x6f: {  	s28 =	smov.u32 s26;
	[sflag:s22] =	ssyncset.done $0x0  }
0x70: {  	s25 =	sadd.s32 s25, s7;
	[sflag:s22] =	ssyncadd.s32 $0xFFFFFE00  }
0x71: {  	[tilespmem:s12], [sflag:$0x1] =	stream.linear.gather [hbm4b:s25+s4], $0x400, $0x38;
	[tilespmem:$0x6C00] =	vst v63  }
0x72: {  	_ =	swait.ge [sflag:s13], $0x400  }
0x73: {  	[sflag:s13] =	ssyncset.done $0x0  }
0x74: {  	[sflag:s13] =	ssyncadd.s32 $0xFFFFFC00  }
0x75: {  	[spmem:s3] =	stream.indirect.scatter.add.f32 [tilespmem:s11], [sflag:$0x2], $0x4, s12, s14, $0xb8;
	[tilespmem:$0x6C00] =	vst v63  }
0x76: {  	_ = 	snop  }
0x77: {  	[spmem:s3] =	stream.indirect.scatter.add.f32 [tilespmem:s11], [sflag:$0x2], $0x4, s15, s14, $0xb8;
	[tilespmem:$0x6C00] =	vst v63  }
0x78: {  	_ = 	snop  }
0x79: {  	[spmem:s3] =	stream.indirect.scatter.add.f32 [tilespmem:s11], [sflag:$0x2], $0x4, s16, s14, $0xb8;
	[tilespmem:$0x6C00] =	vst v63  }
0x7a: {  	_ = 	snop  }
0x7b: {  	[spmem:s3] =	stream.indirect.scatter.add.f32 [tilespmem:s11], [sflag:$0x2], $0x4, s17, s14, $0xb8;
	[tilespmem:$0x6C00] =	vst v63  }
0x7c: {  	_ = 	snop  }
0x7d: {  	[spmem:s3] =	stream.indirect.scatter.add.f32 [tilespmem:s11], [sflag:$0x2], $0x4, s18, s14, $0xb8;
	[tilespmem:$0x6C00] =	vst v63  }
0x7e: {  	_ = 	snop  }
0x7f: {  	[spmem:s3] =	stream.indirect.scatter.add.f32 [tilespmem:s11], [sflag:$0x2], $0x4, s19, s14, $0xb8;
	[tilespmem:$0x6C00] =	vst v63  }
0x80: {  	_ = 	snop  }
0x81: {  	[spmem:s3] =	stream.indirect.scatter.add.f32 [tilespmem:s11], [sflag:$0x2], $0x4, s20, s14, $0xb8;
	[tilespmem:$0x6C00] =	vst v63  }
0x82: {  	_ = 	snop  }
0x83: {  	[spmem:s3] =	stream.indirect.scatter.add.f32 [tilespmem:s11], [sflag:$0x2], $0x4, s21, s14, $0xb8;
	[tilespmem:$0x6C00] =	vst v63  }
0x84: {  	_ =	swait.ge [sflag:s22], $0x200  }
0x85: {  	[sflag:s22] =	ssyncset.done $0x0  }
0x86: {  	[sflag:s22] =	ssyncadd.s32 $0xFFFFFE00  }
0x87: {  	_ =	swait.ge [sflag:s22], $0x200  }
0x88: {  	[sflag:s22] =	ssyncset.done $0x0  }
0x89: {  	[sflag:s22] =	ssyncadd.s32 $0xFFFFFE00  }
0x8a: {  	_ =	swait.ge [sflag:s22], $0x200  }
0x8b: {  	[sflag:s22] =	ssyncset.done $0x0  }
0x8c: {  	[sflag:s22] =	ssyncadd.s32 $0xFFFFFE00  }
0x8d: {  	_ =	swait.ge [sflag:s22], $0x200  }
0x8e: {  	[sflag:s22] =	ssyncset.done $0x0  }
0x8f: {  	[sflag:s22] =	ssyncadd.s32 $0xFFFFFE00  }
0x90: {  	_ =	swait.ge [sflag:s22], $0x200  }
0x91: {  	[sflag:s22] =	ssyncset.done $0x0  }
0x92: {  	[sflag:s22] =	ssyncadd.s32 $0xFFFFFE00  }
0x93: {  	_ =	swait.ge [sflag:s22], $0x200  }
0x94: {  	[sflag:s22] =	ssyncset.done $0x0  }
0x95: {  	[sflag:s22] =	ssyncadd.s32 $0xFFFFFE00  }
0x96: {  	_ =	swait.ge [sflag:s22], $0x200  }
0x97: {  	[sflag:s22] =	ssyncset.done $0x0  }
0x98: {  	[sflag:s22] =	ssyncadd.s32 $0xFFFFFE00  }
0x99: {  	_ =	swait.ge [sflag:s22], $0x200  }
0x9a: {  	s24 =	sadd.s32 $0x1, s24;
	[sflag:s22] =	ssyncset.done $0x0  }
0x9b: {  	p0 =	sne.s32 s24, s8;
	[sflag:s22] =	ssyncadd.s32 $0xFFFFFE00  }
.Ltmp1:
0x9c: {  	[bflag:$0x0] =	sbarrier.arrive $0xFFFF;
	(pc) =	sbr.rel @p0 .LBB2_1-.Ltmp1, $4  }
0x9d: {  	[hbm:s23], [sflag:s6] =	dma.local [spmem:s9], $0x1900  }
0x9e: {  	_ =	swait.ge [sflag:s10], $0x1900  }
0x9f: {  	[sflag:s10] =	ssyncset.done $0x0  }
0xa0: {  	[sflag:s10] =	ssyncadd.s32 $0xFFFFE700  }
0xa1: {  	_ =	sfence.sel $0x180000  }
0xa2: {  	[bflag:$0x0] =	sbarrier.arrive $0xFFFF  }
0xa3: {  	p0 =	sne.s32 s0, $0x0;
	_ =	strace $0x90000047  }
0xa4: {  	s0 =	sadd.s32 @!p0 $0x100000, s2;
	[bflag:$0x2] =	sbarrier.arrive $0xFFFF  }
0xa5: {  	[sflag:s0] =	ssyncadd.tile.s32 @!p0 $0x1;
	_ =	shalt  }
.Lfunc_end2:
_tile_overlayer_lowered:
.L_overlay_start_2:
0xa6: {  	(tag) =	ssettag $0x2  }
0xa7: {  	s0 =	rddreg [dreg:$0x0];
	s2 =	stileid.u32  }
0xa8: {  	s1 =	rddreg [dreg:$0x1];
	p0 =	sne.s32 s2, $0x0  }
0xa9: {  	s3 =	rddreg [dreg:$0x2];
	[bflag:$0x3] =	sbarrier.arrive $0xFFFF;
	s2 =	simm.s32 @!p0 $0x1C03  }
0xaa: {  	[timem:s3], [sflag:s2] =	dma.local @!p0 [hbm:s0], s1  }
0xab: {  	s0 =	simm.s32 @!p0 $0x3  }
0xac: {  	_ =	swait.ge @!p0 [sflag:s0], s1  }
0xad: {  	s1 =	ssub.s32 @!p0 $0x0, s1;
	[sflag:s0] =	ssyncset.done @!p0 $0x0  }
0xae: {  	[sflag:s0] =	ssyncadd.s32 @!p0 s1  }
0xaf: {  	[bflag:$0x3] =	sbarrier.arrive $0xFFFF  }
0xb0: {  	_ =	shalt  }

</sc_bundles>
